<compile_context>
chip_gen: v7x
topology: tpu7x:2x2x1
jax: 0.10.2.dev20260603
libtpu: 0.0.44.dev20260713+nightly
codegen_flags: <defaults>
</compile_context>

<pallas_src>
import functools

import jax
import jax.numpy as jnp
from jax import lax
from jax.experimental import pallas as pl
from jax.experimental.pallas import tpu as pltpu
from jax.experimental.pallas import tpu_sc as plsc

B = 16384
D = 128
NC = 2
NS = 16
L = 16
NW = NC * NS
BPW = B // NW
PPAD = 16
VPR = D // L
NCHUNK = 16
CH = BPW // NCHUNK
GPC = CH // L
NGRP = BPW // L


def _sc_fused(cs, params_flat, xs):
    NP = params_flat.shape[0]
    mesh = plsc.VectorSubcoreMesh(core_axis_name="c", subcore_axis_name="s")

    @functools.partial(
        pl.kernel,
        out_type=jax.ShapeDtypeStruct((B, D), jnp.float32),
        mesh=mesh,
        scratch_types=[
            pltpu.VMEM((BPW,), jnp.int32),
            pltpu.VMEM((PPAD,), jnp.float32),
            pltpu.VMEM((BPW,), jnp.float32),
            pltpu.VMEM((BPW, D), jnp.float32),
            [pltpu.SemaphoreType.DMA] * NCHUNK,
            pltpu.SemaphoreType.DMA,
            pltpu.SemaphoreType.DMA,
            pltpu.SemaphoreType.DMA,
        ],
    )
    def k(cs_hbm, p_hbm, xs_hbm, out_hbm, cs_v, p_v, g_v, x_v, sin, s_out,
          s_cs, s_p):
        wid = lax.axis_index("s") * NC + lax.axis_index("c")
        base = wid * BPW

        def in_copy(t):
            return pltpu.make_async_copy(
                xs_hbm.at[pl.ds(base + t * CH, CH)],
                x_v.at[pl.ds(t * CH, CH)],
                sin[t],
            )

        def out_grp_copy(r0):
            return pltpu.make_async_copy(
                x_v.at[pl.ds(r0, L)],
                out_hbm.at[pl.ds(base + r0, L)],
                s_out,
            )

        cs_copy = pltpu.make_async_copy(
            cs_hbm.at[pl.ds(base, BPW)], cs_v, s_cs
        )
        p_copy = pltpu.make_async_copy(p_hbm, p_v.at[pl.ds(0, NP)], s_p)
        cs_copy.start()
        p_copy.start()
        for t in range(NCHUNK):
            in_copy(t).start()
        cs_copy.wait()
        p_copy.wait()
        p_vec = p_v[...]

        def gather_body(i, carry):
            idx = cs_v[pl.ds(i * L, L)]
            g_v[pl.ds(i * L, L)] = jnp.take_along_axis(
                p_vec, idx, axis=0, mode="promise_in_bounds"
            )
            return carry

        lax.fori_loop(0, NGRP, gather_body, 0)

        def grp_body(g, carry):
            for t in range(NCHUNK):
                @pl.when(g == t * GPC)
                def _():
                    in_copy(t).wait()

            r0 = g * L
            g16 = g_v[pl.ds(r0, L)]
            for j in range(L):
                s = jnp.take_along_axis(
                    g16, jnp.full((L,), j, jnp.int32), axis=0,
                    mode="promise_in_bounds",
                )
                for c in range(VPR):
                    x_v[r0 + j, pl.ds(c * L, L)] = (
                        x_v[r0 + j, pl.ds(c * L, L)] * s
                    )

            out_grp_copy(r0).start()
            return carry

        lax.fori_loop(0, NGRP, grp_body, 0)

        pltpu.make_async_copy(
            x_v, out_hbm.at[pl.ds(base, BPW)], s_out
        ).wait()

    return k(cs, params_flat, xs)


def kernel(cs, xs, params):
    return _sc_fused(cs, params.reshape(-1), xs)

# --- scband reference (transcript-rebuilt; emitter-appended) ---
"""Pipeline reference for scband-sp-var-model-54004918779972 (READ-ONLY COPY).

The authoritative reference and input builder live on the scoring server;
editing this copy changes nothing except your own understanding.
"""

import jax, jax.numpy as jnp
import numpy as np

B = 16384
D = 128
NUM_COORDS = 1  # SpVarModel.__init__ registers exactly one coord (0) with one scalar param


def setup_inputs(seed: int = 0) -> dict:
    key = jax.random.key(seed)
    k1, k2 = jax.random.split(key)
    # cs must all be 0: coords list is [0], so coords.index(c) only succeeds for c == 0
    cs = jnp.zeros((B,), dtype=jnp.int32)
    xs = jax.random.normal(k1, (B, D), dtype=jnp.float32)
    # params: ParameterList of NUM_COORDS params, each shape (1,) -> stack into table [NUM_COORDS, 1]
    params = jax.random.normal(k2, (NUM_COORDS, 1), dtype=jnp.float32)
    return {"cs": cs, "xs": xs, "params": params}


def reference(cs, xs, params):
    # Original forward: for each (c, x): i = coords.index(c); out.append(params[i] * x); stack
    # coords == [0], so coords.index(c) == c for valid inputs (all zeros).
    # Vectorized: gather the per-coord scalar param and broadcast-multiply.
    gathered = jnp.take(params, cs, axis=0)  # [B, 1]
    out = gathered * xs                       # [B, D], == torch.stack([params[i]*x ...])
    return out

if __name__ == "__main__":
    import jax
    _d = setup_inputs()
    print(jax.jit(kernel)(*tuple(_d.values())))

</pallas_src>

<mosaic_0001>
#map = affine_map<(d0, d1) -> (0)>
#map1 = affine_map<(d0, d1) -> (0, 0)>
module attributes {stable_mosaic.version = 14 : i64} {
  func.func @k(%arg0: i32, %arg1: i32, %arg2: memref<16384xi32, #tpu.memory_space<hbm>>, %arg3: memref<1xf32, #tpu.memory_space<hbm>>, %arg4: memref<16384x128xf32, #tpu.memory_space<hbm>>, %arg5: memref<16384x128xf32, #tpu.memory_space<hbm>>, %arg6: memref<512xi32, #tpu.memory_space<vmem>>, %arg7: memref<16xf32, #tpu.memory_space<vmem>>, %arg8: memref<512xf32, #tpu.memory_space<vmem>>, %arg9: memref<512x128xf32, #tpu.memory_space<vmem>>, %arg10: memref<!tpu.dma_semaphore, #tpu.memory_space<semaphore_mem>>, %arg11: memref<!tpu.dma_semaphore, #tpu.memory_space<semaphore_mem>>, %arg12: memref<!tpu.dma_semaphore, #tpu.memory_space<semaphore_mem>>, %arg13: memref<!tpu.dma_semaphore, #tpu.memory_space<semaphore_mem>>, %arg14: memref<!tpu.dma_semaphore, #tpu.memory_space<semaphore_mem>>, %arg15: memref<!tpu.dma_semaphore, #tpu.memory_space<semaphore_mem>>, %arg16: memref<!tpu.dma_semaphore, #tpu.memory_space<semaphore_mem>>, %arg17: memref<!tpu.dma_semaphore, #tpu.memory_space<semaphore_mem>>, %arg18: memref<!tpu.dma_semaphore, #tpu.memory_space<semaphore_mem>>, %arg19: memref<!tpu.dma_semaphore, #tpu.memory_space<semaphore_mem>>, %arg20: memref<!tpu.dma_semaphore, #tpu.memory_space<semaphore_mem>>, %arg21: memref<!tpu.dma_semaphore, #tpu.memory_space<semaphore_mem>>, %arg22: memref<!tpu.dma_semaphore, #tpu.memory_space<semaphore_mem>>, %arg23: memref<!tpu.dma_semaphore, #tpu.memory_space<semaphore_mem>>, %arg24: memref<!tpu.dma_semaphore, #tpu.memory_space<semaphore_mem>>, %arg25: memref<!tpu.dma_semaphore, #tpu.memory_space<semaphore_mem>>, %arg26: memref<!tpu.dma_semaphore, #tpu.memory_space<semaphore_mem>>, %arg27: memref<!tpu.dma_semaphore, #tpu.memory_space<semaphore_mem>>, %arg28: memref<!tpu.dma_semaphore, #tpu.memory_space<semaphore_mem>>) attributes {dimension_semantics = [#tpu.dimension_semantics<core_parallel>, #tpu.dimension_semantics<subcore_parallel>], iteration_bounds = array<i64: 2, 16>, scalar_prefetch = 0 : i64, scratch_operands = 23 : i64, tpu.core_type = #tpu.core_type<sc_vector_subcore>, window_params = [{transform_indices = #map}, {transform_indices = #map}, {transform_indices = #map1}, {transform_indices = #map1}]} {
    %mul3A = arith.constant 2 : i32
    %mul3A_0 = arith.muli %arg1, %mul3A : i32
    %add3A = arith.addi %mul3A_0, %arg0 : i32
    %mul3A_1 = arith.constant 512 : i32
    %mul3A_2 = arith.muli %add3A, %mul3A_1 : i32
    %dma_start3A = tpu.memref_slice %arg2[%mul3A_2] : memref<16384xi32, #tpu.memory_space<hbm>> -> memref<512xi32, #tpu.memory_space<hbm>>
    %dma_start3A_3 = tpu.memref_slice %arg2[%mul3A_2] : memref<16384xi32, #tpu.memory_space<hbm>> -> memref<512xi32, #tpu.memory_space<hbm>>
    tpu.enqueue_dma source(%dma_start3A_3 : memref<512xi32, #tpu.memory_space<hbm>>) target(%arg6 : memref<512xi32, #tpu.memory_space<vmem>>) target_semaphore(%arg27 : memref<!tpu.dma_semaphore, #tpu.memory_space<semaphore_mem>>)
    %dma_start3A_4 = arith.constant 0 : i32
    %dma_start3A_5 = tpu.memref_slice %arg7[%dma_start3A_4] : memref<16xf32, #tpu.memory_space<vmem>> -> memref<1xf32, #tpu.memory_space<vmem>>
    %dma_start3A_6 = arith.constant 0 : i32
    %dma_start3A_7 = tpu.memref_slice %arg7[%dma_start3A_6] : memref<16xf32, #tpu.memory_space<vmem>> -> memref<1xf32, #tpu.memory_space<vmem>>
    tpu.enqueue_dma source(%arg3 : memref<1xf32, #tpu.memory_space<hbm>>) target(%dma_start3A_7 : memref<1xf32, #tpu.memory_space<vmem>>) target_semaphore(%arg28 : memref<!tpu.dma_semaphore, #tpu.memory_space<semaphore_mem>>)
    %add3A_8 = arith.constant 0 : i32
    %add3A_9 = arith.addi %mul3A_2, %add3A_8 : i32
    %dma_start3A_10 = arith.constant 0 : i32
    %dma_start3A_11 = arith.constant 0 : i32
    %dma_start3A_12 = tpu.memref_slice %arg9[%dma_start3A_10, %dma_start3A_11] : memref<512x128xf32, #tpu.memory_space<vmem>> -> memref<32x128xf32, #tpu.memory_space<vmem>>
    %dma_start3A_13 = arith.constant 0 : i32
    %dma_start3A_14 = tpu.memref_slice %arg4[%add3A_9, %dma_start3A_13] : memref<16384x128xf32, #tpu.memory_space<hbm>> -> memref<32x128xf32, #tpu.memory_space<hbm>>
    %dma_start3A_15 = arith.constant 0 : i32
    %dma_start3A_16 = arith.constant 0 : i32
    %dma_start3A_17 = tpu.memref_slice %arg9[%dma_start3A_15, %dma_start3A_16] : memref<512x128xf32, #tpu.memory_space<vmem>> -> memref<32x128xf32, #tpu.memory_space<vmem>>
    %dma_start3A_18 = arith.constant 0 : i32
    %dma_start3A_19 = tpu.memref_slice %arg4[%add3A_9, %dma_start3A_18] : memref<16384x128xf32, #tpu.memory_space<hbm>> -> memref<32x128xf32, #tpu.memory_space<hbm>>
    tpu.enqueue_dma source(%dma_start3A_19 : memref<32x128xf32, #tpu.memory_space<hbm>>) target(%dma_start3A_17 : memref<32x128xf32, #tpu.memory_space<vmem>>) target_semaphore(%arg10 : memref<!tpu.dma_semaphore, #tpu.memory_space<semaphore_mem>>)
    %add3A_20 = arith.constant 32 : i32
    %add3A_21 = arith.addi %mul3A_2, %add3A_20 : i32
    %dma_start3A_22 = arith.constant 32 : i32
    %dma_start3A_23 = arith.constant 0 : i32
    %dma_start3A_24 = tpu.memref_slice %arg9[%dma_start3A_22, %dma_start3A_23] : memref<512x128xf32, #tpu.memory_space<vmem>> -> memref<32x128xf32, #tpu.memory_space<vmem>>
    %dma_start3A_25 = arith.constant 0 : i32
    %dma_start3A_26 = tpu.memref_slice %arg4[%add3A_21, %dma_start3A_25] : memref<16384x128xf32, #tpu.memory_space<hbm>> -> memref<32x128xf32, #tpu.memory_space<hbm>>
    %dma_start3A_27 = arith.constant 32 : i32
    %dma_start3A_28 = arith.constant 0 : i32
    %dma_start3A_29 = tpu.memref_slice %arg9[%dma_start3A_27, %dma_start3A_28] : memref<512x128xf32, #tpu.memory_space<vmem>> -> memref<32x128xf32, #tpu.memory_space<vmem>>
    %dma_start3A_30 = arith.constant 0 : i32
    %dma_start3A_31 = tpu.memref_slice %arg4[%add3A_21, %dma_start3A_30] : memref<16384x128xf32, #tpu.memory_space<hbm>> -> memref<32x128xf32, #tpu.memory_space<hbm>>
    tpu.enqueue_dma source(%dma_start3A_31 : memref<32x128xf32, #tpu.memory_space<hbm>>) target(%dma_start3A_29 : memref<32x128xf32, #tpu.memory_space<vmem>>) target_semaphore(%arg11 : memref<!tpu.dma_semaphore, #tpu.memory_space<semaphore_mem>>)
    %add3A_32 = arith.constant 64 : i32
    %add3A_33 = arith.addi %mul3A_2, %add3A_32 : i32
    %dma_start3A_34 = arith.constant 64 : i32
    %dma_start3A_35 = arith.constant 0 : i32
    %dma_start3A_36 = tpu.memref_slice %arg9[%dma_start3A_34, %dma_start3A_35] : memref<512x128xf32, #tpu.memory_space<vmem>> -> memref<32x128xf32, #tpu.memory_space<vmem>>
    %dma_start3A_37 = arith.constant 0 : i32
    %dma_start3A_38 = tpu.memref_slice %arg4[%add3A_33, %dma_start3A_37] : memref<16384x128xf32, #tpu.memory_space<hbm>> -> memref<32x128xf32, #tpu.memory_space<hbm>>
    %dma_start3A_39 = arith.constant 64 : i32
    %dma_start3A_40 = arith.constant 0 : i32
    %dma_start3A_41 = tpu.memref_slice %arg9[%dma_start3A_39, %dma_start3A_40] : memref<512x128xf32, #tpu.memory_space<vmem>> -> memref<32x128xf32, #tpu.memory_space<vmem>>
    %dma_start3A_42 = arith.constant 0 : i32
    %dma_start3A_43 = tpu.memref_slice %arg4[%add3A_33, %dma_start3A_42] : memref<16384x128xf32, #tpu.memory_space<hbm>> -> memref<32x128xf32, #tpu.memory_space<hbm>>
    tpu.enqueue_dma source(%dma_start3A_43 : memref<32x128xf32, #tpu.memory_space<hbm>>) target(%dma_start3A_41 : memref<32x128xf32, #tpu.memory_space<vmem>>) target_semaphore(%arg12 : memref<!tpu.dma_semaphore, #tpu.memory_space<semaphore_mem>>)
    %add3A_44 = arith.constant 96 : i32
    %add3A_45 = arith.addi %mul3A_2, %add3A_44 : i32
    %dma_start3A_46 = arith.constant 96 : i32
    %dma_start3A_47 = arith.constant 0 : i32
    %dma_start3A_48 = tpu.memref_slice %arg9[%dma_start3A_46, %dma_start3A_47] : memref<512x128xf32, #tpu.memory_space<vmem>> -> memref<32x128xf32, #tpu.memory_space<vmem>>
    %dma_start3A_49 = arith.constant 0 : i32
    %dma_start3A_50 = tpu.memref_slice %arg4[%add3A_45, %dma_start3A_49] : memref<16384x128xf32, #tpu.memory_space<hbm>> -> memref<32x128xf32, #tpu.memory_space<hbm>>
    %dma_start3A_51 = arith.constant 96 : i32
    %dma_start3A_52 = arith.constant 0 : i32
    %dma_start3A_53 = tpu.memref_slice %arg9[%dma_start3A_51, %dma_start3A_52] : memref<512x128xf32, #tpu.memory_space<vmem>> -> memref<32x128xf32, #tpu.memory_space<vmem>>
    %dma_start3A_54 = arith.constant 0 : i32
    %dma_start3A_55 = tpu.memref_slice %arg4[%add3A_45, %dma_start3A_54] : memref<16384x128xf32, #tpu.memory_space<hbm>> -> memref<32x128xf32, #tpu.memory_space<hbm>>
    tpu.enqueue_dma source(%dma_start3A_55 : memref<32x128xf32, #tpu.memory_space<hbm>>) target(%dma_start3A_53 : memref<32x128xf32, #tpu.memory_space<vmem>>) target_semaphore(%arg13 : memref<!tpu.dma_semaphore, #tpu.memory_space<semaphore_mem>>)
    %add3A_56 = arith.constant 128 : i32
    %add3A_57 = arith.addi %mul3A_2, %add3A_56 : i32
    %dma_start3A_58 = arith.constant 128 : i32
    %dma_start3A_59 = arith.constant 0 : i32
    %dma_start3A_60 = tpu.memref_slice %arg9[%dma_start3A_58, %dma_start3A_59] : memref<512x128xf32, #tpu.memory_space<vmem>> -> memref<32x128xf32, #tpu.memory_space<vmem>>
    %dma_start3A_61 = arith.constant 0 : i32
    %dma_start3A_62 = tpu.memref_slice %arg4[%add3A_57, %dma_start3A_61] : memref<16384x128xf32, #tpu.memory_space<hbm>> -> memref<32x128xf32, #tpu.memory_space<hbm>>
    %dma_start3A_63 = arith.constant 128 : i32
    %dma_start3A_64 = arith.constant 0 : i32
    %dma_start3A_65 = tpu.memref_slice %arg9[%dma_start3A_63, %dma_start3A_64] : memref<512x128xf32, #tpu.memory_space<vmem>> -> memref<32x128xf32, #tpu.memory_space<vmem>>
    %dma_start3A_66 = arith.constant 0 : i32
    %dma_start3A_67 = tpu.memref_slice %arg4[%add3A_57, %dma_start3A_66] : memref<16384x128xf32, #tpu.memory_space<hbm>> -> memref<32x128xf32, #tpu.memory_space<hbm>>
    tpu.enqueue_dma source(%dma_start3A_67 : memref<32x128xf32, #tpu.memory_space<hbm>>) target(%dma_start3A_65 : memref<32x128xf32, #tpu.memory_space<vmem>>) target_semaphore(%arg14 : memref<!tpu.dma_semaphore, #tpu.memory_space<semaphore_mem>>)
    %add3A_68 = arith.constant 160 : i32
    %add3A_69 = arith.addi %mul3A_2, %add3A_68 : i32
    %dma_start3A_70 = arith.constant 160 : i32
    %dma_start3A_71 = arith.constant 0 : i32
    %dma_start3A_72 = tpu.memref_slice %arg9[%dma_start3A_70, %dma_start3A_71] : memref<512x128xf32, #tpu.memory_space<vmem>> -> memref<32x128xf32, #tpu.memory_space<vmem>>
    %dma_start3A_73 = arith.constant 0 : i32
    %dma_start3A_74 = tpu.memref_slice %arg4[%add3A_69, %dma_start3A_73] : memref<16384x128xf32, #tpu.memory_space<hbm>> -> memref<32x128xf32, #tpu.memory_space<hbm>>
    %dma_start3A_75 = arith.constant 160 : i32
    %dma_start3A_76 = arith.constant 0 : i32
    %dma_start3A_77 = tpu.memref_slice %arg9[%dma_start3A_75, %dma_start3A_76] : memref<512x128xf32, #tpu.memory_space<vmem>> -> memref<32x128xf32, #tpu.memory_space<vmem>>
    %dma_start3A_78 = arith.constant 0 : i32
    %dma_start3A_79 = tpu.memref_slice %arg4[%add3A_69, %dma_start3A_78] : memref<16384x128xf32, #tpu.memory_space<hbm>> -> memref<32x128xf32, #tpu.memory_space<hbm>>
    tpu.enqueue_dma source(%dma_start3A_79 : memref<32x128xf32, #tpu.memory_space<hbm>>) target(%dma_start3A_77 : memref<32x128xf32, #tpu.memory_space<vmem>>) target_semaphore(%arg15 : memref<!tpu.dma_semaphore, #tpu.memory_space<semaphore_mem>>)
    %add3A_80 = arith.constant 192 : i32
    %add3A_81 = arith.addi %mul3A_2, %add3A_80 : i32
    %dma_start3A_82 = arith.constant 192 : i32
    %dma_start3A_83 = arith.constant 0 : i32
    %dma_start3A_84 = tpu.memref_slice %arg9[%dma_start3A_82, %dma_start3A_83] : memref<512x128xf32, #tpu.memory_space<vmem>> -> memref<32x128xf32, #tpu.memory_space<vmem>>
    %dma_start3A_85 = arith.constant 0 : i32
    %dma_start3A_86 = tpu.memref_slice %arg4[%add3A_81, %dma_start3A_85] : memref<16384x128xf32, #tpu.memory_space<hbm>> -> memref<32x128xf32, #tpu.memory_space<hbm>>
    %dma_start3A_87 = arith.constant 192 : i32
    %dma_start3A_88 = arith.constant 0 : i32
    %dma_start3A_89 = tpu.memref_slice %arg9[%dma_start3A_87, %dma_start3A_88] : memref<512x128xf32, #tpu.memory_space<vmem>> -> memref<32x128xf32, #tpu.memory_space<vmem>>
    %dma_start3A_90 = arith.constant 0 : i32
    %dma_start3A_91 = tpu.memref_slice %arg4[%add3A_81, %dma_start3A_90] : memref<16384x128xf32, #tpu.memory_space<hbm>> -> memref<32x128xf32, #tpu.memory_space<hbm>>
    tpu.enqueue_dma source(%dma_start3A_91 : memref<32x128xf32, #tpu.memory_space<hbm>>) target(%dma_start3A_89 : memref<32x128xf32, #tpu.memory_space<vmem>>) target_semaphore(%arg16 : memref<!tpu.dma_semaphore, #tpu.memory_space<semaphore_mem>>)
    %add3A_92 = arith.constant 224 : i32
    %add3A_93 = arith.addi %mul3A_2, %add3A_92 : i32
    %dma_start3A_94 = arith.constant 224 : i32
    %dma_start3A_95 = arith.constant 0 : i32
    %dma_start3A_96 = tpu.memref_slice %arg9[%dma_start3A_94, %dma_start3A_95] : memref<512x128xf32, #tpu.memory_space<vmem>> -> memref<32x128xf32, #tpu.memory_space<vmem>>
    %dma_start3A_97 = arith.constant 0 : i32
    %dma_start3A_98 = tpu.memref_slice %arg4[%add3A_93, %dma_start3A_97] : memref<16384x128xf32, #tpu.memory_space<hbm>> -> memref<32x128xf32, #tpu.memory_space<hbm>>
    %dma_start3A_99 = arith.constant 224 : i32
    %dma_start3A_100 = arith.constant 0 : i32
    %dma_start3A_101 = tpu.memref_slice %arg9[%dma_start3A_99, %dma_start3A_100] : memref<512x128xf32, #tpu.memory_space<vmem>> -> memref<32x128xf32, #tpu.memory_space<vmem>>
    %dma_start3A_102 = arith.constant 0 : i32
    %dma_start3A_103 = tpu.memref_slice %arg4[%add3A_93, %dma_start3A_102] : memref<16384x128xf32, #tpu.memory_space<hbm>> -> memref<32x128xf32, #tpu.memory_space<hbm>>
    tpu.enqueue_dma source(%dma_start3A_103 : memref<32x128xf32, #tpu.memory_space<hbm>>) target(%dma_start3A_101 : memref<32x128xf32, #tpu.memory_space<vmem>>) target_semaphore(%arg17 : memref<!tpu.dma_semaphore, #tpu.memory_space<semaphore_mem>>)
    %add3A_104 = arith.constant 256 : i32
    %add3A_105 = arith.addi %mul3A_2, %add3A_104 : i32
    %dma_start3A_106 = arith.constant 256 : i32
    %dma_start3A_107 = arith.constant 0 : i32
    %dma_start3A_108 = tpu.memref_slice %arg9[%dma_start3A_106, %dma_start3A_107] : memref<512x128xf32, #tpu.memory_space<vmem>> -> memref<32x128xf32, #tpu.memory_space<vmem>>
    %dma_start3A_109 = arith.constant 0 : i32
    %dma_start3A_110 = tpu.memref_slice %arg4[%add3A_105, %dma_start3A_109] : memref<16384x128xf32, #tpu.memory_space<hbm>> -> memref<32x128xf32, #tpu.memory_space<hbm>>
    %dma_start3A_111 = arith.constant 256 : i32
    %dma_start3A_112 = arith.constant 0 : i32
    %dma_start3A_113 = tpu.memref_slice %arg9[%dma_start3A_111, %dma_start3A_112] : memref<512x128xf32, #tpu.memory_space<vmem>> -> memref<32x128xf32, #tpu.memory_space<vmem>>
    %dma_start3A_114 = arith.constant 0 : i32
    %dma_start3A_115 = tpu.memref_slice %arg4[%add3A_105, %dma_start3A_114] : memref<16384x128xf32, #tpu.memory_space<hbm>> -> memref<32x128xf32, #tpu.memory_space<hbm>>
    tpu.enqueue_dma source(%dma_start3A_115 : memref<32x128xf32, #tpu.memory_space<hbm>>) target(%dma_start3A_113 : memref<32x128xf32, #tpu.memory_space<vmem>>) target_semaphore(%arg18 : memref<!tpu.dma_semaphore, #tpu.memory_space<semaphore_mem>>)
    %add3A_116 = arith.constant 288 : i32
    %add3A_117 = arith.addi %mul3A_2, %add3A_116 : i32
    %dma_start3A_118 = arith.constant 288 : i32
    %dma_start3A_119 = arith.constant 0 : i32
    %dma_start3A_120 = tpu.memref_slice %arg9[%dma_start3A_118, %dma_start3A_119] : memref<512x128xf32, #tpu.memory_space<vmem>> -> memref<32x128xf32, #tpu.memory_space<vmem>>
    %dma_start3A_121 = arith.constant 0 : i32
    %dma_start3A_122 = tpu.memref_slice %arg4[%add3A_117, %dma_start3A_121] : memref<16384x128xf32, #tpu.memory_space<hbm>> -> memref<32x128xf32, #tpu.memory_space<hbm>>
    %dma_start3A_123 = arith.constant 288 : i32
    %dma_start3A_124 = arith.constant 0 : i32
    %dma_start3A_125 = tpu.memref_slice %arg9[%dma_start3A_123, %dma_start3A_124] : memref<512x128xf32, #tpu.memory_space<vmem>> -> memref<32x128xf32, #tpu.memory_space<vmem>>
    %dma_start3A_126 = arith.constant 0 : i32
    %dma_start3A_127 = tpu.memref_slice %arg4[%add3A_117, %dma_start3A_126] : memref<16384x128xf32, #tpu.memory_space<hbm>> -> memref<32x128xf32, #tpu.memory_space<hbm>>
    tpu.enqueue_dma source(%dma_start3A_127 : memref<32x128xf32, #tpu.memory_space<hbm>>) target(%dma_start3A_125 : memref<32x128xf32, #tpu.memory_space<vmem>>) target_semaphore(%arg19 : memref<!tpu.dma_semaphore, #tpu.memory_space<semaphore_mem>>)
    %add3A_128 = arith.constant 320 : i32
    %add3A_129 = arith.addi %mul3A_2, %add3A_128 : i32
    %dma_start3A_130 = arith.constant 320 : i32
    %dma_start3A_131 = arith.constant 0 : i32
    %dma_start3A_132 = tpu.memref_slice %arg9[%dma_start3A_130, %dma_start3A_131] : memref<512x128xf32, #tpu.memory_space<vmem>> -> memref<32x128xf32, #tpu.memory_space<vmem>>
    %dma_start3A_133 = arith.constant 0 : i32
    %dma_start3A_134 = tpu.memref_slice %arg4[%add3A_129, %dma_start3A_133] : memref<16384x128xf32, #tpu.memory_space<hbm>> -> memref<32x128xf32, #tpu.memory_space<hbm>>
    %dma_start3A_135 = arith.constant 320 : i32
    %dma_start3A_136 = arith.constant 0 : i32
    %dma_start3A_137 = tpu.memref_slice %arg9[%dma_start3A_135, %dma_start3A_136] : memref<512x128xf32, #tpu.memory_space<vmem>> -> memref<32x128xf32, #tpu.memory_space<vmem>>
    %dma_start3A_138 = arith.constant 0 : i32
    %dma_start3A_139 = tpu.memref_slice %arg4[%add3A_129, %dma_start3A_138] : memref<16384x128xf32, #tpu.memory_space<hbm>> -> memref<32x128xf32, #tpu.memory_space<hbm>>
    tpu.enqueue_dma source(%dma_start3A_139 : memref<32x128xf32, #tpu.memory_space<hbm>>) target(%dma_start3A_137 : memref<32x128xf32, #tpu.memory_space<vmem>>) target_semaphore(%arg20 : memref<!tpu.dma_semaphore, #tpu.memory_space<semaphore_mem>>)
    %add3A_140 = arith.constant 352 : i32
    %add3A_141 = arith.addi %mul3A_2, %add3A_140 : i32
    %dma_start3A_142 = arith.constant 352 : i32
    %dma_start3A_143 = arith.constant 0 : i32
    %dma_start3A_144 = tpu.memref_slice %arg9[%dma_start3A_142, %dma_start3A_143] : memref<512x128xf32, #tpu.memory_space<vmem>> -> memref<32x128xf32, #tpu.memory_space<vmem>>
    %dma_start3A_145 = arith.constant 0 : i32
    %dma_start3A_146 = tpu.memref_slice %arg4[%add3A_141, %dma_start3A_145] : memref<16384x128xf32, #tpu.memory_space<hbm>> -> memref<32x128xf32, #tpu.memory_space<hbm>>
    %dma_start3A_147 = arith.constant 352 : i32
    %dma_start3A_148 = arith.constant 0 : i32
    %dma_start3A_149 = tpu.memref_slice %arg9[%dma_start3A_147, %dma_start3A_148] : memref<512x128xf32, #tpu.memory_space<vmem>> -> memref<32x128xf32, #tpu.memory_space<vmem>>
    %dma_start3A_150 = arith.constant 0 : i32
    %dma_start3A_151 = tpu.memref_slice %arg4[%add3A_141, %dma_start3A_150] : memref<16384x128xf32, #tpu.memory_space<hbm>> -> memref<32x128xf32, #tpu.memory_space<hbm>>
    tpu.enqueue_dma source(%dma_start3A_151 : memref<32x128xf32, #tpu.memory_space<hbm>>) target(%dma_start3A_149 : memref<32x128xf32, #tpu.memory_space<vmem>>) target_semaphore(%arg21 : memref<!tpu.dma_semaphore, #tpu.memory_space<semaphore_mem>>)
    %add3A_152 = arith.constant 384 : i32
    %add3A_153 = arith.addi %mul3A_2, %add3A_152 : i32
    %dma_start3A_154 = arith.constant 384 : i32
    %dma_start3A_155 = arith.constant 0 : i32
    %dma_start3A_156 = tpu.memref_slice %arg9[%dma_start3A_154, %dma_start3A_155] : memref<512x128xf32, #tpu.memory_space<vmem>> -> memref<32x128xf32, #tpu.memory_space<vmem>>
    %dma_start3A_157 = arith.constant 0 : i32
    %dma_start3A_158 = tpu.memref_slice %arg4[%add3A_153, %dma_start3A_157] : memref<16384x128xf32, #tpu.memory_space<hbm>> -> memref<32x128xf32, #tpu.memory_space<hbm>>
    %dma_start3A_159 = arith.constant 384 : i32
    %dma_start3A_160 = arith.constant 0 : i32
    %dma_start3A_161 = tpu.memref_slice %arg9[%dma_start3A_159, %dma_start3A_160] : memref<512x128xf32, #tpu.memory_space<vmem>> -> memref<32x128xf32, #tpu.memory_space<vmem>>
    %dma_start3A_162 = arith.constant 0 : i32
    %dma_start3A_163 = tpu.memref_slice %arg4[%add3A_153, %dma_start3A_162] : memref<16384x128xf32, #tpu.memory_space<hbm>> -> memref<32x128xf32, #tpu.memory_space<hbm>>
    tpu.enqueue_dma source(%dma_start3A_163 : memref<32x128xf32, #tpu.memory_space<hbm>>) target(%dma_start3A_161 : memref<32x128xf32, #tpu.memory_space<vmem>>) target_semaphore(%arg22 : memref<!tpu.dma_semaphore, #tpu.memory_space<semaphore_mem>>)
    %add3A_164 = arith.constant 416 : i32
    %add3A_165 = arith.addi %mul3A_2, %add3A_164 : i32
    %dma_start3A_166 = arith.constant 416 : i32
    %dma_start3A_167 = arith.constant 0 : i32
    %dma_start3A_168 = tpu.memref_slice %arg9[%dma_start3A_166, %dma_start3A_167] : memref<512x128xf32, #tpu.memory_space<vmem>> -> memref<32x128xf32, #tpu.memory_space<vmem>>
    %dma_start3A_169 = arith.constant 0 : i32
    %dma_start3A_170 = tpu.memref_slice %arg4[%add3A_165, %dma_start3A_169] : memref<16384x128xf32, #tpu.memory_space<hbm>> -> memref<32x128xf32, #tpu.memory_space<hbm>>
    %dma_start3A_171 = arith.constant 416 : i32
    %dma_start3A_172 = arith.constant 0 : i32
    %dma_start3A_173 = tpu.memref_slice %arg9[%dma_start3A_171, %dma_start3A_172] : memref<512x128xf32, #tpu.memory_space<vmem>> -> memref<32x128xf32, #tpu.memory_space<vmem>>
    %dma_start3A_174 = arith.constant 0 : i32
    %dma_start3A_175 = tpu.memref_slice %arg4[%add3A_165, %dma_start3A_174] : memref<16384x128xf32, #tpu.memory_space<hbm>> -> memref<32x128xf32, #tpu.memory_space<hbm>>
    tpu.enqueue_dma source(%dma_start3A_175 : memref<32x128xf32, #tpu.memory_space<hbm>>) target(%dma_start3A_173 : memref<32x128xf32, #tpu.memory_space<vmem>>) target_semaphore(%arg23 : memref<!tpu.dma_semaphore, #tpu.memory_space<semaphore_mem>>)
    %add3A_176 = arith.constant 448 : i32
    %add3A_177 = arith.addi %mul3A_2, %add3A_176 : i32
    %dma_start3A_178 = arith.constant 448 : i32
    %dma_start3A_179 = arith.constant 0 : i32
    %dma_start3A_180 = tpu.memref_slice %arg9[%dma_start3A_178, %dma_start3A_179] : memref<512x128xf32, #tpu.memory_space<vmem>> -> memref<32x128xf32, #tpu.memory_space<vmem>>
    %dma_start3A_181 = arith.constant 0 : i32
    %dma_start3A_182 = tpu.memref_slice %arg4[%add3A_177, %dma_start3A_181] : memref<16384x128xf32, #tpu.memory_space<hbm>> -> memref<32x128xf32, #tpu.memory_space<hbm>>
    %dma_start3A_183 = arith.constant 448 : i32
    %dma_start3A_184 = arith.constant 0 : i32
    %dma_start3A_185 = tpu.memref_slice %arg9[%dma_start3A_183, %dma_start3A_184] : memref<512x128xf32, #tpu.memory_space<vmem>> -> memref<32x128xf32, #tpu.memory_space<vmem>>
    %dma_start3A_186 = arith.constant 0 : i32
    %dma_start3A_187 = tpu.memref_slice %arg4[%add3A_177, %dma_start3A_186] : memref<16384x128xf32, #tpu.memory_space<hbm>> -> memref<32x128xf32, #tpu.memory_space<hbm>>
    tpu.enqueue_dma source(%dma_start3A_187 : memref<32x128xf32, #tpu.memory_space<hbm>>) target(%dma_start3A_185 : memref<32x128xf32, #tpu.memory_space<vmem>>) target_semaphore(%arg24 : memref<!tpu.dma_semaphore, #tpu.memory_space<semaphore_mem>>)
    %add3A_188 = arith.constant 480 : i32
    %add3A_189 = arith.addi %mul3A_2, %add3A_188 : i32
    %dma_start3A_190 = arith.constant 480 : i32
    %dma_start3A_191 = arith.constant 0 : i32
    %dma_start3A_192 = tpu.memref_slice %arg9[%dma_start3A_190, %dma_start3A_191] : memref<512x128xf32, #tpu.memory_space<vmem>> -> memref<32x128xf32, #tpu.memory_space<vmem>>
    %dma_start3A_193 = arith.constant 0 : i32
    %dma_start3A_194 = tpu.memref_slice %arg4[%add3A_189, %dma_start3A_193] : memref<16384x128xf32, #tpu.memory_space<hbm>> -> memref<32x128xf32, #tpu.memory_space<hbm>>
    %dma_start3A_195 = arith.constant 480 : i32
    %dma_start3A_196 = arith.constant 0 : i32
    %dma_start3A_197 = tpu.memref_slice %arg9[%dma_start3A_195, %dma_start3A_196] : memref<512x128xf32, #tpu.memory_space<vmem>> -> memref<32x128xf32, #tpu.memory_space<vmem>>
    %dma_start3A_198 = arith.constant 0 : i32
    %dma_start3A_199 = tpu.memref_slice %arg4[%add3A_189, %dma_start3A_198] : memref<16384x128xf32, #tpu.memory_space<hbm>> -> memref<32x128xf32, #tpu.memory_space<hbm>>
    tpu.enqueue_dma source(%dma_start3A_199 : memref<32x128xf32, #tpu.memory_space<hbm>>) target(%dma_start3A_197 : memref<32x128xf32, #tpu.memory_space<vmem>>) target_semaphore(%arg25 : memref<!tpu.dma_semaphore, #tpu.memory_space<semaphore_mem>>)
    %dma_wait3A = tpu.memref_slice %arg2[%mul3A_2] : memref<16384xi32, #tpu.memory_space<hbm>> -> memref<512xi32, #tpu.memory_space<hbm>>
    %dma_wait3A_200 = tpu.memref_slice %arg2[%mul3A_2] : memref<16384xi32, #tpu.memory_space<hbm>> -> memref<512xi32, #tpu.memory_space<hbm>>
    tpu.wait_dma2 semaphore(%arg27 : memref<!tpu.dma_semaphore, #tpu.memory_space<semaphore_mem>>) src(%dma_wait3A_200 : memref<512xi32, #tpu.memory_space<hbm>>) dst(%arg6 : memref<512xi32, #tpu.memory_space<vmem>>)
    %dma_wait3A_201 = arith.constant 0 : i32
    %dma_wait3A_202 = tpu.memref_slice %arg7[%dma_wait3A_201] : memref<16xf32, #tpu.memory_space<vmem>> -> memref<1xf32, #tpu.memory_space<vmem>>
    %dma_wait3A_203 = arith.constant 0 : i32
    %dma_wait3A_204 = tpu.memref_slice %arg7[%dma_wait3A_203] : memref<16xf32, #tpu.memory_space<vmem>> -> memref<1xf32, #tpu.memory_space<vmem>>
    tpu.wait_dma2 semaphore(%arg28 : memref<!tpu.dma_semaphore, #tpu.memory_space<semaphore_mem>>) src(%arg3 : memref<1xf32, #tpu.memory_space<hbm>>) dst(%dma_wait3A_204 : memref<1xf32, #tpu.memory_space<vmem>>)
    %get3A = arith.constant 0 : index
    %get3A_205 = tpu.vector_load %arg7[%get3A] {strides = array<i32>} : memref<16xf32, #tpu.memory_space<vmem>>, vector<16xf32>,
    %get3A_206 = vector.shape_cast %get3A_205 : vector<16xf32> to vector<16xf32>
    %scan3A = arith.constant 0 : i32
    %scan3A_207 = arith.constant 0 : i32
    %scan3A_208 = arith.constant 32 : i32
    %scan3A_209 = arith.addi %scan3A_207, %scan3A_208 : i32
    %scan3A_210 = arith.constant 1 : i32
    scf.for %scan3A_222 = %scan3A_207 to %scan3A_209 step %scan3A_210  : i32 {
      %mul3A_223 = arith.constant 16 : i32
      %mul3A_224 = arith.muli %scan3A_222, %mul3A_223 : i32
      %get3A_225 = arith.index_cast %mul3A_224 : i32 to index
      %get3A_226 = tpu.vector_load %arg6[%get3A_225] {strides = array<i32>} : memref<512xi32, #tpu.memory_space<vmem>>, vector<16xi32>,
      %get3A_227 = vector.shape_cast %get3A_226 : vector<16xi32> to vector<16xi32>
      %reshape3A = vector.shape_cast %get3A_227 : vector<16xi32> to vector<16x1xi32>
      %gather3A = vector.shape_cast %reshape3A : vector<16x1xi32> to vector<16xi32>
      %gather3A_228 = tpu.dynamic_gather %get3A_206[%gather3A] in [0] : vector<16xf32>, vector<16xi32> -> vector<16xf32>
      %mul3A_229 = arith.constant 16 : i32
      %mul3A_230 = arith.muli %scan3A_222, %mul3A_229 : i32
      %swap3A = arith.index_cast %mul3A_230 : i32 to index
      %swap3A_231 = tpu.vector_load %arg8[%swap3A] {strides = array<i32>} : memref<512xf32, #tpu.memory_space<vmem>>, vector<16xf32>,
      %swap3A_232 = vector.shape_cast %swap3A_231 : vector<16xf32> to vector<16xf32>
      %swap3A_233 = vector.shape_cast %gather3A_228 : vector<16xf32> to vector<16xf32>
      tpu.vector_store %arg8[%swap3A], %swap3A_233 {strides = array<i32>} : memref<512xf32, #tpu.memory_space<vmem>>, vector<16xf32>,
    }
    %scan3A_211 = arith.constant 32 : i32
    %scan3A_212 = arith.constant 0 : i32
    %scan3A_213 = arith.constant 0 : i32
    %scan3A_214 = arith.constant 32 : i32
    %scan3A_215 = arith.addi %scan3A_213, %scan3A_214 : i32
    %scan3A_216 = arith.constant 1 : i32
    scf.for %scan3A_222 = %scan3A_213 to %scan3A_215 step %scan3A_216  : i32 {
      %eq3A = arith.constant 0 : i32
      %eq3A_223 = arith.cmpi eq, %scan3A_222, %eq3A : i32
      %convert_element_type3A = arith.extui %eq3A_223 : i1 to i32
      %cond3A = arith.constant 0 : i32
      %cond3A_224 = arith.cmpi ne, %convert_element_type3A, %cond3A : i32
      scf.if %cond3A_224 {
        %add3A_2182 = arith.constant 0 : i32
        %add3A_2183 = arith.addi %mul3A_2, %add3A_2182 : i32
        %dma_wait3A_2184 = arith.constant 0 : i32
        %dma_wait3A_2185 = arith.constant 0 : i32
        %dma_wait3A_2186 = tpu.memref_slice %arg9[%dma_wait3A_2184, %dma_wait3A_2185] : memref<512x128xf32, #tpu.memory_space<vmem>> -> memref<32x128xf32, #tpu.memory_space<vmem>>
        %dma_wait3A_2187 = arith.constant 0 : i32
        %dma_wait3A_2188 = tpu.memref_slice %arg4[%add3A_2183, %dma_wait3A_2187] : memref<16384x128xf32, #tpu.memory_space<hbm>> -> memref<32x128xf32, #tpu.memory_space<hbm>>
        %dma_wait3A_2189 = arith.constant 0 : i32
        %dma_wait3A_2190 = arith.constant 0 : i32
        %dma_wait3A_2191 = tpu.memref_slice %arg9[%dma_wait3A_2189, %dma_wait3A_2190] : memref<512x128xf32, #tpu.memory_space<vmem>> -> memref<32x128xf32, #tpu.memory_space<vmem>>
        %dma_wait3A_2192 = arith.constant 0 : i32
        %dma_wait3A_2193 = tpu.memref_slice %arg4[%add3A_2183, %dma_wait3A_2192] : memref<16384x128xf32, #tpu.memory_space<hbm>> -> memref<32x128xf32, #tpu.memory_space<hbm>>
        tpu.wait_dma2 semaphore(%arg10 : memref<!tpu.dma_semaphore, #tpu.memory_space<semaphore_mem>>) src(%dma_wait3A_2193 : memref<32x128xf32, #tpu.memory_space<hbm>>) dst(%dma_wait3A_2191 : memref<32x128xf32, #tpu.memory_space<vmem>>)
      } else {
      }
      %eq3A_225 = arith.constant 2 : i32
      %eq3A_226 = arith.cmpi eq, %scan3A_222, %eq3A_225 : i32
      %convert_element_type3A_227 = arith.extui %eq3A_226 : i1 to i32
      %cond3A_228 = arith.constant 0 : i32
      %cond3A_229 = arith.cmpi ne, %convert_element_type3A_227, %cond3A_228 : i32
      scf.if %cond3A_229 {
        %add3A_2182 = arith.constant 32 : i32
        %add3A_2183 = arith.addi %mul3A_2, %add3A_2182 : i32
        %dma_wait3A_2184 = arith.constant 32 : i32
        %dma_wait3A_2185 = arith.constant 0 : i32
        %dma_wait3A_2186 = tpu.memref_slice %arg9[%dma_wait3A_2184, %dma_wait3A_2185] : memref<512x128xf32, #tpu.memory_space<vmem>> -> memref<32x128xf32, #tpu.memory_space<vmem>>
        %dma_wait3A_2187 = arith.constant 0 : i32
        %dma_wait3A_2188 = tpu.memref_slice %arg4[%add3A_2183, %dma_wait3A_2187] : memref<16384x128xf32, #tpu.memory_space<hbm>> -> memref<32x128xf32, #tpu.memory_space<hbm>>
        %dma_wait3A_2189 = arith.constant 32 : i32
        %dma_wait3A_2190 = arith.constant 0 : i32
        %dma_wait3A_2191 = tpu.memref_slice %arg9[%dma_wait3A_2189, %dma_wait3A_2190] : memref<512x128xf32, #tpu.memory_space<vmem>> -> memref<32x128xf32, #tpu.memory_space<vmem>>
        %dma_wait3A_2192 = arith.constant 0 : i32
        %dma_wait3A_2193 = tpu.memref_slice %arg4[%add3A_2183, %dma_wait3A_2192] : memref<16384x128xf32, #tpu.memory_space<hbm>> -> memref<32x128xf32, #tpu.memory_space<hbm>>
        tpu.wait_dma2 semaphore(%arg11 : memref<!tpu.dma_semaphore, #tpu.memory_space<semaphore_mem>>) src(%dma_wait3A_2193 : memref<32x128xf32, #tpu.memory_space<hbm>>) dst(%dma_wait3A_2191 : memref<32x128xf32, #tpu.memory_space<vmem>>)
      } else {
      }
      %eq3A_230 = arith.constant 4 : i32
      %eq3A_231 = arith.cmpi eq, %scan3A_222, %eq3A_230 : i32
      %convert_element_type3A_232 = arith.extui %eq3A_231 : i1 to i32
      %cond3A_233 = arith.constant 0 : i32
      %cond3A_234 = arith.cmpi ne, %convert_element_type3A_232, %cond3A_233 : i32
      scf.if %cond3A_234 {
        %add3A_2182 = arith.constant 64 : i32
        %add3A_2183 = arith.addi %mul3A_2, %add3A_2182 : i32
        %dma_wait3A_2184 = arith.constant 64 : i32
        %dma_wait3A_2185 = arith.constant 0 : i32
        %dma_wait3A_2186 = tpu.memref_slice %arg9[%dma_wait3A_2184, %dma_wait3A_2185] : memref<512x128xf32, #tpu.memory_space<vmem>> -> memref<32x128xf32, #tpu.memory_space<vmem>>
        %dma_wait3A_2187 = arith.constant 0 : i32
        %dma_wait3A_2188 = tpu.memref_slice %arg4[%add3A_2183, %dma_wait3A_2187] : memref<16384x128xf32, #tpu.memory_space<hbm>> -> memref<32x128xf32, #tpu.memory_space<hbm>>
        %dma_wait3A_2189 = arith.constant 64 : i32
        %dma_wait3A_2190 = arith.constant 0 : i32
        %dma_wait3A_2191 = tpu.memref_slice %arg9[%dma_wait3A_2189, %dma_wait3A_2190] : memref<512x128xf32, #tpu.memory_space<vmem>> -> memref<32x128xf32, #tpu.memory_space<vmem>>
        %dma_wait3A_2192 = arith.constant 0 : i32
        %dma_wait3A_2193 = tpu.memref_slice %arg4[%add3A_2183, %dma_wait3A_2192] : memref<16384x128xf32, #tpu.memory_space<hbm>> -> memref<32x128xf32, #tpu.memory_space<hbm>>
        tpu.wait_dma2 semaphore(%arg12 : memref<!tpu.dma_semaphore, #tpu.memory_space<semaphore_mem>>) src(%dma_wait3A_2193 : memref<32x128xf32, #tpu.memory_space<hbm>>) dst(%dma_wait3A_2191 : memref<32x128xf32, #tpu.memory_space<vmem>>)
      } else {
      }
      %eq3A_235 = arith.constant 6 : i32
      %eq3A_236 = arith.cmpi eq, %scan3A_222, %eq3A_235 : i32
      %convert_element_type3A_237 = arith.extui %eq3A_236 : i1 to i32
      %cond3A_238 = arith.constant 0 : i32
      %cond3A_239 = arith.cmpi ne, %convert_element_type3A_237, %cond3A_238 : i32
      scf.if %cond3A_239 {
        %add3A_2182 = arith.constant 96 : i32
        %add3A_2183 = arith.addi %mul3A_2, %add3A_2182 : i32
        %dma_wait3A_2184 = arith.constant 96 : i32
        %dma_wait3A_2185 = arith.constant 0 : i32
        %dma_wait3A_2186 = tpu.memref_slice %arg9[%dma_wait3A_2184, %dma_wait3A_2185] : memref<512x128xf32, #tpu.memory_space<vmem>> -> memref<32x128xf32, #tpu.memory_space<vmem>>
        %dma_wait3A_2187 = arith.constant 0 : i32
        %dma_wait3A_2188 = tpu.memref_slice %arg4[%add3A_2183, %dma_wait3A_2187] : memref<16384x128xf32, #tpu.memory_space<hbm>> -> memref<32x128xf32, #tpu.memory_space<hbm>>
        %dma_wait3A_2189 = arith.constant 96 : i32
        %dma_wait3A_2190 = arith.constant 0 : i32
        %dma_wait3A_2191 = tpu.memref_slice %arg9[%dma_wait3A_2189, %dma_wait3A_2190] : memref<512x128xf32, #tpu.memory_space<vmem>> -> memref<32x128xf32, #tpu.memory_space<vmem>>
        %dma_wait3A_2192 = arith.constant 0 : i32
        %dma_wait3A_2193 = tpu.memref_slice %arg4[%add3A_2183, %dma_wait3A_2192] : memref<16384x128xf32, #tpu.memory_space<hbm>> -> memref<32x128xf32, #tpu.memory_space<hbm>>
        tpu.wait_dma2 semaphore(%arg13 : memref<!tpu.dma_semaphore, #tpu.memory_space<semaphore_mem>>) src(%dma_wait3A_2193 : memref<32x128xf32, #tpu.memory_space<hbm>>) dst(%dma_wait3A_2191 : memref<32x128xf32, #tpu.memory_space<vmem>>)
      } else {
      }
      %eq3A_240 = arith.constant 8 : i32
      %eq3A_241 = arith.cmpi eq, %scan3A_222, %eq3A_240 : i32
      %convert_element_type3A_242 = arith.extui %eq3A_241 : i1 to i32
      %cond3A_243 = arith.constant 0 : i32
      %cond3A_244 = arith.cmpi ne, %convert_element_type3A_242, %cond3A_243 : i32
      scf.if %cond3A_244 {
        %add3A_2182 = arith.constant 128 : i32
        %add3A_2183 = arith.addi %mul3A_2, %add3A_2182 : i32
        %dma_wait3A_2184 = arith.constant 128 : i32
        %dma_wait3A_2185 = arith.constant 0 : i32
        %dma_wait3A_2186 = tpu.memref_slice %arg9[%dma_wait3A_2184, %dma_wait3A_2185] : memref<512x128xf32, #tpu.memory_space<vmem>> -> memref<32x128xf32, #tpu.memory_space<vmem>>
        %dma_wait3A_2187 = arith.constant 0 : i32
        %dma_wait3A_2188 = tpu.memref_slice %arg4[%add3A_2183, %dma_wait3A_2187] : memref<16384x128xf32, #tpu.memory_space<hbm>> -> memref<32x128xf32, #tpu.memory_space<hbm>>
        %dma_wait3A_2189 = arith.constant 128 : i32
        %dma_wait3A_2190 = arith.constant 0 : i32
        %dma_wait3A_2191 = tpu.memref_slice %arg9[%dma_wait3A_2189, %dma_wait3A_2190] : memref<512x128xf32, #tpu.memory_space<vmem>> -> memref<32x128xf32, #tpu.memory_space<vmem>>
        %dma_wait3A_2192 = arith.constant 0 : i32
        %dma_wait3A_2193 = tpu.memref_slice %arg4[%add3A_2183, %dma_wait3A_2192] : memref<16384x128xf32, #tpu.memory_space<hbm>> -> memref<32x128xf32, #tpu.memory_space<hbm>>
        tpu.wait_dma2 semaphore(%arg14 : memref<!tpu.dma_semaphore, #tpu.memory_space<semaphore_mem>>) src(%dma_wait3A_2193 : memref<32x128xf32, #tpu.memory_space<hbm>>) dst(%dma_wait3A_2191 : memref<32x128xf32, #tpu.memory_space<vmem>>)
      } else {
      }
      %eq3A_245 = arith.constant 10 : i32
      %eq3A_246 = arith.cmpi eq, %scan3A_222, %eq3A_245 : i32
      %convert_element_type3A_247 = arith.extui %eq3A_246 : i1 to i32
      %cond3A_248 = arith.constant 0 : i32
      %cond3A_249 = arith.cmpi ne, %convert_element_type3A_247, %cond3A_248 : i32
      scf.if %cond3A_249 {
        %add3A_2182 = arith.constant 160 : i32
        %add3A_2183 = arith.addi %mul3A_2, %add3A_2182 : i32
        %dma_wait3A_2184 = arith.constant 160 : i32
        %dma_wait3A_2185 = arith.constant 0 : i32
        %dma_wait3A_2186 = tpu.memref_slice %arg9[%dma_wait3A_2184, %dma_wait3A_2185] : memref<512x128xf32, #tpu.memory_space<vmem>> -> memref<32x128xf32, #tpu.memory_space<vmem>>
        %dma_wait3A_2187 = arith.constant 0 : i32
        %dma_wait3A_2188 = tpu.memref_slice %arg4[%add3A_2183, %dma_wait3A_2187] : memref<16384x128xf32, #tpu.memory_space<hbm>> -> memref<32x128xf32, #tpu.memory_space<hbm>>
        %dma_wait3A_2189 = arith.constant 160 : i32
        %dma_wait3A_2190 = arith.constant 0 : i32
        %dma_wait3A_2191 = tpu.memref_slice %arg9[%dma_wait3A_2189, %dma_wait3A_2190] : memref<512x128xf32, #tpu.memory_space<vmem>> -> memref<32x128xf32, #tpu.memory_space<vmem>>
        %dma_wait3A_2192 = arith.constant 0 : i32
        %dma_wait3A_2193 = tpu.memref_slice %arg4[%add3A_2183, %dma_wait3A_2192] : memref<16384x128xf32, #tpu.memory_space<hbm>> -> memref<32x128xf32, #tpu.memory_space<hbm>>
        tpu.wait_dma2 semaphore(%arg15 : memref<!tpu.dma_semaphore, #tpu.memory_space<semaphore_mem>>) src(%dma_wait3A_2193 : memref<32x128xf32, #tpu.memory_space<hbm>>) dst(%dma_wait3A_2191 : memref<32x128xf32, #tpu.memory_space<vmem>>)
      } else {
      }
      %eq3A_250 = arith.constant 12 : i32
      %eq3A_251 = arith.cmpi eq, %scan3A_222, %eq3A_250 : i32
      %convert_element_type3A_252 = arith.extui %eq3A_251 : i1 to i32
      %cond3A_253 = arith.constant 0 : i32
      %cond3A_254 = arith.cmpi ne, %convert_element_type3A_252, %cond3A_253 : i32
      scf.if %cond3A_254 {
        %add3A_2182 = arith.constant 192 : i32
        %add3A_2183 = arith.addi %mul3A_2, %add3A_2182 : i32
        %dma_wait3A_2184 = arith.constant 192 : i32
        %dma_wait3A_2185 = arith.constant 0 : i32
        %dma_wait3A_2186 = tpu.memref_slice %arg9[%dma_wait3A_2184, %dma_wait3A_2185] : memref<512x128xf32, #tpu.memory_space<vmem>> -> memref<32x128xf32, #tpu.memory_space<vmem>>
        %dma_wait3A_2187 = arith.constant 0 : i32
        %dma_wait3A_2188 = tpu.memref_slice %arg4[%add3A_2183, %dma_wait3A_2187] : memref<16384x128xf32, #tpu.memory_space<hbm>> -> memref<32x128xf32, #tpu.memory_space<hbm>>
        %dma_wait3A_2189 = arith.constant 192 : i32
        %dma_wait3A_2190 = arith.constant 0 : i32
        %dma_wait3A_2191 = tpu.memref_slice %arg9[%dma_wait3A_2189, %dma_wait3A_2190] : memref<512x128xf32, #tpu.memory_space<vmem>> -> memref<32x128xf32, #tpu.memory_space<vmem>>
        %dma_wait3A_2192 = arith.constant 0 : i32
        %dma_wait3A_2193 = tpu.memref_slice %arg4[%add3A_2183, %dma_wait3A_2192] : memref<16384x128xf32, #tpu.memory_space<hbm>> -> memref<32x128xf32, #tpu.memory_space<hbm>>
        tpu.wait_dma2 semaphore(%arg16 : memref<!tpu.dma_semaphore, #tpu.memory_space<semaphore_mem>>) src(%dma_wait3A_2193 : memref<32x128xf32, #tpu.memory_space<hbm>>) dst(%dma_wait3A_2191 : memref<32x128xf32, #tpu.memory_space<vmem>>)
      } else {
      }
      %eq3A_255 = arith.constant 14 : i32
      %eq3A_256 = arith.cmpi eq, %scan3A_222, %eq3A_255 : i32
      %convert_element_type3A_257 = arith.extui %eq3A_256 : i1 to i32
      %cond3A_258 = arith.constant 0 : i32
      %cond3A_259 = arith.cmpi ne, %convert_element_type3A_257, %cond3A_258 : i32
      scf.if %cond3A_259 {
        %add3A_2182 = arith.constant 224 : i32
        %add3A_2183 = arith.addi %mul3A_2, %add3A_2182 : i32
        %dma_wait3A_2184 = arith.constant 224 : i32
        %dma_wait3A_2185 = arith.constant 0 : i32
        %dma_wait3A_2186 = tpu.memref_slice %arg9[%dma_wait3A_2184, %dma_wait3A_2185] : memref<512x128xf32, #tpu.memory_space<vmem>> -> memref<32x128xf32, #tpu.memory_space<vmem>>
        %dma_wait3A_2187 = arith.constant 0 : i32
        %dma_wait3A_2188 = tpu.memref_slice %arg4[%add3A_2183, %dma_wait3A_2187] : memref<16384x128xf32, #tpu.memory_space<hbm>> -> memref<32x128xf32, #tpu.memory_space<hbm>>
        %dma_wait3A_2189 = arith.constant 224 : i32
        %dma_wait3A_2190 = arith.constant 0 : i32
        %dma_wait3A_2191 = tpu.memref_slice %arg9[%dma_wait3A_2189, %dma_wait3A_2190] : memref<512x128xf32, #tpu.memory_space<vmem>> -> memref<32x128xf32, #tpu.memory_space<vmem>>
        %dma_wait3A_2192 = arith.constant 0 : i32
        %dma_wait3A_2193 = tpu.memref_slice %arg4[%add3A_2183, %dma_wait3A_2192] : memref<16384x128xf32, #tpu.memory_space<hbm>> -> memref<32x128xf32, #tpu.memory_space<hbm>>
        tpu.wait_dma2 semaphore(%arg17 : memref<!tpu.dma_semaphore, #tpu.memory_space<semaphore_mem>>) src(%dma_wait3A_2193 : memref<32x128xf32, #tpu.memory_space<hbm>>) dst(%dma_wait3A_2191 : memref<32x128xf32, #tpu.memory_space<vmem>>)
      } else {
      }
      %eq3A_260 = arith.constant 16 : i32
      %eq3A_261 = arith.cmpi eq, %scan3A_222, %eq3A_260 : i32
      %convert_element_type3A_262 = arith.extui %eq3A_261 : i1 to i32
      %cond3A_263 = arith.constant 0 : i32
      %cond3A_264 = arith.cmpi ne, %convert_element_type3A_262, %cond3A_263 : i32
      scf.if %cond3A_264 {
        %add3A_2182 = arith.constant 256 : i32
        %add3A_2183 = arith.addi %mul3A_2, %add3A_2182 : i32
        %dma_wait3A_2184 = arith.constant 256 : i32
        %dma_wait3A_2185 = arith.constant 0 : i32
        %dma_wait3A_2186 = tpu.memref_slice %arg9[%dma_wait3A_2184, %dma_wait3A_2185] : memref<512x128xf32, #tpu.memory_space<vmem>> -> memref<32x128xf32, #tpu.memory_space<vmem>>
        %dma_wait3A_2187 = arith.constant 0 : i32
        %dma_wait3A_2188 = tpu.memref_slice %arg4[%add3A_2183, %dma_wait3A_2187] : memref<16384x128xf32, #tpu.memory_space<hbm>> -> memref<32x128xf32, #tpu.memory_space<hbm>>
        %dma_wait3A_2189 = arith.constant 256 : i32
        %dma_wait3A_2190 = arith.constant 0 : i32
        %dma_wait3A_2191 = tpu.memref_slice %arg9[%dma_wait3A_2189, %dma_wait3A_2190] : memref<512x128xf32, #tpu.memory_space<vmem>> -> memref<32x128xf32, #tpu.memory_space<vmem>>
        %dma_wait3A_2192 = arith.constant 0 : i32
        %dma_wait3A_2193 = tpu.memref_slice %arg4[%add3A_2183, %dma_wait3A_2192] : memref<16384x128xf32, #tpu.memory_space<hbm>> -> memref<32x128xf32, #tpu.memory_space<hbm>>
        tpu.wait_dma2 semaphore(%arg18 : memref<!tpu.dma_semaphore, #tpu.memory_space<semaphore_mem>>) src(%dma_wait3A_2193 : memref<32x128xf32, #tpu.memory_space<hbm>>) dst(%dma_wait3A_2191 : memref<32x128xf32, #tpu.memory_space<vmem>>)
      } else {
      }
      %eq3A_265 = arith.constant 18 : i32
      %eq3A_266 = arith.cmpi eq, %scan3A_222, %eq3A_265 : i32
      %convert_element_type3A_267 = arith.extui %eq3A_266 : i1 to i32
      %cond3A_268 = arith.constant 0 : i32
      %cond3A_269 = arith.cmpi ne, %convert_element_type3A_267, %cond3A_268 : i32
      scf.if %cond3A_269 {
        %add3A_2182 = arith.constant 288 : i32
        %add3A_2183 = arith.addi %mul3A_2, %add3A_2182 : i32
        %dma_wait3A_2184 = arith.constant 288 : i32
        %dma_wait3A_2185 = arith.constant 0 : i32
        %dma_wait3A_2186 = tpu.memref_slice %arg9[%dma_wait3A_2184, %dma_wait3A_2185] : memref<512x128xf32, #tpu.memory_space<vmem>> -> memref<32x128xf32, #tpu.memory_space<vmem>>
        %dma_wait3A_2187 = arith.constant 0 : i32
        %dma_wait3A_2188 = tpu.memref_slice %arg4[%add3A_2183, %dma_wait3A_2187] : memref<16384x128xf32, #tpu.memory_space<hbm>> -> memref<32x128xf32, #tpu.memory_space<hbm>>
        %dma_wait3A_2189 = arith.constant 288 : i32
        %dma_wait3A_2190 = arith.constant 0 : i32
        %dma_wait3A_2191 = tpu.memref_slice %arg9[%dma_wait3A_2189, %dma_wait3A_2190] : memref<512x128xf32, #tpu.memory_space<vmem>> -> memref<32x128xf32, #tpu.memory_space<vmem>>
        %dma_wait3A_2192 = arith.constant 0 : i32
        %dma_wait3A_2193 = tpu.memref_slice %arg4[%add3A_2183, %dma_wait3A_2192] : memref<16384x128xf32, #tpu.memory_space<hbm>> -> memref<32x128xf32, #tpu.memory_space<hbm>>
        tpu.wait_dma2 semaphore(%arg19 : memref<!tpu.dma_semaphore, #tpu.memory_space<semaphore_mem>>) src(%dma_wait3A_2193 : memref<32x128xf32, #tpu.memory_space<hbm>>) dst(%dma_wait3A_2191 : memref<32x128xf32, #tpu.memory_space<vmem>>)
      } else {
      }
      %eq3A_270 = arith.constant 20 : i32
      %eq3A_271 = arith.cmpi eq, %scan3A_222, %eq3A_270 : i32
      %convert_element_type3A_272 = arith.extui %eq3A_271 : i1 to i32
      %cond3A_273 = arith.constant 0 : i32
      %cond3A_274 = arith.cmpi ne, %convert_element_type3A_272, %cond3A_273 : i32
      scf.if %cond3A_274 {
        %add3A_2182 = arith.constant 320 : i32
        %add3A_2183 = arith.addi %mul3A_2, %add3A_2182 : i32
        %dma_wait3A_2184 = arith.constant 320 : i32
        %dma_wait3A_2185 = arith.constant 0 : i32
        %dma_wait3A_2186 = tpu.memref_slice %arg9[%dma_wait3A_2184, %dma_wait3A_2185] : memref<512x128xf32, #tpu.memory_space<vmem>> -> memref<32x128xf32, #tpu.memory_space<vmem>>
        %dma_wait3A_2187 = arith.constant 0 : i32
        %dma_wait3A_2188 = tpu.memref_slice %arg4[%add3A_2183, %dma_wait3A_2187] : memref<16384x128xf32, #tpu.memory_space<hbm>> -> memref<32x128xf32, #tpu.memory_space<hbm>>
        %dma_wait3A_2189 = arith.constant 320 : i32
        %dma_wait3A_2190 = arith.constant 0 : i32
        %dma_wait3A_2191 = tpu.memref_slice %arg9[%dma_wait3A_2189, %dma_wait3A_2190] : memref<512x128xf32, #tpu.memory_space<vmem>> -> memref<32x128xf32, #tpu.memory_space<vmem>>
        %dma_wait3A_2192 = arith.constant 0 : i32
        %dma_wait3A_2193 = tpu.memref_slice %arg4[%add3A_2183, %dma_wait3A_2192] : memref<16384x128xf32, #tpu.memory_space<hbm>> -> memref<32x128xf32, #tpu.memory_space<hbm>>
        tpu.wait_dma2 semaphore(%arg20 : memref<!tpu.dma_semaphore, #tpu.memory_space<semaphore_mem>>) src(%dma_wait3A_2193 : memref<32x128xf32, #tpu.memory_space<hbm>>) dst(%dma_wait3A_2191 : memref<32x128xf32, #tpu.memory_space<vmem>>)
      } else {
      }
      %eq3A_275 = arith.constant 22 : i32
      %eq3A_276 = arith.cmpi eq, %scan3A_222, %eq3A_275 : i32
      %convert_element_type3A_277 = arith.extui %eq3A_276 : i1 to i32
      %cond3A_278 = arith.constant 0 : i32
      %cond3A_279 = arith.cmpi ne, %convert_element_type3A_277, %cond3A_278 : i32
      scf.if %cond3A_279 {
        %add3A_2182 = arith.constant 352 : i32
        %add3A_2183 = arith.addi %mul3A_2, %add3A_2182 : i32
        %dma_wait3A_2184 = arith.constant 352 : i32
        %dma_wait3A_2185 = arith.constant 0 : i32
        %dma_wait3A_2186 = tpu.memref_slice %arg9[%dma_wait3A_2184, %dma_wait3A_2185] : memref<512x128xf32, #tpu.memory_space<vmem>> -> memref<32x128xf32, #tpu.memory_space<vmem>>
        %dma_wait3A_2187 = arith.constant 0 : i32
        %dma_wait3A_2188 = tpu.memref_slice %arg4[%add3A_2183, %dma_wait3A_2187] : memref<16384x128xf32, #tpu.memory_space<hbm>> -> memref<32x128xf32, #tpu.memory_space<hbm>>
        %dma_wait3A_2189 = arith.constant 352 : i32
        %dma_wait3A_2190 = arith.constant 0 : i32
        %dma_wait3A_2191 = tpu.memref_slice %arg9[%dma_wait3A_2189, %dma_wait3A_2190] : memref<512x128xf32, #tpu.memory_space<vmem>> -> memref<32x128xf32, #tpu.memory_space<vmem>>
        %dma_wait3A_2192 = arith.constant 0 : i32
        %dma_wait3A_2193 = tpu.memref_slice %arg4[%add3A_2183, %dma_wait3A_2192] : memref<16384x128xf32, #tpu.memory_space<hbm>> -> memref<32x128xf32, #tpu.memory_space<hbm>>
        tpu.wait_dma2 semaphore(%arg21 : memref<!tpu.dma_semaphore, #tpu.memory_space<semaphore_mem>>) src(%dma_wait3A_2193 : memref<32x128xf32, #tpu.memory_space<hbm>>) dst(%dma_wait3A_2191 : memref<32x128xf32, #tpu.memory_space<vmem>>)
      } else {
      }
      %eq3A_280 = arith.constant 24 : i32
      %eq3A_281 = arith.cmpi eq, %scan3A_222, %eq3A_280 : i32
      %convert_element_type3A_282 = arith.extui %eq3A_281 : i1 to i32
      %cond3A_283 = arith.constant 0 : i32
      %cond3A_284 = arith.cmpi ne, %convert_element_type3A_282, %cond3A_283 : i32
      scf.if %cond3A_284 {
        %add3A_2182 = arith.constant 384 : i32
        %add3A_2183 = arith.addi %mul3A_2, %add3A_2182 : i32
        %dma_wait3A_2184 = arith.constant 384 : i32
        %dma_wait3A_2185 = arith.constant 0 : i32
        %dma_wait3A_2186 = tpu.memref_slice %arg9[%dma_wait3A_2184, %dma_wait3A_2185] : memref<512x128xf32, #tpu.memory_space<vmem>> -> memref<32x128xf32, #tpu.memory_space<vmem>>
        %dma_wait3A_2187 = arith.constant 0 : i32
        %dma_wait3A_2188 = tpu.memref_slice %arg4[%add3A_2183, %dma_wait3A_2187] : memref<16384x128xf32, #tpu.memory_space<hbm>> -> memref<32x128xf32, #tpu.memory_space<hbm>>
        %dma_wait3A_2189 = arith.constant 384 : i32
        %dma_wait3A_2190 = arith.constant 0 : i32
        %dma_wait3A_2191 = tpu.memref_slice %arg9[%dma_wait3A_2189, %dma_wait3A_2190] : memref<512x128xf32, #tpu.memory_space<vmem>> -> memref<32x128xf32, #tpu.memory_space<vmem>>
        %dma_wait3A_2192 = arith.constant 0 : i32
        %dma_wait3A_2193 = tpu.memref_slice %arg4[%add3A_2183, %dma_wait3A_2192] : memref<16384x128xf32, #tpu.memory_space<hbm>> -> memref<32x128xf32, #tpu.memory_space<hbm>>
        tpu.wait_dma2 semaphore(%arg22 : memref<!tpu.dma_semaphore, #tpu.memory_space<semaphore_mem>>) src(%dma_wait3A_2193 : memref<32x128xf32, #tpu.memory_space<hbm>>) dst(%dma_wait3A_2191 : memref<32x128xf32, #tpu.memory_space<vmem>>)
      } else {
      }
      %eq3A_285 = arith.constant 26 : i32
      %eq3A_286 = arith.cmpi eq, %scan3A_222, %eq3A_285 : i32
      %convert_element_type3A_287 = arith.extui %eq3A_286 : i1 to i32
      %cond3A_288 = arith.constant 0 : i32
      %cond3A_289 = arith.cmpi ne, %convert_element_type3A_287, %cond3A_288 : i32
      scf.if %cond3A_289 {
        %add3A_2182 = arith.constant 416 : i32
        %add3A_2183 = arith.addi %mul3A_2, %add3A_2182 : i32
        %dma_wait3A_2184 = arith.constant 416 : i32
        %dma_wait3A_2185 = arith.constant 0 : i32
        %dma_wait3A_2186 = tpu.memref_slice %arg9[%dma_wait3A_2184, %dma_wait3A_2185] : memref<512x128xf32, #tpu.memory_space<vmem>> -> memref<32x128xf32, #tpu.memory_space<vmem>>
        %dma_wait3A_2187 = arith.constant 0 : i32
        %dma_wait3A_2188 = tpu.memref_slice %arg4[%add3A_2183, %dma_wait3A_2187] : memref<16384x128xf32, #tpu.memory_space<hbm>> -> memref<32x128xf32, #tpu.memory_space<hbm>>
        %dma_wait3A_2189 = arith.constant 416 : i32
        %dma_wait3A_2190 = arith.constant 0 : i32
        %dma_wait3A_2191 = tpu.memref_slice %arg9[%dma_wait3A_2189, %dma_wait3A_2190] : memref<512x128xf32, #tpu.memory_space<vmem>> -> memref<32x128xf32, #tpu.memory_space<vmem>>
        %dma_wait3A_2192 = arith.constant 0 : i32
        %dma_wait3A_2193 = tpu.memref_slice %arg4[%add3A_2183, %dma_wait3A_2192] : memref<16384x128xf32, #tpu.memory_space<hbm>> -> memref<32x128xf32, #tpu.memory_space<hbm>>
        tpu.wait_dma2 semaphore(%arg23 : memref<!tpu.dma_semaphore, #tpu.memory_space<semaphore_mem>>) src(%dma_wait3A_2193 : memref<32x128xf32, #tpu.memory_space<hbm>>) dst(%dma_wait3A_2191 : memref<32x128xf32, #tpu.memory_space<vmem>>)
      } else {
      }
      %eq3A_290 = arith.constant 28 : i32
      %eq3A_291 = arith.cmpi eq, %scan3A_222, %eq3A_290 : i32
      %convert_element_type3A_292 = arith.extui %eq3A_291 : i1 to i32
      %cond3A_293 = arith.constant 0 : i32
      %cond3A_294 = arith.cmpi ne, %convert_element_type3A_292, %cond3A_293 : i32
      scf.if %cond3A_294 {
        %add3A_2182 = arith.constant 448 : i32
        %add3A_2183 = arith.addi %mul3A_2, %add3A_2182 : i32
        %dma_wait3A_2184 = arith.constant 448 : i32
        %dma_wait3A_2185 = arith.constant 0 : i32
        %dma_wait3A_2186 = tpu.memref_slice %arg9[%dma_wait3A_2184, %dma_wait3A_2185] : memref<512x128xf32, #tpu.memory_space<vmem>> -> memref<32x128xf32, #tpu.memory_space<vmem>>
        %dma_wait3A_2187 = arith.constant 0 : i32
        %dma_wait3A_2188 = tpu.memref_slice %arg4[%add3A_2183, %dma_wait3A_2187] : memref<16384x128xf32, #tpu.memory_space<hbm>> -> memref<32x128xf32, #tpu.memory_space<hbm>>
        %dma_wait3A_2189 = arith.constant 448 : i32
        %dma_wait3A_2190 = arith.constant 0 : i32
        %dma_wait3A_2191 = tpu.memref_slice %arg9[%dma_wait3A_2189, %dma_wait3A_2190] : memref<512x128xf32, #tpu.memory_space<vmem>> -> memref<32x128xf32, #tpu.memory_space<vmem>>
        %dma_wait3A_2192 = arith.constant 0 : i32
        %dma_wait3A_2193 = tpu.memref_slice %arg4[%add3A_2183, %dma_wait3A_2192] : memref<16384x128xf32, #tpu.memory_space<hbm>> -> memref<32x128xf32, #tpu.memory_space<hbm>>
        tpu.wait_dma2 semaphore(%arg24 : memref<!tpu.dma_semaphore, #tpu.memory_space<semaphore_mem>>) src(%dma_wait3A_2193 : memref<32x128xf32, #tpu.memory_space<hbm>>) dst(%dma_wait3A_2191 : memref<32x128xf32, #tpu.memory_space<vmem>>)
      } else {
      }
      %eq3A_295 = arith.constant 30 : i32
      %eq3A_296 = arith.cmpi eq, %scan3A_222, %eq3A_295 : i32
      %convert_element_type3A_297 = arith.extui %eq3A_296 : i1 to i32
      %cond3A_298 = arith.constant 0 : i32
      %cond3A_299 = arith.cmpi ne, %convert_element_type3A_297, %cond3A_298 : i32
      scf.if %cond3A_299 {
        %add3A_2182 = arith.constant 480 : i32
        %add3A_2183 = arith.addi %mul3A_2, %add3A_2182 : i32
        %dma_wait3A_2184 = arith.constant 480 : i32
        %dma_wait3A_2185 = arith.constant 0 : i32
        %dma_wait3A_2186 = tpu.memref_slice %arg9[%dma_wait3A_2184, %dma_wait3A_2185] : memref<512x128xf32, #tpu.memory_space<vmem>> -> memref<32x128xf32, #tpu.memory_space<vmem>>
        %dma_wait3A_2187 = arith.constant 0 : i32
        %dma_wait3A_2188 = tpu.memref_slice %arg4[%add3A_2183, %dma_wait3A_2187] : memref<16384x128xf32, #tpu.memory_space<hbm>> -> memref<32x128xf32, #tpu.memory_space<hbm>>
        %dma_wait3A_2189 = arith.constant 480 : i32
        %dma_wait3A_2190 = arith.constant 0 : i32
        %dma_wait3A_2191 = tpu.memref_slice %arg9[%dma_wait3A_2189, %dma_wait3A_2190] : memref<512x128xf32, #tpu.memory_space<vmem>> -> memref<32x128xf32, #tpu.memory_space<vmem>>
        %dma_wait3A_2192 = arith.constant 0 : i32
        %dma_wait3A_2193 = tpu.memref_slice %arg4[%add3A_2183, %dma_wait3A_2192] : memref<16384x128xf32, #tpu.memory_space<hbm>> -> memref<32x128xf32, #tpu.memory_space<hbm>>
        tpu.wait_dma2 semaphore(%arg25 : memref<!tpu.dma_semaphore, #tpu.memory_space<semaphore_mem>>) src(%dma_wait3A_2193 : memref<32x128xf32, #tpu.memory_space<hbm>>) dst(%dma_wait3A_2191 : memref<32x128xf32, #tpu.memory_space<vmem>>)
      } else {
      }
      %mul3A_300 = arith.constant 16 : i32
      %mul3A_301 = arith.muli %scan3A_222, %mul3A_300 : i32
      %get3A_302 = arith.index_cast %mul3A_301 : i32 to index
      %get3A_303 = tpu.vector_load %arg8[%get3A_302] {strides = array<i32>} : memref<512xf32, #tpu.memory_space<vmem>>, vector<16xf32>,
      %get3A_304 = vector.shape_cast %get3A_303 : vector<16xf32> to vector<16xf32>
      %broadcast_in_dim3A = arith.constant 0 : i32
      %broadcast_in_dim3A_305 = vector.broadcast %broadcast_in_dim3A : i32 to vector<16xi32>
      %reshape3A = vector.shape_cast %broadcast_in_dim3A_305 : vector<16xi32> to vector<16x1xi32>
      %gather3A = vector.shape_cast %reshape3A : vector<16x1xi32> to vector<16xi32>
      %gather3A_306 = tpu.dynamic_gather %get3A_304[%gather3A] in [0] : vector<16xf32>, vector<16xi32> -> vector<16xf32>
      %add3A_307 = arith.constant 0 : i32
      %add3A_308 = arith.addi %mul3A_301, %add3A_307 : i32
      %get3A_309 = arith.index_cast %add3A_308 : i32 to index
      %get3A_310 = arith.constant 0 : index
      %get3A_311 = tpu.vector_load %arg9[%get3A_309, %get3A_310] {strides = array<i32>} : memref<512x128xf32, #tpu.memory_space<vmem>>, vector<1x16xf32>,
      %get3A_312 = vector.shape_cast %get3A_311 : vector<1x16xf32> to vector<16xf32>
      %mul3A_313 = arith.mulf %get3A_312, %gather3A_306 : vector<16xf32>
      %add3A_314 = arith.constant 0 : i32
      %add3A_315 = arith.addi %mul3A_301, %add3A_314 : i32
      %swap3A = arith.index_cast %add3A_315 : i32 to index
      %swap3A_316 = arith.constant 0 : index
      %swap3A_317 = tpu.vector_load %arg9[%swap3A, %swap3A_316] {strides = array<i32>} : memref<512x128xf32, #tpu.memory_space<vmem>>, vector<1x16xf32>,
      %swap3A_318 = vector.shape_cast %swap3A_317 : vector<1x16xf32> to vector<16xf32>
      %swap3A_319 = vector.shape_cast %mul3A_313 : vector<16xf32> to vector<1x16xf32>
      tpu.vector_store %arg9[%swap3A, %swap3A_316], %swap3A_319 {strides = array<i32>} : memref<512x128xf32, #tpu.memory_space<vmem>>, vector<1x16xf32>,
      %add3A_320 = arith.constant 0 : i32
      %add3A_321 = arith.addi %mul3A_301, %add3A_320 : i32
      %get3A_322 = arith.index_cast %add3A_321 : i32 to index
      %get3A_323 = arith.constant 16 : index
      %get3A_324 = tpu.vector_load %arg9[%get3A_322, %get3A_323] {strides = array<i32>} : memref<512x128xf32, #tpu.memory_space<vmem>>, vector<1x16xf32>,
      %get3A_325 = vector.shape_cast %get3A_324 : vector<1x16xf32> to vector<16xf32>
      %mul3A_326 = arith.mulf %get3A_325, %gather3A_306 : vector<16xf32>
      %add3A_327 = arith.constant 0 : i32
      %add3A_328 = arith.addi %mul3A_301, %add3A_327 : i32
      %swap3A_329 = arith.index_cast %add3A_328 : i32 to index
      %swap3A_330 = arith.constant 16 : index
      %swap3A_331 = tpu.vector_load %arg9[%swap3A_329, %swap3A_330] {strides = array<i32>} : memref<512x128xf32, #tpu.memory_space<vmem>>, vector<1x16xf32>,
      %swap3A_332 = vector.shape_cast %swap3A_331 : vector<1x16xf32> to vector<16xf32>
      %swap3A_333 = vector.shape_cast %mul3A_326 : vector<16xf32> to vector<1x16xf32>
      tpu.vector_store %arg9[%swap3A_329, %swap3A_330], %swap3A_333 {strides = array<i32>} : memref<512x128xf32, #tpu.memory_space<vmem>>, vector<1x16xf32>,
      %add3A_334 = arith.constant 0 : i32
      %add3A_335 = arith.addi %mul3A_301, %add3A_334 : i32
      %get3A_336 = arith.index_cast %add3A_335 : i32 to index
      %get3A_337 = arith.constant 32 : index
      %get3A_338 = tpu.vector_load %arg9[%get3A_336, %get3A_337] {strides = array<i32>} : memref<512x128xf32, #tpu.memory_space<vmem>>, vector<1x16xf32>,
      %get3A_339 = vector.shape_cast %get3A_338 : vector<1x16xf32> to vector<16xf32>
      %mul3A_340 = arith.mulf %get3A_339, %gather3A_306 : vector<16xf32>
      %add3A_341 = arith.constant 0 : i32
      %add3A_342 = arith.addi %mul3A_301, %add3A_341 : i32
      %swap3A_343 = arith.index_cast %add3A_342 : i32 to index
      %swap3A_344 = arith.constant 32 : index
      %swap3A_345 = tpu.vector_load %arg9[%swap3A_343, %swap3A_344] {strides = array<i32>} : memref<512x128xf32, #tpu.memory_space<vmem>>, vector<1x16xf32>,
      %swap3A_346 = vector.shape_cast %swap3A_345 : vector<1x16xf32> to vector<16xf32>
      %swap3A_347 = vector.shape_cast %mul3A_340 : vector<16xf32> to vector<1x16xf32>
      tpu.vector_store %arg9[%swap3A_343, %swap3A_344], %swap3A_347 {strides = array<i32>} : memref<512x128xf32, #tpu.memory_space<vmem>>, vector<1x16xf32>,
      %add3A_348 = arith.constant 0 : i32
      %add3A_349 = arith.addi %mul3A_301, %add3A_348 : i32
      %get3A_350 = arith.index_cast %add3A_349 : i32 to index
      %get3A_351 = arith.constant 48 : index
      %get3A_352 = tpu.vector_load %arg9[%get3A_350, %get3A_351] {strides = array<i32>} : memref<512x128xf32, #tpu.memory_space<vmem>>, vector<1x16xf32>,
      %get3A_353 = vector.shape_cast %get3A_352 : vector<1x16xf32> to vector<16xf32>
      %mul3A_354 = arith.mulf %get3A_353, %gather3A_306 : vector<16xf32>
      %add3A_355 = arith.constant 0 : i32
      %add3A_356 = arith.addi %mul3A_301, %add3A_355 : i32
      %swap3A_357 = arith.index_cast %add3A_356 : i32 to index
      %swap3A_358 = arith.constant 48 : index
      %swap3A_359 = tpu.vector_load %arg9[%swap3A_357, %swap3A_358] {strides = array<i32>} : memref<512x128xf32, #tpu.memory_space<vmem>>, vector<1x16xf32>,
      %swap3A_360 = vector.shape_cast %swap3A_359 : vector<1x16xf32> to vector<16xf32>
      %swap3A_361 = vector.shape_cast %mul3A_354 : vector<16xf32> to vector<1x16xf32>
      tpu.vector_store %arg9[%swap3A_357, %swap3A_358], %swap3A_361 {strides = array<i32>} : memref<512x128xf32, #tpu.memory_space<vmem>>, vector<1x16xf32>,
      %add3A_362 = arith.constant 0 : i32
      %add3A_363 = arith.addi %mul3A_301, %add3A_362 : i32
      %get3A_364 = arith.index_cast %add3A_363 : i32 to index
      %get3A_365 = arith.constant 64 : index
      %get3A_366 = tpu.vector_load %arg9[%get3A_364, %get3A_365] {strides = array<i32>} : memref<512x128xf32, #tpu.memory_space<vmem>>, vector<1x16xf32>,
      %get3A_367 = vector.shape_cast %get3A_366 : vector<1x16xf32> to vector<16xf32>
      %mul3A_368 = arith.mulf %get3A_367, %gather3A_306 : vector<16xf32>
      %add3A_369 = arith.constant 0 : i32
      %add3A_370 = arith.addi %mul3A_301, %add3A_369 : i32
      %swap3A_371 = arith.index_cast %add3A_370 : i32 to index
      %swap3A_372 = arith.constant 64 : index
      %swap3A_373 = tpu.vector_load %arg9[%swap3A_371, %swap3A_372] {strides = array<i32>} : memref<512x128xf32, #tpu.memory_space<vmem>>, vector<1x16xf32>,
      %swap3A_374 = vector.shape_cast %swap3A_373 : vector<1x16xf32> to vector<16xf32>
      %swap3A_375 = vector.shape_cast %mul3A_368 : vector<16xf32> to vector<1x16xf32>
      tpu.vector_store %arg9[%swap3A_371, %swap3A_372], %swap3A_375 {strides = array<i32>} : memref<512x128xf32, #tpu.memory_space<vmem>>, vector<1x16xf32>,
      %add3A_376 = arith.constant 0 : i32
      %add3A_377 = arith.addi %mul3A_301, %add3A_376 : i32
      %get3A_378 = arith.index_cast %add3A_377 : i32 to index
      %get3A_379 = arith.constant 80 : index
      %get3A_380 = tpu.vector_load %arg9[%get3A_378, %get3A_379] {strides = array<i32>} : memref<512x128xf32, #tpu.memory_space<vmem>>, vector<1x16xf32>,
      %get3A_381 = vector.shape_cast %get3A_380 : vector<1x16xf32> to vector<16xf32>
      %mul3A_382 = arith.mulf %get3A_381, %gather3A_306 : vector<16xf32>
      %add3A_383 = arith.constant 0 : i32
      %add3A_384 = arith.addi %mul3A_301, %add3A_383 : i32
      %swap3A_385 = arith.index_cast %add3A_384 : i32 to index
      %swap3A_386 = arith.constant 80 : index
      %swap3A_387 = tpu.vector_load %arg9[%swap3A_385, %swap3A_386] {strides = array<i32>} : memref<512x128xf32, #tpu.memory_space<vmem>>, vector<1x16xf32>,
      %swap3A_388 = vector.shape_cast %swap3A_387 : vector<1x16xf32> to vector<16xf32>
      %swap3A_389 = vector.shape_cast %mul3A_382 : vector<16xf32> to vector<1x16xf32>
      tpu.vector_store %arg9[%swap3A_385, %swap3A_386], %swap3A_389 {strides = array<i32>} : memref<512x128xf32, #tpu.memory_space<vmem>>, vector<1x16xf32>,
      %add3A_390 = arith.constant 0 : i32
      %add3A_391 = arith.addi %mul3A_301, %add3A_390 : i32
      %get3A_392 = arith.index_cast %add3A_391 : i32 to index
      %get3A_393 = arith.constant 96 : index
      %get3A_394 = tpu.vector_load %arg9[%get3A_392, %get3A_393] {strides = array<i32>} : memref<512x128xf32, #tpu.memory_space<vmem>>, vector<1x16xf32>,
      %get3A_395 = vector.shape_cast %get3A_394 : vector<1x16xf32> to vector<16xf32>
      %mul3A_396 = arith.mulf %get3A_395, %gather3A_306 : vector<16xf32>
      %add3A_397 = arith.constant 0 : i32
      %add3A_398 = arith.addi %mul3A_301, %add3A_397 : i32
      %swap3A_399 = arith.index_cast %add3A_398 : i32 to index
      %swap3A_400 = arith.constant 96 : index
      %swap3A_401 = tpu.vector_load %arg9[%swap3A_399, %swap3A_400] {strides = array<i32>} : memref<512x128xf32, #tpu.memory_space<vmem>>, vector<1x16xf32>,
      %swap3A_402 = vector.shape_cast %swap3A_401 : vector<1x16xf32> to vector<16xf32>
      %swap3A_403 = vector.shape_cast %mul3A_396 : vector<16xf32> to vector<1x16xf32>
      tpu.vector_store %arg9[%swap3A_399, %swap3A_400], %swap3A_403 {strides = array<i32>} : memref<512x128xf32, #tpu.memory_space<vmem>>, vector<1x16xf32>,
      %add3A_404 = arith.constant 0 : i32
      %add3A_405 = arith.addi %mul3A_301, %add3A_404 : i32
      %get3A_406 = arith.index_cast %add3A_405 : i32 to index
      %get3A_407 = arith.constant 112 : index
      %get3A_408 = tpu.vector_load %arg9[%get3A_406, %get3A_407] {strides = array<i32>} : memref<512x128xf32, #tpu.memory_space<vmem>>, vector<1x16xf32>,
      %get3A_409 = vector.shape_cast %get3A_408 : vector<1x16xf32> to vector<16xf32>
      %mul3A_410 = arith.mulf %get3A_409, %gather3A_306 : vector<16xf32>
      %add3A_411 = arith.constant 0 : i32
      %add3A_412 = arith.addi %mul3A_301, %add3A_411 : i32
      %swap3A_413 = arith.index_cast %add3A_412 : i32 to index
      %swap3A_414 = arith.constant 112 : index
      %swap3A_415 = tpu.vector_load %arg9[%swap3A_413, %swap3A_414] {strides = array<i32>} : memref<512x128xf32, #tpu.memory_space<vmem>>, vector<1x16xf32>,
      %swap3A_416 = vector.shape_cast %swap3A_415 : vector<1x16xf32> to vector<16xf32>
      %swap3A_417 = vector.shape_cast %mul3A_410 : vector<16xf32> to vector<1x16xf32>
      tpu.vector_store %arg9[%swap3A_413, %swap3A_414], %swap3A_417 {strides = array<i32>} : memref<512x128xf32, #tpu.memory_space<vmem>>, vector<1x16xf32>,
      %broadcast_in_dim3A_418 = arith.constant 1 : i32
      %broadcast_in_dim3A_419 = vector.broadcast %broadcast_in_dim3A_418 : i32 to vector<16xi32>
      %reshape3A_420 = vector.shape_cast %broadcast_in_dim3A_419 : vector<16xi32> to vector<16x1xi32>
      %gather3A_421 = vector.shape_cast %reshape3A_420 : vector<16x1xi32> to vector<16xi32>
      %gather3A_422 = tpu.dynamic_gather %get3A_304[%gather3A_421] in [0] : vector<16xf32>, vector<16xi32> -> vector<16xf32>
      %add3A_423 = arith.constant 1 : i32
      %add3A_424 = arith.addi %mul3A_301, %add3A_423 : i32
      %get3A_425 = arith.index_cast %add3A_424 : i32 to index
      %get3A_426 = arith.constant 0 : index
      %get3A_427 = tpu.vector_load %arg9[%get3A_425, %get3A_426] {strides = array<i32>} : memref<512x128xf32, #tpu.memory_space<vmem>>, vector<1x16xf32>,
      %get3A_428 = vector.shape_cast %get3A_427 : vector<1x16xf32> to vector<16xf32>
      %mul3A_429 = arith.mulf %get3A_428, %gather3A_422 : vector<16xf32>
      %add3A_430 = arith.constant 1 : i32
      %add3A_431 = arith.addi %mul3A_301, %add3A_430 : i32
      %swap3A_432 = arith.index_cast %add3A_431 : i32 to index
      %swap3A_433 = arith.constant 0 : index
      %swap3A_434 = tpu.vector_load %arg9[%swap3A_432, %swap3A_433] {strides = array<i32>} : memref<512x128xf32, #tpu.memory_space<vmem>>, vector<1x16xf32>,
      %swap3A_435 = vector.shape_cast %swap3A_434 : vector<1x16xf32> to vector<16xf32>
      %swap3A_436 = vector.shape_cast %mul3A_429 : vector<16xf32> to vector<1x16xf32>
      tpu.vector_store %arg9[%swap3A_432, %swap3A_433], %swap3A_436 {strides = array<i32>} : memref<512x128xf32, #tpu.memory_space<vmem>>, vector<1x16xf32>,
      %add3A_437 = arith.constant 1 : i32
      %add3A_438 = arith.addi %mul3A_301, %add3A_437 : i32
      %get3A_439 = arith.index_cast %add3A_438 : i32 to index
      %get3A_440 = arith.constant 16 : index
      %get3A_441 = tpu.vector_load %arg9[%get3A_439, %get3A_440] {strides = array<i32>} : memref<512x128xf32, #tpu.memory_space<vmem>>, vector<1x16xf32>,
      %get3A_442 = vector.shape_cast %get3A_441 : vector<1x16xf32> to vector<16xf32>
      %mul3A_443 = arith.mulf %get3A_442, %gather3A_422 : vector<16xf32>
      %add3A_444 = arith.constant 1 : i32
      %add3A_445 = arith.addi %mul3A_301, %add3A_444 : i32
      %swap3A_446 = arith.index_cast %add3A_445 : i32 to index
      %swap3A_447 = arith.constant 16 : index
      %swap3A_448 = tpu.vector_load %arg9[%swap3A_446, %swap3A_447] {strides = array<i32>} : memref<512x128xf32, #tpu.memory_space<vmem>>, vector<1x16xf32>,
      %swap3A_449 = vector.shape_cast %swap3A_448 : vector<1x16xf32> to vector<16xf32>
      %swap3A_450 = vector.shape_cast %mul3A_443 : vector<16xf32> to vector<1x16xf32>
      tpu.vector_store %arg9[%swap3A_446, %swap3A_447], %swap3A_450 {strides = array<i32>} : memref<512x128xf32, #tpu.memory_space<vmem>>, vector<1x16xf32>,
      %add3A_451 = arith.constant 1 : i32
      %add3A_452 = arith.addi %mul3A_301, %add3A_451 : i32
      %get3A_453 = arith.index_cast %add3A_452 : i32 to index
      %get3A_454 = arith.constant 32 : index
      %get3A_455 = tpu.vector_load %arg9[%get3A_453, %get3A_454] {strides = array<i32>} : memref<512x128xf32, #tpu.memory_space<vmem>>, vector<1x16xf32>,
      %get3A_456 = vector.shape_cast %get3A_455 : vector<1x16xf32> to vector<16xf32>
      %mul3A_457 = arith.mulf %get3A_456, %gather3A_422 : vector<16xf32>
      %add3A_458 = arith.constant 1 : i32
      %add3A_459 = arith.addi %mul3A_301, %add3A_458 : i32
      %swap3A_460 = arith.index_cast %add3A_459 : i32 to index
      %swap3A_461 = arith.constant 32 : index
      %swap3A_462 = tpu.vector_load %arg9[%swap3A_460, %swap3A_461] {strides = array<i32>} : memref<512x128xf32, #tpu.memory_space<vmem>>, vector<1x16xf32>,
      %swap3A_463 = vector.shape_cast %swap3A_462 : vector<1x16xf32> to vector<16xf32>
      %swap3A_464 = vector.shape_cast %mul3A_457 : vector<16xf32> to vector<1x16xf32>
      tpu.vector_store %arg9[%swap3A_460, %swap3A_461], %swap3A_464 {strides = array<i32>} : memref<512x128xf32, #tpu.memory_space<vmem>>, vector<1x16xf32>,
      %add3A_465 = arith.constant 1 : i32
      %add3A_466 = arith.addi %mul3A_301, %add3A_465 : i32
      %get3A_467 = arith.index_cast %add3A_466 : i32 to index
      %get3A_468 = arith.constant 48 : index
      %get3A_469 = tpu.vector_load %arg9[%get3A_467, %get3A_468] {strides = array<i32>} : memref<512x128xf32, #tpu.memory_space<vmem>>, vector<1x16xf32>,
      %get3A_470 = vector.shape_cast %get3A_469 : vector<1x16xf32> to vector<16xf32>
      %mul3A_471 = arith.mulf %get3A_470, %gather3A_422 : vector<16xf32>
      %add3A_472 = arith.constant 1 : i32
      %add3A_473 = arith.addi %mul3A_301, %add3A_472 : i32
      %swap3A_474 = arith.index_cast %add3A_473 : i32 to index
      %swap3A_475 = arith.constant 48 : index
      %swap3A_476 = tpu.vector_load %arg9[%swap3A_474, %swap3A_475] {strides = array<i32>} : memref<512x128xf32, #tpu.memory_space<vmem>>, vector<1x16xf32>,
      %swap3A_477 = vector.shape_cast %swap3A_476 : vector<1x16xf32> to vector<16xf32>
      %swap3A_478 = vector.shape_cast %mul3A_471 : vector<16xf32> to vector<1x16xf32>
      tpu.vector_store %arg9[%swap3A_474, %swap3A_475], %swap3A_478 {strides = array<i32>} : memref<512x128xf32, #tpu.memory_space<vmem>>, vector<1x16xf32>,
      %add3A_479 = arith.constant 1 : i32
      %add3A_480 = arith.addi %mul3A_301, %add3A_479 : i32
      %get3A_481 = arith.index_cast %add3A_480 : i32 to index
      %get3A_482 = arith.constant 64 : index
      %get3A_483 = tpu.vector_load %arg9[%get3A_481, %get3A_482] {strides = array<i32>} : memref<512x128xf32, #tpu.memory_space<vmem>>, vector<1x16xf32>,
      %get3A_484 = vector.shape_cast %get3A_483 : vector<1x16xf32> to vector<16xf32>
      %mul3A_485 = arith.mulf %get3A_484, %gather3A_422 : vector<16xf32>
      %add3A_486 = arith.constant 1 : i32
      %add3A_487 = arith.addi %mul3A_301, %add3A_486 : i32
      %swap3A_488 = arith.index_cast %add3A_487 : i32 to index
      %swap3A_489 = arith.constant 64 : index
      %swap3A_490 = tpu.vector_load %arg9[%swap3A_488, %swap3A_489] {strides = array<i32>} : memref<512x128xf32, #tpu.memory_space<vmem>>, vector<1x16xf32>,
      %swap3A_491 = vector.shape_cast %swap3A_490 : vector<1x16xf32> to vector<16xf32>
      %swap3A_492 = vector.shape_cast %mul3A_485 : vector<16xf32> to vector<1x16xf32>
      tpu.vector_store %arg9[%swap3A_488, %swap3A_489], %swap3A_492 {strides = array<i32>} : memref<512x128xf32, #tpu.memory_space<vmem>>, vector<1x16xf32>,
      %add3A_493 = arith.constant 1 : i32
      %add3A_494 = arith.addi %mul3A_301, %add3A_493 : i32
      %get3A_495 = arith.index_cast %add3A_494 : i32 to index
      %get3A_496 = arith.constant 80 : index
      %get3A_497 = tpu.vector_load %arg9[%get3A_495, %get3A_496] {strides = array<i32>} : memref<512x128xf32, #tpu.memory_space<vmem>>, vector<1x16xf32>,
      %get3A_498 = vector.shape_cast %get3A_497 : vector<1x16xf32> to vector<16xf32>
      %mul3A_499 = arith.mulf %get3A_498, %gather3A_422 : vector<16xf32>
      %add3A_500 = arith.constant 1 : i32
      %add3A_501 = arith.addi %mul3A_301, %add3A_500 : i32
      %swap3A_502 = arith.index_cast %add3A_501 : i32 to index
      %swap3A_503 = arith.constant 80 : index
      %swap3A_504 = tpu.vector_load %arg9[%swap3A_502, %swap3A_503] {strides = array<i32>} : memref<512x128xf32, #tpu.memory_space<vmem>>, vector<1x16xf32>,
      %swap3A_505 = vector.shape_cast %swap3A_504 : vector<1x16xf32> to vector<16xf32>
      %swap3A_506 = vector.shape_cast %mul3A_499 : vector<16xf32> to vector<1x16xf32>
      tpu.vector_store %arg9[%swap3A_502, %swap3A_503], %swap3A_506 {strides = array<i32>} : memref<512x128xf32, #tpu.memory_space<vmem>>, vector<1x16xf32>,
      %add3A_507 = arith.constant 1 : i32
      %add3A_508 = arith.addi %mul3A_301, %add3A_507 : i32
      %get3A_509 = arith.index_cast %add3A_508 : i32 to index
      %get3A_510 = arith.constant 96 : index
      %get3A_511 = tpu.vector_load %arg9[%get3A_509, %get3A_510] {strides = array<i32>} : memref<512x128xf32, #tpu.memory_space<vmem>>, vector<1x16xf32>,
      %get3A_512 = vector.shape_cast %get3A_511 : vector<1x16xf32> to vector<16xf32>
      %mul3A_513 = arith.mulf %get3A_512, %gather3A_422 : vector<16xf32>
      %add3A_514 = arith.constant 1 : i32
      %add3A_515 = arith.addi %mul3A_301, %add3A_514 : i32
      %swap3A_516 = arith.index_cast %add3A_515 : i32 to index
      %swap3A_517 = arith.constant 96 : index
      %swap3A_518 = tpu.vector_load %arg9[%swap3A_516, %swap3A_517] {strides = array<i32>} : memref<512x128xf32, #tpu.memory_space<vmem>>, vector<1x16xf32>,
      %swap3A_519 = vector.shape_cast %swap3A_518 : vector<1x16xf32> to vector<16xf32>
      %swap3A_520 = vector.shape_cast %mul3A_513 : vector<16xf32> to vector<1x16xf32>
      tpu.vector_store %arg9[%swap3A_516, %swap3A_517], %swap3A_520 {strides = array<i32>} : memref<512x128xf32, #tpu.memory_space<vmem>>, vector<1x16xf32>,
      %add3A_521 = arith.constant 1 : i32
      %add3A_522 = arith.addi %mul3A_301, %add3A_521 : i32
      %get3A_523 = arith.index_cast %add3A_522 : i32 to index
      %get3A_524 = arith.constant 112 : index
      %get3A_525 = tpu.vector_load %arg9[%get3A_523, %get3A_524] {strides = array<i32>} : memref<512x128xf32, #tpu.memory_space<vmem>>, vector<1x16xf32>,
      %get3A_526 = vector.shape_cast %get3A_525 : vector<1x16xf32> to vector<16xf32>
      %mul3A_527 = arith.mulf %get3A_526, %gather3A_422 : vector<16xf32>
      %add3A_528 = arith.constant 1 : i32
      %add3A_529 = arith.addi %mul3A_301, %add3A_528 : i32
      %swap3A_530 = arith.index_cast %add3A_529 : i32 to index
      %swap3A_531 = arith.constant 112 : index
      %swap3A_532 = tpu.vector_load %arg9[%swap3A_530, %swap3A_531] {strides = array<i32>} : memref<512x128xf32, #tpu.memory_space<vmem>>, vector<1x16xf32>,
      %swap3A_533 = vector.shape_cast %swap3A_532 : vector<1x16xf32> to vector<16xf32>
      %swap3A_534 = vector.shape_cast %mul3A_527 : vector<16xf32> to vector<1x16xf32>
      tpu.vector_store %arg9[%swap3A_530, %swap3A_531], %swap3A_534 {strides = array<i32>} : memref<512x128xf32, #tpu.memory_space<vmem>>, vector<1x16xf32>,
      %broadcast_in_dim3A_535 = arith.constant 2 : i32
      %broadcast_in_dim3A_536 = vector.broadcast %broadcast_in_dim3A_535 : i32 to vector<16xi32>
      %reshape3A_537 = vector.shape_cast %broadcast_in_dim3A_536 : vector<16xi32> to vector<16x1xi32>
      %gather3A_538 = vector.shape_cast %reshape3A_537 : vector<16x1xi32> to vector<16xi32>
      %gather3A_539 = tpu.dynamic_gather %get3A_304[%gather3A_538] in [0] : vector<16xf32>, vector<16xi32> -> vector<16xf32>
      %add3A_540 = arith.constant 2 : i32
      %add3A_541 = arith.addi %mul3A_301, %add3A_540 : i32
      %get3A_542 = arith.index_cast %add3A_541 : i32 to index
      %get3A_543 = arith.constant 0 : index
      %get3A_544 = tpu.vector_load %arg9[%get3A_542, %get3A_543] {strides = array<i32>} : memref<512x128xf32, #tpu.memory_space<vmem>>, vector<1x16xf32>,
      %get3A_545 = vector.shape_cast %get3A_544 : vector<1x16xf32> to vector<16xf32>
      %mul3A_546 = arith.mulf %get3A_545, %gather3A_539 : vector<16xf32>
      %add3A_547 = arith.constant 2 : i32
      %add3A_548 = arith.addi %mul3A_301, %add3A_547 : i32
      %swap3A_549 = arith.index_cast %add3A_548 : i32 to index
      %swap3A_550 = arith.constant 0 : index
      %swap3A_551 = tpu.vector_load %arg9[%swap3A_549, %swap3A_550] {strides = array<i32>} : memref<512x128xf32, #tpu.memory_space<vmem>>, vector<1x16xf32>,
      %swap3A_552 = vector.shape_cast %swap3A_551 : vector<1x16xf32> to vector<16xf32>
      %swap3A_553 = vector.shape_cast %mul3A_546 : vector<16xf32> to vector<1x16xf32>
      tpu.vector_store %arg9[%swap3A_549, %swap3A_550], %swap3A_553 {strides = array<i32>} : memref<512x128xf32, #tpu.memory_space<vmem>>, vector<1x16xf32>,
      %add3A_554 = arith.constant 2 : i32
      %add3A_555 = arith.addi %mul3A_301, %add3A_554 : i32
      %get3A_556 = arith.index_cast %add3A_555 : i32 to index
      %get3A_557 = arith.constant 16 : index
      %get3A_558 = tpu.vector_load %arg9[%get3A_556, %get3A_557] {strides = array<i32>} : memref<512x128xf32, #tpu.memory_space<vmem>>, vector<1x16xf32>,
      %get3A_559 = vector.shape_cast %get3A_558 : vector<1x16xf32> to vector<16xf32>
      %mul3A_560 = arith.mulf %get3A_559, %gather3A_539 : vector<16xf32>
      %add3A_561 = arith.constant 2 : i32
      %add3A_562 = arith.addi %mul3A_301, %add3A_561 : i32
      %swap3A_563 = arith.index_cast %add3A_562 : i32 to index
      %swap3A_564 = arith.constant 16 : index
      %swap3A_565 = tpu.vector_load %arg9[%swap3A_563, %swap3A_564] {strides = array<i32>} : memref<512x128xf32, #tpu.memory_space<vmem>>, vector<1x16xf32>,
      %swap3A_566 = vector.shape_cast %swap3A_565 : vector<1x16xf32> to vector<16xf32>
      %swap3A_567 = vector.shape_cast %mul3A_560 : vector<16xf32> to vector<1x16xf32>
      tpu.vector_store %arg9[%swap3A_563, %swap3A_564], %swap3A_567 {strides = array<i32>} : memref<512x128xf32, #tpu.memory_space<vmem>>, vector<1x16xf32>,
      %add3A_568 = arith.constant 2 : i32
      %add3A_569 = arith.addi %mul3A_301, %add3A_568 : i32
      %get3A_570 = arith.index_cast %add3A_569 : i32 to index
      %get3A_571 = arith.constant 32 : index
      %get3A_572 = tpu.vector_load %arg9[%get3A_570, %get3A_571] {strides = array<i32>} : memref<512x128xf32, #tpu.memory_space<vmem>>, vector<1x16xf32>,
      %get3A_573 = vector.shape_cast %get3A_572 : vector<1x16xf32> to vector<16xf32>
      %mul3A_574 = arith.mulf %get3A_573, %gather3A_539 : vector<16xf32>
      %add3A_575 = arith.constant 2 : i32
      %add3A_576 = arith.addi %mul3A_301, %add3A_575 : i32
      %swap3A_577 = arith.index_cast %add3A_576 : i32 to index
      %swap3A_578 = arith.constant 32 : index
      %swap3A_579 = tpu.vector_load %arg9[%swap3A_577, %swap3A_578] {strides = array<i32>} : memref<512x128xf32, #tpu.memory_space<vmem>>, vector<1x16xf32>,
      %swap3A_580 = vector.shape_cast %swap3A_579 : vector<1x16xf32> to vector<16xf32>
      %swap3A_581 = vector.shape_cast %mul3A_574 : vector<16xf32> to vector<1x16xf32>
      tpu.vector_store %arg9[%swap3A_577, %swap3A_578], %swap3A_581 {strides = array<i32>} : memref<512x128xf32, #tpu.memory_space<vmem>>, vector<1x16xf32>,
      %add3A_582 = arith.constant 2 : i32
      %add3A_583 = arith.addi %mul3A_301, %add3A_582 : i32
      %get3A_584 = arith.index_cast %add3A_583 : i32 to index
      %get3A_585 = arith.constant 48 : index
      %get3A_586 = tpu.vector_load %arg9[%get3A_584, %get3A_585] {strides = array<i32>} : memref<512x128xf32, #tpu.memory_space<vmem>>, vector<1x16xf32>,
      %get3A_587 = vector.shape_cast %get3A_586 : vector<1x16xf32> to vector<16xf32>
      %mul3A_588 = arith.mulf %get3A_587, %gather3A_539 : vector<16xf32>
      %add3A_589 = arith.constant 2 : i32
      %add3A_590 = arith.addi %mul3A_301, %add3A_589 : i32
      %swap3A_591 = arith.index_cast %add3A_590 : i32 to index
      %swap3A_592 = arith.constant 48 : index
      %swap3A_593 = tpu.vector_load %arg9[%swap3A_591, %swap3A_592] {strides = array<i32>} : memref<512x128xf32, #tpu.memory_space<vmem>>, vector<1x16xf32>,
      %swap3A_594 = vector.shape_cast %swap3A_593 : vector<1x16xf32> to vector<16xf32>
      %swap3A_595 = vector.shape_cast %mul3A_588 : vector<16xf32> to vector<1x16xf32>
      tpu.vector_store %arg9[%swap3A_591, %swap3A_592], %swap3A_595 {strides = array<i32>} : memref<512x128xf32, #tpu.memory_space<vmem>>, vector<1x16xf32>,
      %add3A_596 = arith.constant 2 : i32
      %add3A_597 = arith.addi %mul3A_301, %add3A_596 : i32
      %get3A_598 = arith.index_cast %add3A_597 : i32 to index
      %get3A_599 = arith.constant 64 : index
      %get3A_600 = tpu.vector_load %arg9[%get3A_598, %get3A_599] {strides = array<i32>} : memref<512x128xf32, #tpu.memory_space<vmem>>, vector<1x16xf32>,
      %get3A_601 = vector.shape_cast %get3A_600 : vector<1x16xf32> to vector<16xf32>
      %mul3A_602 = arith.mulf %get3A_601, %gather3A_539 : vector<16xf32>
      %add3A_603 = arith.constant 2 : i32
      %add3A_604 = arith.addi %mul3A_301, %add3A_603 : i32
      %swap3A_605 = arith.index_cast %add3A_604 : i32 to index
      %swap3A_606 = arith.constant 64 : index
      %swap3A_607 = tpu.vector_load %arg9[%swap3A_605, %swap3A_606] {strides = array<i32>} : memref<512x128xf32, #tpu.memory_space<vmem>>, vector<1x16xf32>,
      %swap3A_608 = vector.shape_cast %swap3A_607 : vector<1x16xf32> to vector<16xf32>
      %swap3A_609 = vector.shape_cast %mul3A_602 : vector<16xf32> to vector<1x16xf32>
      tpu.vector_store %arg9[%swap3A_605, %swap3A_606], %swap3A_609 {strides = array<i32>} : memref<512x128xf32, #tpu.memory_space<vmem>>, vector<1x16xf32>,
      %add3A_610 = arith.constant 2 : i32
      %add3A_611 = arith.addi %mul3A_301, %add3A_610 : i32
      %get3A_612 = arith.index_cast %add3A_611 : i32 to index
      %get3A_613 = arith.constant 80 : index
      %get3A_614 = tpu.vector_load %arg9[%get3A_612, %get3A_613] {strides = array<i32>} : memref<512x128xf32, #tpu.memory_space<vmem>>, vector<1x16xf32>,
      %get3A_615 = vector.shape_cast %get3A_614 : vector<1x16xf32> to vector<16xf32>
      %mul3A_616 = arith.mulf %get3A_615, %gather3A_539 : vector<16xf32>
      %add3A_617 = arith.constant 2 : i32
      %add3A_618 = arith.addi %mul3A_301, %add3A_617 : i32
      %swap3A_619 = arith.index_cast %add3A_618 : i32 to index
      %swap3A_620 = arith.constant 80 : index
      %swap3A_621 = tpu.vector_load %arg9[%swap3A_619, %swap3A_620] {strides = array<i32>} : memref<512x128xf32, #tpu.memory_space<vmem>>, vector<1x16xf32>,
      %swap3A_622 = vector.shape_cast %swap3A_621 : vector<1x16xf32> to vector<16xf32>
      %swap3A_623 = vector.shape_cast %mul3A_616 : vector<16xf32> to vector<1x16xf32>
      tpu.vector_store %arg9[%swap3A_619, %swap3A_620], %swap3A_623 {strides = array<i32>} : memref<512x128xf32, #tpu.memory_space<vmem>>, vector<1x16xf32>,
      %add3A_624 = arith.constant 2 : i32
      %add3A_625 = arith.addi %mul3A_301, %add3A_624 : i32
      %get3A_626 = arith.index_cast %add3A_625 : i32 to index
      %get3A_627 = arith.constant 96 : index
      %get3A_628 = tpu.vector_load %arg9[%get3A_626, %get3A_627] {strides = array<i32>} : memref<512x128xf32, #tpu.memory_space<vmem>>, vector<1x16xf32>,
      %get3A_629 = vector.shape_cast %get3A_628 : vector<1x16xf32> to vector<16xf32>
      %mul3A_630 = arith.mulf %get3A_629, %gather3A_539 : vector<16xf32>
      %add3A_631 = arith.constant 2 : i32
      %add3A_632 = arith.addi %mul3A_301, %add3A_631 : i32
      %swap3A_633 = arith.index_cast %add3A_632 : i32 to index
      %swap3A_634 = arith.constant 96 : index
      %swap3A_635 = tpu.vector_load %arg9[%swap3A_633, %swap3A_634] {strides = array<i32>} : memref<512x128xf32, #tpu.memory_space<vmem>>, vector<1x16xf32>,
      %swap3A_636 = vector.shape_cast %swap3A_635 : vector<1x16xf32> to vector<16xf32>
      %swap3A_637 = vector.shape_cast %mul3A_630 : vector<16xf32> to vector<1x16xf32>
      tpu.vector_store %arg9[%swap3A_633, %swap3A_634], %swap3A_637 {strides = array<i32>} : memref<512x128xf32, #tpu.memory_space<vmem>>, vector<1x16xf32>,
      %add3A_638 = arith.constant 2 : i32
      %add3A_639 = arith.addi %mul3A_301, %add3A_638 : i32
      %get3A_640 = arith.index_cast %add3A_639 : i32 to index
      %get3A_641 = arith.constant 112 : index
      %get3A_642 = tpu.vector_load %arg9[%get3A_640, %get3A_641] {strides = array<i32>} : memref<512x128xf32, #tpu.memory_space<vmem>>, vector<1x16xf32>,
      %get3A_643 = vector.shape_cast %get3A_642 : vector<1x16xf32> to vector<16xf32>
      %mul3A_644 = arith.mulf %get3A_643, %gather3A_539 : vector<16xf32>
      %add3A_645 = arith.constant 2 : i32
      %add3A_646 = arith.addi %mul3A_301, %add3A_645 : i32
      %swap3A_647 = arith.index_cast %add3A_646 : i32 to index
      %swap3A_648 = arith.constant 112 : index
      %swap3A_649 = tpu.vector_load %arg9[%swap3A_647, %swap3A_648] {strides = array<i32>} : memref<512x128xf32, #tpu.memory_space<vmem>>, vector<1x16xf32>,
      %swap3A_650 = vector.shape_cast %swap3A_649 : vector<1x16xf32> to vector<16xf32>
      %swap3A_651 = vector.shape_cast %mul3A_644 : vector<16xf32> to vector<1x16xf32>
      tpu.vector_store %arg9[%swap3A_647, %swap3A_648], %swap3A_651 {strides = array<i32>} : memref<512x128xf32, #tpu.memory_space<vmem>>, vector<1x16xf32>,
      %broadcast_in_dim3A_652 = arith.constant 3 : i32
      %broadcast_in_dim3A_653 = vector.broadcast %broadcast_in_dim3A_652 : i32 to vector<16xi32>
      %reshape3A_654 = vector.shape_cast %broadcast_in_dim3A_653 : vector<16xi32> to vector<16x1xi32>
      %gather3A_655 = vector.shape_cast %reshape3A_654 : vector<16x1xi32> to vector<16xi32>
      %gather3A_656 = tpu.dynamic_gather %get3A_304[%gather3A_655] in [0] : vector<16xf32>, vector<16xi32> -> vector<16xf32>
      %add3A_657 = arith.constant 3 : i32
      %add3A_658 = arith.addi %mul3A_301, %add3A_657 : i32
      %get3A_659 = arith.index_cast %add3A_658 : i32 to index
      %get3A_660 = arith.constant 0 : index
      %get3A_661 = tpu.vector_load %arg9[%get3A_659, %get3A_660] {strides = array<i32>} : memref<512x128xf32, #tpu.memory_space<vmem>>, vector<1x16xf32>,
      %get3A_662 = vector.shape_cast %get3A_661 : vector<1x16xf32> to vector<16xf32>
      %mul3A_663 = arith.mulf %get3A_662, %gather3A_656 : vector<16xf32>
      %add3A_664 = arith.constant 3 : i32
      %add3A_665 = arith.addi %mul3A_301, %add3A_664 : i32
      %swap3A_666 = arith.index_cast %add3A_665 : i32 to index
      %swap3A_667 = arith.constant 0 : index
      %swap3A_668 = tpu.vector_load %arg9[%swap3A_666, %swap3A_667] {strides = array<i32>} : memref<512x128xf32, #tpu.memory_space<vmem>>, vector<1x16xf32>,
      %swap3A_669 = vector.shape_cast %swap3A_668 : vector<1x16xf32> to vector<16xf32>
      %swap3A_670 = vector.shape_cast %mul3A_663 : vector<16xf32> to vector<1x16xf32>
      tpu.vector_store %arg9[%swap3A_666, %swap3A_667], %swap3A_670 {strides = array<i32>} : memref<512x128xf32, #tpu.memory_space<vmem>>, vector<1x16xf32>,
      %add3A_671 = arith.constant 3 : i32
      %add3A_672 = arith.addi %mul3A_301, %add3A_671 : i32
      %get3A_673 = arith.index_cast %add3A_672 : i32 to index
      %get3A_674 = arith.constant 16 : index
      %get3A_675 = tpu.vector_load %arg9[%get3A_673, %get3A_674] {strides = array<i32>} : memref<512x128xf32, #tpu.memory_space<vmem>>, vector<1x16xf32>,
      %get3A_676 = vector.shape_cast %get3A_675 : vector<1x16xf32> to vector<16xf32>
      %mul3A_677 = arith.mulf %get3A_676, %gather3A_656 : vector<16xf32>
      %add3A_678 = arith.constant 3 : i32
      %add3A_679 = arith.addi %mul3A_301, %add3A_678 : i32
      %swap3A_680 = arith.index_cast %add3A_679 : i32 to index
      %swap3A_681 = arith.constant 16 : index
      %swap3A_682 = tpu.vector_load %arg9[%swap3A_680, %swap3A_681] {strides = array<i32>} : memref<512x128xf32, #tpu.memory_space<vmem>>, vector<1x16xf32>,
      %swap3A_683 = vector.shape_cast %swap3A_682 : vector<1x16xf32> to vector<16xf32>
      %swap3A_684 = vector.shape_cast %mul3A_677 : vector<16xf32> to vector<1x16xf32>
      tpu.vector_store %arg9[%swap3A_680, %swap3A_681], %swap3A_684 {strides = array<i32>} : memref<512x128xf32, #tpu.memory_space<vmem>>, vector<1x16xf32>,
      %add3A_685 = arith.constant 3 : i32
      %add3A_686 = arith.addi %mul3A_301, %add3A_685 : i32
      %get3A_687 = arith.index_cast %add3A_686 : i32 to index
      %get3A_688 = arith.constant 32 : index
      %get3A_689 = tpu.vector_load %arg9[%get3A_687, %get3A_688] {strides = array<i32>} : memref<512x128xf32, #tpu.memory_space<vmem>>, vector<1x16xf32>,
      %get3A_690 = vector.shape_cast %get3A_689 : vector<1x16xf32> to vector<16xf32>
      %mul3A_691 = arith.mulf %get3A_690, %gather3A_656 : vector<16xf32>
      %add3A_692 = arith.constant 3 : i32
      %add3A_693 = arith.addi %mul3A_301, %add3A_692 : i32
      %swap3A_694 = arith.index_cast %add3A_693 : i32 to index
      %swap3A_695 = arith.constant 32 : index
      %swap3A_696 = tpu.vector_load %arg9[%swap3A_694, %swap3A_695] {strides = array<i32>} : memref<512x128xf32, #tpu.memory_space<vmem>>, vector<1x16xf32>,
      %swap3A_697 = vector.shape_cast %swap3A_696 : vector<1x16xf32> to vector<16xf32>
      %swap3A_698 = vector.shape_cast %mul3A_691 : vector<16xf32> to vector<1x16xf32>
      tpu.vector_store %arg9[%swap3A_694, %swap3A_695], %swap3A_698 {strides = array<i32>} : memref<512x128xf32, #tpu.memory_space<vmem>>, vector<1x16xf32>,
      %add3A_699 = arith.constant 3 : i32
      %add3A_700 = arith.addi %mul3A_301, %add3A_699 : i32
      %get3A_701 = arith.index_cast %add3A_700 : i32 to index
      %get3A_702 = arith.constant 48 : index
      %get3A_703 = tpu.vector_load %arg9[%get3A_701, %get3A_702] {strides = array<i32>} : memref<512x128xf32, #tpu.memory_space<vmem>>, vector<1x16xf32>,
      %get3A_704 = vector.shape_cast %get3A_703 : vector<1x16xf32> to vector<16xf32>
      %mul3A_705 = arith.mulf %get3A_704, %gather3A_656 : vector<16xf32>
      %add3A_706 = arith.constant 3 : i32
      %add3A_707 = arith.addi %mul3A_301, %add3A_706 : i32
      %swap3A_708 = arith.index_cast %add3A_707 : i32 to index
      %swap3A_709 = arith.constant 48 : index
      %swap3A_710 = tpu.vector_load %arg9[%swap3A_708, %swap3A_709] {strides = array<i32>} : memref<512x128xf32, #tpu.memory_space<vmem>>, vector<1x16xf32>,
      %swap3A_711 = vector.shape_cast %swap3A_710 : vector<1x16xf32> to vector<16xf32>
      %swap3A_712 = vector.shape_cast %mul3A_705 : vector<16xf32> to vector<1x16xf32>
      tpu.vector_store %arg9[%swap3A_708, %swap3A_709], %swap3A_712 {strides = array<i32>} : memref<512x128xf32, #tpu.memory_space<vmem>>, vector<1x16xf32>,
      %add3A_713 = arith.constant 3 : i32
      %add3A_714 = arith.addi %mul3A_301, %add3A_713 : i32
      %get3A_715 = arith.index_cast %add3A_714 : i32 to index
      %get3A_716 = arith.constant 64 : index
      %get3A_717 = tpu.vector_load %arg9[%get3A_715, %get3A_716] {strides = array<i32>} : memref<512x128xf32, #tpu.memory_space<vmem>>, vector<1x16xf32>,
      %get3A_718 = vector.shape_cast %get3A_717 : vector<1x16xf32> to vector<16xf32>
      %mul3A_719 = arith.mulf %get3A_718, %gather3A_656 : vector<16xf32>
      %add3A_720 = arith.constant 3 : i32
      %add3A_721 = arith.addi %mul3A_301, %add3A_720 : i32
      %swap3A_722 = arith.index_cast %add3A_721 : i32 to index
      %swap3A_723 = arith.constant 64 : index
      %swap3A_724 = tpu.vector_load %arg9[%swap3A_722, %swap3A_723] {strides = array<i32>} : memref<512x128xf32, #tpu.memory_space<vmem>>, vector<1x16xf32>,
      %swap3A_725 = vector.shape_cast %swap3A_724 : vector<1x16xf32> to vector<16xf32>
      %swap3A_726 = vector.shape_cast %mul3A_719 : vector<16xf32> to vector<1x16xf32>
      tpu.vector_store %arg9[%swap3A_722, %swap3A_723], %swap3A_726 {strides = array<i32>} : memref<512x128xf32, #tpu.memory_space<vmem>>, vector<1x16xf32>,
      %add3A_727 = arith.constant 3 : i32
      %add3A_728 = arith.addi %mul3A_301, %add3A_727 : i32
      %get3A_729 = arith.index_cast %add3A_728 : i32 to index
      %get3A_730 = arith.constant 80 : index
      %get3A_731 = tpu.vector_load %arg9[%get3A_729, %get3A_730] {strides = array<i32>} : memref<512x128xf32, #tpu.memory_space<vmem>>, vector<1x16xf32>,
      %get3A_732 = vector.shape_cast %get3A_731 : vector<1x16xf32> to vector<16xf32>
      %mul3A_733 = arith.mulf %get3A_732, %gather3A_656 : vector<16xf32>
      %add3A_734 = arith.constant 3 : i32
      %add3A_735 = arith.addi %mul3A_301, %add3A_734 : i32
      %swap3A_736 = arith.index_cast %add3A_735 : i32 to index
      %swap3A_737 = arith.constant 80 : index
      %swap3A_738 = tpu.vector_load %arg9[%swap3A_736, %swap3A_737] {strides = array<i32>} : memref<512x128xf32, #tpu.memory_space<vmem>>, vector<1x16xf32>,
      %swap3A_739 = vector.shape_cast %swap3A_738 : vector<1x16xf32> to vector<16xf32>
      %swap3A_740 = vector.shape_cast %mul3A_733 : vector<16xf32> to vector<1x16xf32>
      tpu.vector_store %arg9[%swap3A_736, %swap3A_737], %swap3A_740 {strides = array<i32>} : memref<512x128xf32, #tpu.memory_space<vmem>>, vector<1x16xf32>,
      %add3A_741 = arith.constant 3 : i32
      %add3A_742 = arith.addi %mul3A_301, %add3A_741 : i32
      %get3A_743 = arith.index_cast %add3A_742 : i32 to index
      %get3A_744 = arith.constant 96 : index
      %get3A_745 = tpu.vector_load %arg9[%get3A_743, %get3A_744] {strides = array<i32>} : memref<512x128xf32, #tpu.memory_space<vmem>>, vector<1x16xf32>,
      %get3A_746 = vector.shape_cast %get3A_745 : vector<1x16xf32> to vector<16xf32>
      %mul3A_747 = arith.mulf %get3A_746, %gather3A_656 : vector<16xf32>
      %add3A_748 = arith.constant 3 : i32
      %add3A_749 = arith.addi %mul3A_301, %add3A_748 : i32
      %swap3A_750 = arith.index_cast %add3A_749 : i32 to index
      %swap3A_751 = arith.constant 96 : index
      %swap3A_752 = tpu.vector_load %arg9[%swap3A_750, %swap3A_751] {strides = array<i32>} : memref<512x128xf32, #tpu.memory_space<vmem>>, vector<1x16xf32>,
      %swap3A_753 = vector.shape_cast %swap3A_752 : vector<1x16xf32> to vector<16xf32>
      %swap3A_754 = vector.shape_cast %mul3A_747 : vector<16xf32> to vector<1x16xf32>
      tpu.vector_store %arg9[%swap3A_750, %swap3A_751], %swap3A_754 {strides = array<i32>} : memref<512x128xf32, #tpu.memory_space<vmem>>, vector<1x16xf32>,
      %add3A_755 = arith.constant 3 : i32
      %add3A_756 = arith.addi %mul3A_301, %add3A_755 : i32
      %get3A_757 = arith.index_cast %add3A_756 : i32 to index
      %get3A_758 = arith.constant 112 : index
      %get3A_759 = tpu.vector_load %arg9[%get3A_757, %get3A_758] {strides = array<i32>} : memref<512x128xf32, #tpu.memory_space<vmem>>, vector<1x16xf32>,
      %get3A_760 = vector.shape_cast %get3A_759 : vector<1x16xf32> to vector<16xf32>
      %mul3A_761 = arith.mulf %get3A_760, %gather3A_656 : vector<16xf32>
      %add3A_762 = arith.constant 3 : i32
      %add3A_763 = arith.addi %mul3A_301, %add3A_762 : i32
      %swap3A_764 = arith.index_cast %add3A_763 : i32 to index
      %swap3A_765 = arith.constant 112 : index
      %swap3A_766 = tpu.vector_load %arg9[%swap3A_764, %swap3A_765] {strides = array<i32>} : memref<512x128xf32, #tpu.memory_space<vmem>>, vector<1x16xf32>,
      %swap3A_767 = vector.shape_cast %swap3A_766 : vector<1x16xf32> to vector<16xf32>
      %swap3A_768 = vector.shape_cast %mul3A_761 : vector<16xf32> to vector<1x16xf32>
      tpu.vector_store %arg9[%swap3A_764, %swap3A_765], %swap3A_768 {strides = array<i32>} : memref<512x128xf32, #tpu.memory_space<vmem>>, vector<1x16xf32>,
      %broadcast_in_dim3A_769 = arith.constant 4 : i32
      %broadcast_in_dim3A_770 = vector.broadcast %broadcast_in_dim3A_769 : i32 to vector<16xi32>
      %reshape3A_771 = vector.shape_cast %broadcast_in_dim3A_770 : vector<16xi32> to vector<16x1xi32>
      %gather3A_772 = vector.shape_cast %reshape3A_771 : vector<16x1xi32> to vector<16xi32>
      %gather3A_773 = tpu.dynamic_gather %get3A_304[%gather3A_772] in [0] : vector<16xf32>, vector<16xi32> -> vector<16xf32>
      %add3A_774 = arith.constant 4 : i32
      %add3A_775 = arith.addi %mul3A_301, %add3A_774 : i32
      %get3A_776 = arith.index_cast %add3A_775 : i32 to index
      %get3A_777 = arith.constant 0 : index
      %get3A_778 = tpu.vector_load %arg9[%get3A_776, %get3A_777] {strides = array<i32>} : memref<512x128xf32, #tpu.memory_space<vmem>>, vector<1x16xf32>,
      %get3A_779 = vector.shape_cast %get3A_778 : vector<1x16xf32> to vector<16xf32>
      %mul3A_780 = arith.mulf %get3A_779, %gather3A_773 : vector<16xf32>
      %add3A_781 = arith.constant 4 : i32
      %add3A_782 = arith.addi %mul3A_301, %add3A_781 : i32
      %swap3A_783 = arith.index_cast %add3A_782 : i32 to index
      %swap3A_784 = arith.constant 0 : index
      %swap3A_785 = tpu.vector_load %arg9[%swap3A_783, %swap3A_784] {strides = array<i32>} : memref<512x128xf32, #tpu.memory_space<vmem>>, vector<1x16xf32>,
      %swap3A_786 = vector.shape_cast %swap3A_785 : vector<1x16xf32> to vector<16xf32>
      %swap3A_787 = vector.shape_cast %mul3A_780 : vector<16xf32> to vector<1x16xf32>
      tpu.vector_store %arg9[%swap3A_783, %swap3A_784], %swap3A_787 {strides = array<i32>} : memref<512x128xf32, #tpu.memory_space<vmem>>, vector<1x16xf32>,
      %add3A_788 = arith.constant 4 : i32
      %add3A_789 = arith.addi %mul3A_301, %add3A_788 : i32
      %get3A_790 = arith.index_cast %add3A_789 : i32 to index
      %get3A_791 = arith.constant 16 : index
      %get3A_792 = tpu.vector_load %arg9[%get3A_790, %get3A_791] {strides = array<i32>} : memref<512x128xf32, #tpu.memory_space<vmem>>, vector<1x16xf32>,
      %get3A_793 = vector.shape_cast %get3A_792 : vector<1x16xf32> to vector<16xf32>
      %mul3A_794 = arith.mulf %get3A_793, %gather3A_773 : vector<16xf32>
      %add3A_795 = arith.constant 4 : i32
      %add3A_796 = arith.addi %mul3A_301, %add3A_795 : i32
      %swap3A_797 = arith.index_cast %add3A_796 : i32 to index
      %swap3A_798 = arith.constant 16 : index
      %swap3A_799 = tpu.vector_load %arg9[%swap3A_797, %swap3A_798] {strides = array<i32>} : memref<512x128xf32, #tpu.memory_space<vmem>>, vector<1x16xf32>,
      %swap3A_800 = vector.shape_cast %swap3A_799 : vector<1x16xf32> to vector<16xf32>
      %swap3A_801 = vector.shape_cast %mul3A_794 : vector<16xf32> to vector<1x16xf32>
      tpu.vector_store %arg9[%swap3A_797, %swap3A_798], %swap3A_801 {strides = array<i32>} : memref<512x128xf32, #tpu.memory_space<vmem>>, vector<1x16xf32>,
      %add3A_802 = arith.constant 4 : i32
      %add3A_803 = arith.addi %mul3A_301, %add3A_802 : i32
      %get3A_804 = arith.index_cast %add3A_803 : i32 to index
      %get3A_805 = arith.constant 32 : index
      %get3A_806 = tpu.vector_load %arg9[%get3A_804, %get3A_805] {strides = array<i32>} : memref<512x128xf32, #tpu.memory_space<vmem>>, vector<1x16xf32>,
      %get3A_807 = vector.shape_cast %get3A_806 : vector<1x16xf32> to vector<16xf32>
      %mul3A_808 = arith.mulf %get3A_807, %gather3A_773 : vector<16xf32>
      %add3A_809 = arith.constant 4 : i32
      %add3A_810 = arith.addi %mul3A_301, %add3A_809 : i32
      %swap3A_811 = arith.index_cast %add3A_810 : i32 to index
      %swap3A_812 = arith.constant 32 : index
      %swap3A_813 = tpu.vector_load %arg9[%swap3A_811, %swap3A_812] {strides = array<i32>} : memref<512x128xf32, #tpu.memory_space<vmem>>, vector<1x16xf32>,
      %swap3A_814 = vector.shape_cast %swap3A_813 : vector<1x16xf32> to vector<16xf32>
      %swap3A_815 = vector.shape_cast %mul3A_808 : vector<16xf32> to vector<1x16xf32>
      tpu.vector_store %arg9[%swap3A_811, %swap3A_812], %swap3A_815 {strides = array<i32>} : memref<512x128xf32, #tpu.memory_space<vmem>>, vector<1x16xf32>,
      %add3A_816 = arith.constant 4 : i32
      %add3A_817 = arith.addi %mul3A_301, %add3A_816 : i32
      %get3A_818 = arith.index_cast %add3A_817 : i32 to index
      %get3A_819 = arith.constant 48 : index
      %get3A_820 = tpu.vector_load %arg9[%get3A_818, %get3A_819] {strides = array<i32>} : memref<512x128xf32, #tpu.memory_space<vmem>>, vector<1x16xf32>,
      %get3A_821 = vector.shape_cast %get3A_820 : vector<1x16xf32> to vector<16xf32>
      %mul3A_822 = arith.mulf %get3A_821, %gather3A_773 : vector<16xf32>
      %add3A_823 = arith.constant 4 : i32
      %add3A_824 = arith.addi %mul3A_301, %add3A_823 : i32
      %swap3A_825 = arith.index_cast %add3A_824 : i32 to index
      %swap3A_826 = arith.constant 48 : index
      %swap3A_827 = tpu.vector_load %arg9[%swap3A_825, %swap3A_826] {strides = array<i32>} : memref<512x128xf32, #tpu.memory_space<vmem>>, vector<1x16xf32>,
      %swap3A_828 = vector.shape_cast %swap3A_827 : vector<1x16xf32> to vector<16xf32>
      %swap3A_829 = vector.shape_cast %mul3A_822 : vector<16xf32> to vector<1x16xf32>
      tpu.vector_store %arg9[%swap3A_825, %swap3A_826], %swap3A_829 {strides = array<i32>} : memref<512x128xf32, #tpu.memory_space<vmem>>, vector<1x16xf32>,
      %add3A_830 = arith.constant 4 : i32
      %add3A_831 = arith.addi %mul3A_301, %add3A_830 : i32
      %get3A_832 = arith.index_cast %add3A_831 : i32 to index
      %get3A_833 = arith.constant 64 : index
      %get3A_834 = tpu.vector_load %arg9[%get3A_832, %get3A_833] {strides = array<i32>} : memref<512x128xf32, #tpu.memory_space<vmem>>, vector<1x16xf32>,
      %get3A_835 = vector.shape_cast %get3A_834 : vector<1x16xf32> to vector<16xf32>
      %mul3A_836 = arith.mulf %get3A_835, %gather3A_773 : vector<16xf32>
      %add3A_837 = arith.constant 4 : i32
      %add3A_838 = arith.addi %mul3A_301, %add3A_837 : i32
      %swap3A_839 = arith.index_cast %add3A_838 : i32 to index
      %swap3A_840 = arith.constant 64 : index
      %swap3A_841 = tpu.vector_load %arg9[%swap3A_839, %swap3A_840] {strides = array<i32>} : memref<512x128xf32, #tpu.memory_space<vmem>>, vector<1x16xf32>,
      %swap3A_842 = vector.shape_cast %swap3A_841 : vector<1x16xf32> to vector<16xf32>
      %swap3A_843 = vector.shape_cast %mul3A_836 : vector<16xf32> to vector<1x16xf32>
      tpu.vector_store %arg9[%swap3A_839, %swap3A_840], %swap3A_843 {strides = array<i32>} : memref<512x128xf32, #tpu.memory_space<vmem>>, vector<1x16xf32>,
      %add3A_844 = arith.constant 4 : i32
      %add3A_845 = arith.addi %mul3A_301, %add3A_844 : i32
      %get3A_846 = arith.index_cast %add3A_845 : i32 to index
      %get3A_847 = arith.constant 80 : index
      %get3A_848 = tpu.vector_load %arg9[%get3A_846, %get3A_847] {strides = array<i32>} : memref<512x128xf32, #tpu.memory_space<vmem>>, vector<1x16xf32>,
      %get3A_849 = vector.shape_cast %get3A_848 : vector<1x16xf32> to vector<16xf32>
      %mul3A_850 = arith.mulf %get3A_849, %gather3A_773 : vector<16xf32>
      %add3A_851 = arith.constant 4 : i32
      %add3A_852 = arith.addi %mul3A_301, %add3A_851 : i32
      %swap3A_853 = arith.index_cast %add3A_852 : i32 to index
      %swap3A_854 = arith.constant 80 : index
      %swap3A_855 = tpu.vector_load %arg9[%swap3A_853, %swap3A_854] {strides = array<i32>} : memref<512x128xf32, #tpu.memory_space<vmem>>, vector<1x16xf32>,
      %swap3A_856 = vector.shape_cast %swap3A_855 : vector<1x16xf32> to vector<16xf32>
      %swap3A_857 = vector.shape_cast %mul3A_850 : vector<16xf32> to vector<1x16xf32>
      tpu.vector_store %arg9[%swap3A_853, %swap3A_854], %swap3A_857 {strides = array<i32>} : memref<512x128xf32, #tpu.memory_space<vmem>>, vector<1x16xf32>,
      %add3A_858 = arith.constant 4 : i32
      %add3A_859 = arith.addi %mul3A_301, %add3A_858 : i32
      %get3A_860 = arith.index_cast %add3A_859 : i32 to index
      %get3A_861 = arith.constant 96 : index
      %get3A_862 = tpu.vector_load %arg9[%get3A_860, %get3A_861] {strides = array<i32>} : memref<512x128xf32, #tpu.memory_space<vmem>>, vector<1x16xf32>,
      %get3A_863 = vector.shape_cast %get3A_862 : vector<1x16xf32> to vector<16xf32>
      %mul3A_864 = arith.mulf %get3A_863, %gather3A_773 : vector<16xf32>
      %add3A_865 = arith.constant 4 : i32
      %add3A_866 = arith.addi %mul3A_301, %add3A_865 : i32
      %swap3A_867 = arith.index_cast %add3A_866 : i32 to index
      %swap3A_868 = arith.constant 96 : index
      %swap3A_869 = tpu.vector_load %arg9[%swap3A_867, %swap3A_868] {strides = array<i32>} : memref<512x128xf32, #tpu.memory_space<vmem>>, vector<1x16xf32>,
      %swap3A_870 = vector.shape_cast %swap3A_869 : vector<1x16xf32> to vector<16xf32>
      %swap3A_871 = vector.shape_cast %mul3A_864 : vector<16xf32> to vector<1x16xf32>
      tpu.vector_store %arg9[%swap3A_867, %swap3A_868], %swap3A_871 {strides = array<i32>} : memref<512x128xf32, #tpu.memory_space<vmem>>, vector<1x16xf32>,
      %add3A_872 = arith.constant 4 : i32
      %add3A_873 = arith.addi %mul3A_301, %add3A_872 : i32
      %get3A_874 = arith.index_cast %add3A_873 : i32 to index
      %get3A_875 = arith.constant 112 : index
      %get3A_876 = tpu.vector_load %arg9[%get3A_874, %get3A_875] {strides = array<i32>} : memref<512x128xf32, #tpu.memory_space<vmem>>, vector<1x16xf32>,
      %get3A_877 = vector.shape_cast %get3A_876 : vector<1x16xf32> to vector<16xf32>
      %mul3A_878 = arith.mulf %get3A_877, %gather3A_773 : vector<16xf32>
      %add3A_879 = arith.constant 4 : i32
      %add3A_880 = arith.addi %mul3A_301, %add3A_879 : i32
      %swap3A_881 = arith.index_cast %add3A_880 : i32 to index
      %swap3A_882 = arith.constant 112 : index
      %swap3A_883 = tpu.vector_load %arg9[%swap3A_881, %swap3A_882] {strides = array<i32>} : memref<512x128xf32, #tpu.memory_space<vmem>>, vector<1x16xf32>,
      %swap3A_884 = vector.shape_cast %swap3A_883 : vector<1x16xf32> to vector<16xf32>
      %swap3A_885 = vector.shape_cast %mul3A_878 : vector<16xf32> to vector<1x16xf32>
      tpu.vector_store %arg9[%swap3A_881, %swap3A_882], %swap3A_885 {strides = array<i32>} : memref<512x128xf32, #tpu.memory_space<vmem>>, vector<1x16xf32>,
      %broadcast_in_dim3A_886 = arith.constant 5 : i32
      %broadcast_in_dim3A_887 = vector.broadcast %broadcast_in_dim3A_886 : i32 to vector<16xi32>
      %reshape3A_888 = vector.shape_cast %broadcast_in_dim3A_887 : vector<16xi32> to vector<16x1xi32>
      %gather3A_889 = vector.shape_cast %reshape3A_888 : vector<16x1xi32> to vector<16xi32>
      %gather3A_890 = tpu.dynamic_gather %get3A_304[%gather3A_889] in [0] : vector<16xf32>, vector<16xi32> -> vector<16xf32>
      %add3A_891 = arith.constant 5 : i32
      %add3A_892 = arith.addi %mul3A_301, %add3A_891 : i32
      %get3A_893 = arith.index_cast %add3A_892 : i32 to index
      %get3A_894 = arith.constant 0 : index
      %get3A_895 = tpu.vector_load %arg9[%get3A_893, %get3A_894] {strides = array<i32>} : memref<512x128xf32, #tpu.memory_space<vmem>>, vector<1x16xf32>,
      %get3A_896 = vector.shape_cast %get3A_895 : vector<1x16xf32> to vector<16xf32>
      %mul3A_897 = arith.mulf %get3A_896, %gather3A_890 : vector<16xf32>
      %add3A_898 = arith.constant 5 : i32
      %add3A_899 = arith.addi %mul3A_301, %add3A_898 : i32
      %swap3A_900 = arith.index_cast %add3A_899 : i32 to index
      %swap3A_901 = arith.constant 0 : index
      %swap3A_902 = tpu.vector_load %arg9[%swap3A_900, %swap3A_901] {strides = array<i32>} : memref<512x128xf32, #tpu.memory_space<vmem>>, vector<1x16xf32>,
      %swap3A_903 = vector.shape_cast %swap3A_902 : vector<1x16xf32> to vector<16xf32>
      %swap3A_904 = vector.shape_cast %mul3A_897 : vector<16xf32> to vector<1x16xf32>
      tpu.vector_store %arg9[%swap3A_900, %swap3A_901], %swap3A_904 {strides = array<i32>} : memref<512x128xf32, #tpu.memory_space<vmem>>, vector<1x16xf32>,
      %add3A_905 = arith.constant 5 : i32
      %add3A_906 = arith.addi %mul3A_301, %add3A_905 : i32
      %get3A_907 = arith.index_cast %add3A_906 : i32 to index
      %get3A_908 = arith.constant 16 : index
      %get3A_909 = tpu.vector_load %arg9[%get3A_907, %get3A_908] {strides = array<i32>} : memref<512x128xf32, #tpu.memory_space<vmem>>, vector<1x16xf32>,
      %get3A_910 = vector.shape_cast %get3A_909 : vector<1x16xf32> to vector<16xf32>
      %mul3A_911 = arith.mulf %get3A_910, %gather3A_890 : vector<16xf32>
      %add3A_912 = arith.constant 5 : i32
      %add3A_913 = arith.addi %mul3A_301, %add3A_912 : i32
      %swap3A_914 = arith.index_cast %add3A_913 : i32 to index
      %swap3A_915 = arith.constant 16 : index
      %swap3A_916 = tpu.vector_load %arg9[%swap3A_914, %swap3A_915] {strides = array<i32>} : memref<512x128xf32, #tpu.memory_space<vmem>>, vector<1x16xf32>,
      %swap3A_917 = vector.shape_cast %swap3A_916 : vector<1x16xf32> to vector<16xf32>
      %swap3A_918 = vector.shape_cast %mul3A_911 : vector<16xf32> to vector<1x16xf32>
      tpu.vector_store %arg9[%swap3A_914, %swap3A_915], %swap3A_918 {strides = array<i32>} : memref<512x128xf32, #tpu.memory_space<vmem>>, vector<1x16xf32>,
      %add3A_919 = arith.constant 5 : i32
      %add3A_920 = arith.addi %mul3A_301, %add3A_919 : i32
      %get3A_921 = arith.index_cast %add3A_920 : i32 to index
      %get3A_922 = arith.constant 32 : index
      %get3A_923 = tpu.vector_load %arg9[%get3A_921, %get3A_922] {strides = array<i32>} : memref<512x128xf32, #tpu.memory_space<vmem>>, vector<1x16xf32>,
      %get3A_924 = vector.shape_cast %get3A_923 : vector<1x16xf32> to vector<16xf32>
      %mul3A_925 = arith.mulf %get3A_924, %gather3A_890 : vector<16xf32>
      %add3A_926 = arith.constant 5 : i32
      %add3A_927 = arith.addi %mul3A_301, %add3A_926 : i32
      %swap3A_928 = arith.index_cast %add3A_927 : i32 to index
      %swap3A_929 = arith.constant 32 : index
      %swap3A_930 = tpu.vector_load %arg9[%swap3A_928, %swap3A_929] {strides = array<i32>} : memref<512x128xf32, #tpu.memory_space<vmem>>, vector<1x16xf32>,
      %swap3A_931 = vector.shape_cast %swap3A_930 : vector<1x16xf32> to vector<16xf32>
      %swap3A_932 = vector.shape_cast %mul3A_925 : vector<16xf32> to vector<1x16xf32>
      tpu.vector_store %arg9[%swap3A_928, %swap3A_929], %swap3A_932 {strides = array<i32>} : memref<512x128xf32, #tpu.memory_space<vmem>>, vector<1x16xf32>,
      %add3A_933 = arith.constant 5 : i32
      %add3A_934 = arith.addi %mul3A_301, %add3A_933 : i32
      %get3A_935 = arith.index_cast %add3A_934 : i32 to index
      %get3A_936 = arith.constant 48 : index
      %get3A_937 = tpu.vector_load %arg9[%get3A_935, %get3A_936] {strides = array<i32>} : memref<512x128xf32, #tpu.memory_space<vmem>>, vector<1x16xf32>,
      %get3A_938 = vector.shape_cast %get3A_937 : vector<1x16xf32> to vector<16xf32>
      %mul3A_939 = arith.mulf %get3A_938, %gather3A_890 : vector<16xf32>
      %add3A_940 = arith.constant 5 : i32
      %add3A_941 = arith.addi %mul3A_301, %add3A_940 : i32
      %swap3A_942 = arith.index_cast %add3A_941 : i32 to index
      %swap3A_943 = arith.constant 48 : index
      %swap3A_944 = tpu.vector_load %arg9[%swap3A_942, %swap3A_943] {strides = array<i32>} : memref<512x128xf32, #tpu.memory_space<vmem>>, vector<1x16xf32>,
      %swap3A_945 = vector.shape_cast %swap3A_944 : vector<1x16xf32> to vector<16xf32>
      %swap3A_946 = vector.shape_cast %mul3A_939 : vector<16xf32> to vector<1x16xf32>
      tpu.vector_store %arg9[%swap3A_942, %swap3A_943], %swap3A_946 {strides = array<i32>} : memref<512x128xf32, #tpu.memory_space<vmem>>, vector<1x16xf32>,
      %add3A_947 = arith.constant 5 : i32
      %add3A_948 = arith.addi %mul3A_301, %add3A_947 : i32
      %get3A_949 = arith.index_cast %add3A_948 : i32 to index
      %get3A_950 = arith.constant 64 : index
      %get3A_951 = tpu.vector_load %arg9[%get3A_949, %get3A_950] {strides = array<i32>} : memref<512x128xf32, #tpu.memory_space<vmem>>, vector<1x16xf32>,
      %get3A_952 = vector.shape_cast %get3A_951 : vector<1x16xf32> to vector<16xf32>
      %mul3A_953 = arith.mulf %get3A_952, %gather3A_890 : vector<16xf32>
      %add3A_954 = arith.constant 5 : i32
      %add3A_955 = arith.addi %mul3A_301, %add3A_954 : i32
      %swap3A_956 = arith.index_cast %add3A_955 : i32 to index
      %swap3A_957 = arith.constant 64 : index
      %swap3A_958 = tpu.vector_load %arg9[%swap3A_956, %swap3A_957] {strides = array<i32>} : memref<512x128xf32, #tpu.memory_space<vmem>>, vector<1x16xf32>,
      %swap3A_959 = vector.shape_cast %swap3A_958 : vector<1x16xf32> to vector<16xf32>
      %swap3A_960 = vector.shape_cast %mul3A_953 : vector<16xf32> to vector<1x16xf32>
      tpu.vector_store %arg9[%swap3A_956, %swap3A_957], %swap3A_960 {strides = array<i32>} : memref<512x128xf32, #tpu.memory_space<vmem>>, vector<1x16xf32>,
      %add3A_961 = arith.constant 5 : i32
      %add3A_962 = arith.addi %mul3A_301, %add3A_961 : i32
      %get3A_963 = arith.index_cast %add3A_962 : i32 to index
      %get3A_964 = arith.constant 80 : index
      %get3A_965 = tpu.vector_load %arg9[%get3A_963, %get3A_964] {strides = array<i32>} : memref<512x128xf32, #tpu.memory_space<vmem>>, vector<1x16xf32>,
      %get3A_966 = vector.shape_cast %get3A_965 : vector<1x16xf32> to vector<16xf32>
      %mul3A_967 = arith.mulf %get3A_966, %gather3A_890 : vector<16xf32>
      %add3A_968 = arith.constant 5 : i32
      %add3A_969 = arith.addi %mul3A_301, %add3A_968 : i32
      %swap3A_970 = arith.index_cast %add3A_969 : i32 to index
      %swap3A_971 = arith.constant 80 : index
      %swap3A_972 = tpu.vector_load %arg9[%swap3A_970, %swap3A_971] {strides = array<i32>} : memref<512x128xf32, #tpu.memory_space<vmem>>, vector<1x16xf32>,
      %swap3A_973 = vector.shape_cast %swap3A_972 : vector<1x16xf32> to vector<16xf32>
      %swap3A_974 = vector.shape_cast %mul3A_967 : vector<16xf32> to vector<1x16xf32>
      tpu.vector_store %arg9[%swap3A_970, %swap3A_971], %swap3A_974 {strides = array<i32>} : memref<512x128xf32, #tpu.memory_space<vmem>>, vector<1x16xf32>,
      %add3A_975 = arith.constant 5 : i32
      %add3A_976 = arith.addi %mul3A_301, %add3A_975 : i32
      %get3A_977 = arith.index_cast %add3A_976 : i32 to index
      %get3A_978 = arith.constant 96 : index
      %get3A_979 = tpu.vector_load %arg9[%get3A_977, %get3A_978] {strides = array<i32>} : memref<512x128xf32, #tpu.memory_space<vmem>>, vector<1x16xf32>,
      %get3A_980 = vector.shape_cast %get3A_979 : vector<1x16xf32> to vector<16xf32>
      %mul3A_981 = arith.mulf %get3A_980, %gather3A_890 : vector<16xf32>
      %add3A_982 = arith.constant 5 : i32
      %add3A_983 = arith.addi %mul3A_301, %add3A_982 : i32
      %swap3A_984 = arith.index_cast %add3A_983 : i32 to index
      %swap3A_985 = arith.constant 96 : index
      %swap3A_986 = tpu.vector_load %arg9[%swap3A_984, %swap3A_985] {strides = array<i32>} : memref<512x128xf32, #tpu.memory_space<vmem>>, vector<1x16xf32>,
      %swap3A_987 = vector.shape_cast %swap3A_986 : vector<1x16xf32> to vector<16xf32>
      %swap3A_988 = vector.shape_cast %mul3A_981 : vector<16xf32> to vector<1x16xf32>
      tpu.vector_store %arg9[%swap3A_984, %swap3A_985], %swap3A_988 {strides = array<i32>} : memref<512x128xf32, #tpu.memory_space<vmem>>, vector<1x16xf32>,
      %add3A_989 = arith.constant 5 : i32
      %add3A_990 = arith.addi %mul3A_301, %add3A_989 : i32
      %get3A_991 = arith.index_cast %add3A_990 : i32 to index
      %get3A_992 = arith.constant 112 : index
      %get3A_993 = tpu.vector_load %arg9[%get3A_991, %get3A_992] {strides = array<i32>} : memref<512x128xf32, #tpu.memory_space<vmem>>, vector<1x16xf32>,
      %get3A_994 = vector.shape_cast %get3A_993 : vector<1x16xf32> to vector<16xf32>
      %mul3A_995 = arith.mulf %get3A_994, %gather3A_890 : vector<16xf32>
      %add3A_996 = arith.constant 5 : i32
      %add3A_997 = arith.addi %mul3A_301, %add3A_996 : i32
      %swap3A_998 = arith.index_cast %add3A_997 : i32 to index
      %swap3A_999 = arith.constant 112 : index
      %swap3A_1000 = tpu.vector_load %arg9[%swap3A_998, %swap3A_999] {strides = array<i32>} : memref<512x128xf32, #tpu.memory_space<vmem>>, vector<1x16xf32>,
      %swap3A_1001 = vector.shape_cast %swap3A_1000 : vector<1x16xf32> to vector<16xf32>
      %swap3A_1002 = vector.shape_cast %mul3A_995 : vector<16xf32> to vector<1x16xf32>
      tpu.vector_store %arg9[%swap3A_998, %swap3A_999], %swap3A_1002 {strides = array<i32>} : memref<512x128xf32, #tpu.memory_space<vmem>>, vector<1x16xf32>,
      %broadcast_in_dim3A_1003 = arith.constant 6 : i32
      %broadcast_in_dim3A_1004 = vector.broadcast %broadcast_in_dim3A_1003 : i32 to vector<16xi32>
      %reshape3A_1005 = vector.shape_cast %broadcast_in_dim3A_1004 : vector<16xi32> to vector<16x1xi32>
      %gather3A_1006 = vector.shape_cast %reshape3A_1005 : vector<16x1xi32> to vector<16xi32>
      %gather3A_1007 = tpu.dynamic_gather %get3A_304[%gather3A_1006] in [0] : vector<16xf32>, vector<16xi32> -> vector<16xf32>
      %add3A_1008 = arith.constant 6 : i32
      %add3A_1009 = arith.addi %mul3A_301, %add3A_1008 : i32
      %get3A_1010 = arith.index_cast %add3A_1009 : i32 to index
      %get3A_1011 = arith.constant 0 : index
      %get3A_1012 = tpu.vector_load %arg9[%get3A_1010, %get3A_1011] {strides = array<i32>} : memref<512x128xf32, #tpu.memory_space<vmem>>, vector<1x16xf32>,
      %get3A_1013 = vector.shape_cast %get3A_1012 : vector<1x16xf32> to vector<16xf32>
      %mul3A_1014 = arith.mulf %get3A_1013, %gather3A_1007 : vector<16xf32>
      %add3A_1015 = arith.constant 6 : i32
      %add3A_1016 = arith.addi %mul3A_301, %add3A_1015 : i32
      %swap3A_1017 = arith.index_cast %add3A_1016 : i32 to index
      %swap3A_1018 = arith.constant 0 : index
      %swap3A_1019 = tpu.vector_load %arg9[%swap3A_1017, %swap3A_1018] {strides = array<i32>} : memref<512x128xf32, #tpu.memory_space<vmem>>, vector<1x16xf32>,
      %swap3A_1020 = vector.shape_cast %swap3A_1019 : vector<1x16xf32> to vector<16xf32>
      %swap3A_1021 = vector.shape_cast %mul3A_1014 : vector<16xf32> to vector<1x16xf32>
      tpu.vector_store %arg9[%swap3A_1017, %swap3A_1018], %swap3A_1021 {strides = array<i32>} : memref<512x128xf32, #tpu.memory_space<vmem>>, vector<1x16xf32>,
      %add3A_1022 = arith.constant 6 : i32
      %add3A_1023 = arith.addi %mul3A_301, %add3A_1022 : i32
      %get3A_1024 = arith.index_cast %add3A_1023 : i32 to index
      %get3A_1025 = arith.constant 16 : index
      %get3A_1026 = tpu.vector_load %arg9[%get3A_1024, %get3A_1025] {strides = array<i32>} : memref<512x128xf32, #tpu.memory_space<vmem>>, vector<1x16xf32>,
      %get3A_1027 = vector.shape_cast %get3A_1026 : vector<1x16xf32> to vector<16xf32>
      %mul3A_1028 = arith.mulf %get3A_1027, %gather3A_1007 : vector<16xf32>
      %add3A_1029 = arith.constant 6 : i32
      %add3A_1030 = arith.addi %mul3A_301, %add3A_1029 : i32
      %swap3A_1031 = arith.index_cast %add3A_1030 : i32 to index
      %swap3A_1032 = arith.constant 16 : index
      %swap3A_1033 = tpu.vector_load %arg9[%swap3A_1031, %swap3A_1032] {strides = array<i32>} : memref<512x128xf32, #tpu.memory_space<vmem>>, vector<1x16xf32>,
      %swap3A_1034 = vector.shape_cast %swap3A_1033 : vector<1x16xf32> to vector<16xf32>
      %swap3A_1035 = vector.shape_cast %mul3A_1028 : vector<16xf32> to vector<1x16xf32>
      tpu.vector_store %arg9[%swap3A_1031, %swap3A_1032], %swap3A_1035 {strides = array<i32>} : memref<512x128xf32, #tpu.memory_space<vmem>>, vector<1x16xf32>,
      %add3A_1036 = arith.constant 6 : i32
      %add3A_1037 = arith.addi %mul3A_301, %add3A_1036 : i32
      %get3A_1038 = arith.index_cast %add3A_1037 : i32 to index
      %get3A_1039 = arith.constant 32 : index
      %get3A_1040 = tpu.vector_load %arg9[%get3A_1038, %get3A_1039] {strides = array<i32>} : memref<512x128xf32, #tpu.memory_space<vmem>>, vector<1x16xf32>,
      %get3A_1041 = vector.shape_cast %get3A_1040 : vector<1x16xf32> to vector<16xf32>
      %mul3A_1042 = arith.mulf %get3A_1041, %gather3A_1007 : vector<16xf32>
      %add3A_1043 = arith.constant 6 : i32
      %add3A_1044 = arith.addi %mul3A_301, %add3A_1043 : i32
      %swap3A_1045 = arith.index_cast %add3A_1044 : i32 to index
      %swap3A_1046 = arith.constant 32 : index
      %swap3A_1047 = tpu.vector_load %arg9[%swap3A_1045, %swap3A_1046] {strides = array<i32>} : memref<512x128xf32, #tpu.memory_space<vmem>>, vector<1x16xf32>,
      %swap3A_1048 = vector.shape_cast %swap3A_1047 : vector<1x16xf32> to vector<16xf32>
      %swap3A_1049 = vector.shape_cast %mul3A_1042 : vector<16xf32> to vector<1x16xf32>
      tpu.vector_store %arg9[%swap3A_1045, %swap3A_1046], %swap3A_1049 {strides = array<i32>} : memref<512x128xf32, #tpu.memory_space<vmem>>, vector<1x16xf32>,
      %add3A_1050 = arith.constant 6 : i32
      %add3A_1051 = arith.addi %mul3A_301, %add3A_1050 : i32
      %get3A_1052 = arith.index_cast %add3A_1051 : i32 to index
      %get3A_1053 = arith.constant 48 : index
      %get3A_1054 = tpu.vector_load %arg9[%get3A_1052, %get3A_1053] {strides = array<i32>} : memref<512x128xf32, #tpu.memory_space<vmem>>, vector<1x16xf32>,
      %get3A_1055 = vector.shape_cast %get3A_1054 : vector<1x16xf32> to vector<16xf32>
      %mul3A_1056 = arith.mulf %get3A_1055, %gather3A_1007 : vector<16xf32>
      %add3A_1057 = arith.constant 6 : i32
      %add3A_1058 = arith.addi %mul3A_301, %add3A_1057 : i32
      %swap3A_1059 = arith.index_cast %add3A_1058 : i32 to index
      %swap3A_1060 = arith.constant 48 : index
      %swap3A_1061 = tpu.vector_load %arg9[%swap3A_1059, %swap3A_1060] {strides = array<i32>} : memref<512x128xf32, #tpu.memory_space<vmem>>, vector<1x16xf32>,
      %swap3A_1062 = vector.shape_cast %swap3A_1061 : vector<1x16xf32> to vector<16xf32>
      %swap3A_1063 = vector.shape_cast %mul3A_1056 : vector<16xf32> to vector<1x16xf32>
      tpu.vector_store %arg9[%swap3A_1059, %swap3A_1060], %swap3A_1063 {strides = array<i32>} : memref<512x128xf32, #tpu.memory_space<vmem>>, vector<1x16xf32>,
      %add3A_1064 = arith.constant 6 : i32
      %add3A_1065 = arith.addi %mul3A_301, %add3A_1064 : i32
      %get3A_1066 = arith.index_cast %add3A_1065 : i32 to index
      %get3A_1067 = arith.constant 64 : index
      %get3A_1068 = tpu.vector_load %arg9[%get3A_1066, %get3A_1067] {strides = array<i32>} : memref<512x128xf32, #tpu.memory_space<vmem>>, vector<1x16xf32>,
      %get3A_1069 = vector.shape_cast %get3A_1068 : vector<1x16xf32> to vector<16xf32>
      %mul3A_1070 = arith.mulf %get3A_1069, %gather3A_1007 : vector<16xf32>
      %add3A_1071 = arith.constant 6 : i32
      %add3A_1072 = arith.addi %mul3A_301, %add3A_1071 : i32
      %swap3A_1073 = arith.index_cast %add3A_1072 : i32 to index
      %swap3A_1074 = arith.constant 64 : index
      %swap3A_1075 = tpu.vector_load %arg9[%swap3A_1073, %swap3A_1074] {strides = array<i32>} : memref<512x128xf32, #tpu.memory_space<vmem>>, vector<1x16xf32>,
      %swap3A_1076 = vector.shape_cast %swap3A_1075 : vector<1x16xf32> to vector<16xf32>
      %swap3A_1077 = vector.shape_cast %mul3A_1070 : vector<16xf32> to vector<1x16xf32>
      tpu.vector_store %arg9[%swap3A_1073, %swap3A_1074], %swap3A_1077 {strides = array<i32>} : memref<512x128xf32, #tpu.memory_space<vmem>>, vector<1x16xf32>,
      %add3A_1078 = arith.constant 6 : i32
      %add3A_1079 = arith.addi %mul3A_301, %add3A_1078 : i32
      %get3A_1080 = arith.index_cast %add3A_1079 : i32 to index
      %get3A_1081 = arith.constant 80 : index
      %get3A_1082 = tpu.vector_load %arg9[%get3A_1080, %get3A_1081] {strides = array<i32>} : memref<512x128xf32, #tpu.memory_space<vmem>>, vector<1x16xf32>,
      %get3A_1083 = vector.shape_cast %get3A_1082 : vector<1x16xf32> to vector<16xf32>
      %mul3A_1084 = arith.mulf %get3A_1083, %gather3A_1007 : vector<16xf32>
      %add3A_1085 = arith.constant 6 : i32
      %add3A_1086 = arith.addi %mul3A_301, %add3A_1085 : i32
      %swap3A_1087 = arith.index_cast %add3A_1086 : i32 to index
      %swap3A_1088 = arith.constant 80 : index
      %swap3A_1089 = tpu.vector_load %arg9[%swap3A_1087, %swap3A_1088] {strides = array<i32>} : memref<512x128xf32, #tpu.memory_space<vmem>>, vector<1x16xf32>,
      %swap3A_1090 = vector.shape_cast %swap3A_1089 : vector<1x16xf32> to vector<16xf32>
      %swap3A_1091 = vector.shape_cast %mul3A_1084 : vector<16xf32> to vector<1x16xf32>
      tpu.vector_store %arg9[%swap3A_1087, %swap3A_1088], %swap3A_1091 {strides = array<i32>} : memref<512x128xf32, #tpu.memory_space<vmem>>, vector<1x16xf32>,
      %add3A_1092 = arith.constant 6 : i32
      %add3A_1093 = arith.addi %mul3A_301, %add3A_1092 : i32
      %get3A_1094 = arith.index_cast %add3A_1093 : i32 to index
      %get3A_1095 = arith.constant 96 : index
      %get3A_1096 = tpu.vector_load %arg9[%get3A_1094, %get3A_1095] {strides = array<i32>} : memref<512x128xf32, #tpu.memory_space<vmem>>, vector<1x16xf32>,
      %get3A_1097 = vector.shape_cast %get3A_1096 : vector<1x16xf32> to vector<16xf32>
      %mul3A_1098 = arith.mulf %get3A_1097, %gather3A_1007 : vector<16xf32>
      %add3A_1099 = arith.constant 6 : i32
      %add3A_1100 = arith.addi %mul3A_301, %add3A_1099 : i32
      %swap3A_1101 = arith.index_cast %add3A_1100 : i32 to index
      %swap3A_1102 = arith.constant 96 : index
      %swap3A_1103 = tpu.vector_load %arg9[%swap3A_1101, %swap3A_1102] {strides = array<i32>} : memref<512x128xf32, #tpu.memory_space<vmem>>, vector<1x16xf32>,
      %swap3A_1104 = vector.shape_cast %swap3A_1103 : vector<1x16xf32> to vector<16xf32>
      %swap3A_1105 = vector.shape_cast %mul3A_1098 : vector<16xf32> to vector<1x16xf32>
      tpu.vector_store %arg9[%swap3A_1101, %swap3A_1102], %swap3A_1105 {strides = array<i32>} : memref<512x128xf32, #tpu.memory_space<vmem>>, vector<1x16xf32>,
      %add3A_1106 = arith.constant 6 : i32
      %add3A_1107 = arith.addi %mul3A_301, %add3A_1106 : i32
      %get3A_1108 = arith.index_cast %add3A_1107 : i32 to index
      %get3A_1109 = arith.constant 112 : index
      %get3A_1110 = tpu.vector_load %arg9[%get3A_1108, %get3A_1109] {strides = array<i32>} : memref<512x128xf32, #tpu.memory_space<vmem>>, vector<1x16xf32>,
      %get3A_1111 = vector.shape_cast %get3A_1110 : vector<1x16xf32> to vector<16xf32>
      %mul3A_1112 = arith.mulf %get3A_1111, %gather3A_1007 : vector<16xf32>
      %add3A_1113 = arith.constant 6 : i32
      %add3A_1114 = arith.addi %mul3A_301, %add3A_1113 : i32
      %swap3A_1115 = arith.index_cast %add3A_1114 : i32 to index
      %swap3A_1116 = arith.constant 112 : index
      %swap3A_1117 = tpu.vector_load %arg9[%swap3A_1115, %swap3A_1116] {strides = array<i32>} : memref<512x128xf32, #tpu.memory_space<vmem>>, vector<1x16xf32>,
      %swap3A_1118 = vector.shape_cast %swap3A_1117 : vector<1x16xf32> to vector<16xf32>
      %swap3A_1119 = vector.shape_cast %mul3A_1112 : vector<16xf32> to vector<1x16xf32>
      tpu.vector_store %arg9[%swap3A_1115, %swap3A_1116], %swap3A_1119 {strides = array<i32>} : memref<512x128xf32, #tpu.memory_space<vmem>>, vector<1x16xf32>,
      %broadcast_in_dim3A_1120 = arith.constant 7 : i32
      %broadcast_in_dim3A_1121 = vector.broadcast %broadcast_in_dim3A_1120 : i32 to vector<16xi32>
      %reshape3A_1122 = vector.shape_cast %broadcast_in_dim3A_1121 : vector<16xi32> to vector<16x1xi32>
      %gather3A_1123 = vector.shape_cast %reshape3A_1122 : vector<16x1xi32> to vector<16xi32>
      %gather3A_1124 = tpu.dynamic_gather %get3A_304[%gather3A_1123] in [0] : vector<16xf32>, vector<16xi32> -> vector<16xf32>
      %add3A_1125 = arith.constant 7 : i32
      %add3A_1126 = arith.addi %mul3A_301, %add3A_1125 : i32
      %get3A_1127 = arith.index_cast %add3A_1126 : i32 to index
      %get3A_1128 = arith.constant 0 : index
      %get3A_1129 = tpu.vector_load %arg9[%get3A_1127, %get3A_1128] {strides = array<i32>} : memref<512x128xf32, #tpu.memory_space<vmem>>, vector<1x16xf32>,
      %get3A_1130 = vector.shape_cast %get3A_1129 : vector<1x16xf32> to vector<16xf32>
      %mul3A_1131 = arith.mulf %get3A_1130, %gather3A_1124 : vector<16xf32>
      %add3A_1132 = arith.constant 7 : i32
      %add3A_1133 = arith.addi %mul3A_301, %add3A_1132 : i32
      %swap3A_1134 = arith.index_cast %add3A_1133 : i32 to index
      %swap3A_1135 = arith.constant 0 : index
      %swap3A_1136 = tpu.vector_load %arg9[%swap3A_1134, %swap3A_1135] {strides = array<i32>} : memref<512x128xf32, #tpu.memory_space<vmem>>, vector<1x16xf32>,
      %swap3A_1137 = vector.shape_cast %swap3A_1136 : vector<1x16xf32> to vector<16xf32>
      %swap3A_1138 = vector.shape_cast %mul3A_1131 : vector<16xf32> to vector<1x16xf32>
      tpu.vector_store %arg9[%swap3A_1134, %swap3A_1135], %swap3A_1138 {strides = array<i32>} : memref<512x128xf32, #tpu.memory_space<vmem>>, vector<1x16xf32>,
      %add3A_1139 = arith.constant 7 : i32
      %add3A_1140 = arith.addi %mul3A_301, %add3A_1139 : i32
      %get3A_1141 = arith.index_cast %add3A_1140 : i32 to index
      %get3A_1142 = arith.constant 16 : index
      %get3A_1143 = tpu.vector_load %arg9[%get3A_1141, %get3A_1142] {strides = array<i32>} : memref<512x128xf32, #tpu.memory_space<vmem>>, vector<1x16xf32>,
      %get3A_1144 = vector.shape_cast %get3A_1143 : vector<1x16xf32> to vector<16xf32>
      %mul3A_1145 = arith.mulf %get3A_1144, %gather3A_1124 : vector<16xf32>
      %add3A_1146 = arith.constant 7 : i32
      %add3A_1147 = arith.addi %mul3A_301, %add3A_1146 : i32
      %swap3A_1148 = arith.index_cast %add3A_1147 : i32 to index
      %swap3A_1149 = arith.constant 16 : index
      %swap3A_1150 = tpu.vector_load %arg9[%swap3A_1148, %swap3A_1149] {strides = array<i32>} : memref<512x128xf32, #tpu.memory_space<vmem>>, vector<1x16xf32>,
      %swap3A_1151 = vector.shape_cast %swap3A_1150 : vector<1x16xf32> to vector<16xf32>
      %swap3A_1152 = vector.shape_cast %mul3A_1145 : vector<16xf32> to vector<1x16xf32>
      tpu.vector_store %arg9[%swap3A_1148, %swap3A_1149], %swap3A_1152 {strides = array<i32>} : memref<512x128xf32, #tpu.memory_space<vmem>>, vector<1x16xf32>,
      %add3A_1153 = arith.constant 7 : i32
      %add3A_1154 = arith.addi %mul3A_301, %add3A_1153 : i32
      %get3A_1155 = arith.index_cast %add3A_1154 : i32 to index
      %get3A_1156 = arith.constant 32 : index
      %get3A_1157 = tpu.vector_load %arg9[%get3A_1155, %get3A_1156] {strides = array<i32>} : memref<512x128xf32, #tpu.memory_space<vmem>>, vector<1x16xf32>,
      %get3A_1158 = vector.shape_cast %get3A_1157 : vector<1x16xf32> to vector<16xf32>
      %mul3A_1159 = arith.mulf %get3A_1158, %gather3A_1124 : vector<16xf32>
      %add3A_1160 = arith.constant 7 : i32
      %add3A_1161 = arith.addi %mul3A_301, %add3A_1160 : i32
      %swap3A_1162 = arith.index_cast %add3A_1161 : i32 to index
      %swap3A_1163 = arith.constant 32 : index
      %swap3A_1164 = tpu.vector_load %arg9[%swap3A_1162, %swap3A_1163] {strides = array<i32>} : memref<512x128xf32, #tpu.memory_space<vmem>>, vector<1x16xf32>,
      %swap3A_1165 = vector.shape_cast %swap3A_1164 : vector<1x16xf32> to vector<16xf32>
      %swap3A_1166 = vector.shape_cast %mul3A_1159 : vector<16xf32> to vector<1x16xf32>
      tpu.vector_store %arg9[%swap3A_1162, %swap3A_1163], %swap3A_1166 {strides = array<i32>} : memref<512x128xf32, #tpu.memory_space<vmem>>, vector<1x16xf32>,
      %add3A_1167 = arith.constant 7 : i32
      %add3A_1168 = arith.addi %mul3A_301, %add3A_1167 : i32
      %get3A_1169 = arith.index_cast %add3A_1168 : i32 to index
      %get3A_1170 = arith.constant 48 : index
      %get3A_1171 = tpu.vector_load %arg9[%get3A_1169, %get3A_1170] {strides = array<i32>} : memref<512x128xf32, #tpu.memory_space<vmem>>, vector<1x16xf32>,
      %get3A_1172 = vector.shape_cast %get3A_1171 : vector<1x16xf32> to vector<16xf32>
      %mul3A_1173 = arith.mulf %get3A_1172, %gather3A_1124 : vector<16xf32>
      %add3A_1174 = arith.constant 7 : i32
      %add3A_1175 = arith.addi %mul3A_301, %add3A_1174 : i32
      %swap3A_1176 = arith.index_cast %add3A_1175 : i32 to index
      %swap3A_1177 = arith.constant 48 : index
      %swap3A_1178 = tpu.vector_load %arg9[%swap3A_1176, %swap3A_1177] {strides = array<i32>} : memref<512x128xf32, #tpu.memory_space<vmem>>, vector<1x16xf32>,
      %swap3A_1179 = vector.shape_cast %swap3A_1178 : vector<1x16xf32> to vector<16xf32>
      %swap3A_1180 = vector.shape_cast %mul3A_1173 : vector<16xf32> to vector<1x16xf32>
      tpu.vector_store %arg9[%swap3A_1176, %swap3A_1177], %swap3A_1180 {strides = array<i32>} : memref<512x128xf32, #tpu.memory_space<vmem>>, vector<1x16xf32>,
      %add3A_1181 = arith.constant 7 : i32
      %add3A_1182 = arith.addi %mul3A_301, %add3A_1181 : i32
      %get3A_1183 = arith.index_cast %add3A_1182 : i32 to index
      %get3A_1184 = arith.constant 64 : index
      %get3A_1185 = tpu.vector_load %arg9[%get3A_1183, %get3A_1184] {strides = array<i32>} : memref<512x128xf32, #tpu.memory_space<vmem>>, vector<1x16xf32>,
      %get3A_1186 = vector.shape_cast %get3A_1185 : vector<1x16xf32> to vector<16xf32>
      %mul3A_1187 = arith.mulf %get3A_1186, %gather3A_1124 : vector<16xf32>
      %add3A_1188 = arith.constant 7 : i32
      %add3A_1189 = arith.addi %mul3A_301, %add3A_1188 : i32
      %swap3A_1190 = arith.index_cast %add3A_1189 : i32 to index
      %swap3A_1191 = arith.constant 64 : index
      %swap3A_1192 = tpu.vector_load %arg9[%swap3A_1190, %swap3A_1191] {strides = array<i32>} : memref<512x128xf32, #tpu.memory_space<vmem>>, vector<1x16xf32>,
      %swap3A_1193 = vector.shape_cast %swap3A_1192 : vector<1x16xf32> to vector<16xf32>
      %swap3A_1194 = vector.shape_cast %mul3A_1187 : vector<16xf32> to vector<1x16xf32>
      tpu.vector_store %arg9[%swap3A_1190, %swap3A_1191], %swap3A_1194 {strides = array<i32>} : memref<512x128xf32, #tpu.memory_space<vmem>>, vector<1x16xf32>,
      %add3A_1195 = arith.constant 7 : i32
      %add3A_1196 = arith.addi %mul3A_301, %add3A_1195 : i32
      %get3A_1197 = arith.index_cast %add3A_1196 : i32 to index
      %get3A_1198 = arith.constant 80 : index
      %get3A_1199 = tpu.vector_load %arg9[%get3A_1197, %get3A_1198] {strides = array<i32>} : memref<512x128xf32, #tpu.memory_space<vmem>>, vector<1x16xf32>,
      %get3A_1200 = vector.shape_cast %get3A_1199 : vector<1x16xf32> to vector<16xf32>
      %mul3A_1201 = arith.mulf %get3A_1200, %gather3A_1124 : vector<16xf32>
      %add3A_1202 = arith.constant 7 : i32
      %add3A_1203 = arith.addi %mul3A_301, %add3A_1202 : i32
      %swap3A_1204 = arith.index_cast %add3A_1203 : i32 to index
      %swap3A_1205 = arith.constant 80 : index
      %swap3A_1206 = tpu.vector_load %arg9[%swap3A_1204, %swap3A_1205] {strides = array<i32>} : memref<512x128xf32, #tpu.memory_space<vmem>>, vector<1x16xf32>,
      %swap3A_1207 = vector.shape_cast %swap3A_1206 : vector<1x16xf32> to vector<16xf32>
      %swap3A_1208 = vector.shape_cast %mul3A_1201 : vector<16xf32> to vector<1x16xf32>
      tpu.vector_store %arg9[%swap3A_1204, %swap3A_1205], %swap3A_1208 {strides = array<i32>} : memref<512x128xf32, #tpu.memory_space<vmem>>, vector<1x16xf32>,
      %add3A_1209 = arith.constant 7 : i32
      %add3A_1210 = arith.addi %mul3A_301, %add3A_1209 : i32
      %get3A_1211 = arith.index_cast %add3A_1210 : i32 to index
      %get3A_1212 = arith.constant 96 : index
      %get3A_1213 = tpu.vector_load %arg9[%get3A_1211, %get3A_1212] {strides = array<i32>} : memref<512x128xf32, #tpu.memory_space<vmem>>, vector<1x16xf32>,
      %get3A_1214 = vector.shape_cast %get3A_1213 : vector<1x16xf32> to vector<16xf32>
      %mul3A_1215 = arith.mulf %get3A_1214, %gather3A_1124 : vector<16xf32>
      %add3A_1216 = arith.constant 7 : i32
      %add3A_1217 = arith.addi %mul3A_301, %add3A_1216 : i32
      %swap3A_1218 = arith.index_cast %add3A_1217 : i32 to index
      %swap3A_1219 = arith.constant 96 : index
      %swap3A_1220 = tpu.vector_load %arg9[%swap3A_1218, %swap3A_1219] {strides = array<i32>} : memref<512x128xf32, #tpu.memory_space<vmem>>, vector<1x16xf32>,
      %swap3A_1221 = vector.shape_cast %swap3A_1220 : vector<1x16xf32> to vector<16xf32>
      %swap3A_1222 = vector.shape_cast %mul3A_1215 : vector<16xf32> to vector<1x16xf32>
      tpu.vector_store %arg9[%swap3A_1218, %swap3A_1219], %swap3A_1222 {strides = array<i32>} : memref<512x128xf32, #tpu.memory_space<vmem>>, vector<1x16xf32>,
      %add3A_1223 = arith.constant 7 : i32
      %add3A_1224 = arith.addi %mul3A_301, %add3A_1223 : i32
      %get3A_1225 = arith.index_cast %add3A_1224 : i32 to index
      %get3A_1226 = arith.constant 112 : index
      %get3A_1227 = tpu.vector_load %arg9[%get3A_1225, %get3A_1226] {strides = array<i32>} : memref<512x128xf32, #tpu.memory_space<vmem>>, vector<1x16xf32>,
      %get3A_1228 = vector.shape_cast %get3A_1227 : vector<1x16xf32> to vector<16xf32>
      %mul3A_1229 = arith.mulf %get3A_1228, %gather3A_1124 : vector<16xf32>
      %add3A_1230 = arith.constant 7 : i32
      %add3A_1231 = arith.addi %mul3A_301, %add3A_1230 : i32
      %swap3A_1232 = arith.index_cast %add3A_1231 : i32 to index
      %swap3A_1233 = arith.constant 112 : index
      %swap3A_1234 = tpu.vector_load %arg9[%swap3A_1232, %swap3A_1233] {strides = array<i32>} : memref<512x128xf32, #tpu.memory_space<vmem>>, vector<1x16xf32>,
      %swap3A_1235 = vector.shape_cast %swap3A_1234 : vector<1x16xf32> to vector<16xf32>
      %swap3A_1236 = vector.shape_cast %mul3A_1229 : vector<16xf32> to vector<1x16xf32>
      tpu.vector_store %arg9[%swap3A_1232, %swap3A_1233], %swap3A_1236 {strides = array<i32>} : memref<512x128xf32, #tpu.memory_space<vmem>>, vector<1x16xf32>,
      %broadcast_in_dim3A_1237 = arith.constant 8 : i32
      %broadcast_in_dim3A_1238 = vector.broadcast %broadcast_in_dim3A_1237 : i32 to vector<16xi32>
      %reshape3A_1239 = vector.shape_cast %broadcast_in_dim3A_1238 : vector<16xi32> to vector<16x1xi32>
      %gather3A_1240 = vector.shape_cast %reshape3A_1239 : vector<16x1xi32> to vector<16xi32>
      %gather3A_1241 = tpu.dynamic_gather %get3A_304[%gather3A_1240] in [0] : vector<16xf32>, vector<16xi32> -> vector<16xf32>
      %add3A_1242 = arith.constant 8 : i32
      %add3A_1243 = arith.addi %mul3A_301, %add3A_1242 : i32
      %get3A_1244 = arith.index_cast %add3A_1243 : i32 to index
      %get3A_1245 = arith.constant 0 : index
      %get3A_1246 = tpu.vector_load %arg9[%get3A_1244, %get3A_1245] {strides = array<i32>} : memref<512x128xf32, #tpu.memory_space<vmem>>, vector<1x16xf32>,
      %get3A_1247 = vector.shape_cast %get3A_1246 : vector<1x16xf32> to vector<16xf32>
      %mul3A_1248 = arith.mulf %get3A_1247, %gather3A_1241 : vector<16xf32>
      %add3A_1249 = arith.constant 8 : i32
      %add3A_1250 = arith.addi %mul3A_301, %add3A_1249 : i32
      %swap3A_1251 = arith.index_cast %add3A_1250 : i32 to index
      %swap3A_1252 = arith.constant 0 : index
      %swap3A_1253 = tpu.vector_load %arg9[%swap3A_1251, %swap3A_1252] {strides = array<i32>} : memref<512x128xf32, #tpu.memory_space<vmem>>, vector<1x16xf32>,
      %swap3A_1254 = vector.shape_cast %swap3A_1253 : vector<1x16xf32> to vector<16xf32>
      %swap3A_1255 = vector.shape_cast %mul3A_1248 : vector<16xf32> to vector<1x16xf32>
      tpu.vector_store %arg9[%swap3A_1251, %swap3A_1252], %swap3A_1255 {strides = array<i32>} : memref<512x128xf32, #tpu.memory_space<vmem>>, vector<1x16xf32>,
      %add3A_1256 = arith.constant 8 : i32
      %add3A_1257 = arith.addi %mul3A_301, %add3A_1256 : i32
      %get3A_1258 = arith.index_cast %add3A_1257 : i32 to index
      %get3A_1259 = arith.constant 16 : index
      %get3A_1260 = tpu.vector_load %arg9[%get3A_1258, %get3A_1259] {strides = array<i32>} : memref<512x128xf32, #tpu.memory_space<vmem>>, vector<1x16xf32>,
      %get3A_1261 = vector.shape_cast %get3A_1260 : vector<1x16xf32> to vector<16xf32>
      %mul3A_1262 = arith.mulf %get3A_1261, %gather3A_1241 : vector<16xf32>
      %add3A_1263 = arith.constant 8 : i32
      %add3A_1264 = arith.addi %mul3A_301, %add3A_1263 : i32
      %swap3A_1265 = arith.index_cast %add3A_1264 : i32 to index
      %swap3A_1266 = arith.constant 16 : index
      %swap3A_1267 = tpu.vector_load %arg9[%swap3A_1265, %swap3A_1266] {strides = array<i32>} : memref<512x128xf32, #tpu.memory_space<vmem>>, vector<1x16xf32>,
      %swap3A_1268 = vector.shape_cast %swap3A_1267 : vector<1x16xf32> to vector<16xf32>
      %swap3A_1269 = vector.shape_cast %mul3A_1262 : vector<16xf32> to vector<1x16xf32>
      tpu.vector_store %arg9[%swap3A_1265, %swap3A_1266], %swap3A_1269 {strides = array<i32>} : memref<512x128xf32, #tpu.memory_space<vmem>>, vector<1x16xf32>,
      %add3A_1270 = arith.constant 8 : i32
      %add3A_1271 = arith.addi %mul3A_301, %add3A_1270 : i32
      %get3A_1272 = arith.index_cast %add3A_1271 : i32 to index
      %get3A_1273 = arith.constant 32 : index
      %get3A_1274 = tpu.vector_load %arg9[%get3A_1272, %get3A_1273] {strides = array<i32>} : memref<512x128xf32, #tpu.memory_space<vmem>>, vector<1x16xf32>,
      %get3A_1275 = vector.shape_cast %get3A_1274 : vector<1x16xf32> to vector<16xf32>
      %mul3A_1276 = arith.mulf %get3A_1275, %gather3A_1241 : vector<16xf32>
      %add3A_1277 = arith.constant 8 : i32
      %add3A_1278 = arith.addi %mul3A_301, %add3A_1277 : i32
      %swap3A_1279 = arith.index_cast %add3A_1278 : i32 to index
      %swap3A_1280 = arith.constant 32 : index
      %swap3A_1281 = tpu.vector_load %arg9[%swap3A_1279, %swap3A_1280] {strides = array<i32>} : memref<512x128xf32, #tpu.memory_space<vmem>>, vector<1x16xf32>,
      %swap3A_1282 = vector.shape_cast %swap3A_1281 : vector<1x16xf32> to vector<16xf32>
      %swap3A_1283 = vector.shape_cast %mul3A_1276 : vector<16xf32> to vector<1x16xf32>
      tpu.vector_store %arg9[%swap3A_1279, %swap3A_1280], %swap3A_1283 {strides = array<i32>} : memref<512x128xf32, #tpu.memory_space<vmem>>, vector<1x16xf32>,
      %add3A_1284 = arith.constant 8 : i32
      %add3A_1285 = arith.addi %mul3A_301, %add3A_1284 : i32
      %get3A_1286 = arith.index_cast %add3A_1285 : i32 to index
      %get3A_1287 = arith.constant 48 : index
      %get3A_1288 = tpu.vector_load %arg9[%get3A_1286, %get3A_1287] {strides = array<i32>} : memref<512x128xf32, #tpu.memory_space<vmem>>, vector<1x16xf32>,
      %get3A_1289 = vector.shape_cast %get3A_1288 : vector<1x16xf32> to vector<16xf32>
      %mul3A_1290 = arith.mulf %get3A_1289, %gather3A_1241 : vector<16xf32>
      %add3A_1291 = arith.constant 8 : i32
      %add3A_1292 = arith.addi %mul3A_301, %add3A_1291 : i32
      %swap3A_1293 = arith.index_cast %add3A_1292 : i32 to index
      %swap3A_1294 = arith.constant 48 : index
      %swap3A_1295 = tpu.vector_load %arg9[%swap3A_1293, %swap3A_1294] {strides = array<i32>} : memref<512x128xf32, #tpu.memory_space<vmem>>, vector<1x16xf32>,
      %swap3A_1296 = vector.shape_cast %swap3A_1295 : vector<1x16xf32> to vector<16xf32>
      %swap3A_1297 = vector.shape_cast %mul3A_1290 : vector<16xf32> to vector<1x16xf32>
      tpu.vector_store %arg9[%swap3A_1293, %swap3A_1294], %swap3A_1297 {strides = array<i32>} : memref<512x128xf32, #tpu.memory_space<vmem>>, vector<1x16xf32>,
      %add3A_1298 = arith.constant 8 : i32
      %add3A_1299 = arith.addi %mul3A_301, %add3A_1298 : i32
      %get3A_1300 = arith.index_cast %add3A_1299 : i32 to index
      %get3A_1301 = arith.constant 64 : index
      %get3A_1302 = tpu.vector_load %arg9[%get3A_1300, %get3A_1301] {strides = array<i32>} : memref<512x128xf32, #tpu.memory_space<vmem>>, vector<1x16xf32>,
      %get3A_1303 = vector.shape_cast %get3A_1302 : vector<1x16xf32> to vector<16xf32>
      %mul3A_1304 = arith.mulf %get3A_1303, %gather3A_1241 : vector<16xf32>
      %add3A_1305 = arith.constant 8 : i32
      %add3A_1306 = arith.addi %mul3A_301, %add3A_1305 : i32
      %swap3A_1307 = arith.index_cast %add3A_1306 : i32 to index
      %swap3A_1308 = arith.constant 64 : index
      %swap3A_1309 = tpu.vector_load %arg9[%swap3A_1307, %swap3A_1308] {strides = array<i32>} : memref<512x128xf32, #tpu.memory_space<vmem>>, vector<1x16xf32>,
      %swap3A_1310 = vector.shape_cast %swap3A_1309 : vector<1x16xf32> to vector<16xf32>
      %swap3A_1311 = vector.shape_cast %mul3A_1304 : vector<16xf32> to vector<1x16xf32>
      tpu.vector_store %arg9[%swap3A_1307, %swap3A_1308], %swap3A_1311 {strides = array<i32>} : memref<512x128xf32, #tpu.memory_space<vmem>>, vector<1x16xf32>,
      %add3A_1312 = arith.constant 8 : i32
      %add3A_1313 = arith.addi %mul3A_301, %add3A_1312 : i32
      %get3A_1314 = arith.index_cast %add3A_1313 : i32 to index
      %get3A_1315 = arith.constant 80 : index
      %get3A_1316 = tpu.vector_load %arg9[%get3A_1314, %get3A_1315] {strides = array<i32>} : memref<512x128xf32, #tpu.memory_space<vmem>>, vector<1x16xf32>,
      %get3A_1317 = vector.shape_cast %get3A_1316 : vector<1x16xf32> to vector<16xf32>
      %mul3A_1318 = arith.mulf %get3A_1317, %gather3A_1241 : vector<16xf32>
      %add3A_1319 = arith.constant 8 : i32
      %add3A_1320 = arith.addi %mul3A_301, %add3A_1319 : i32
      %swap3A_1321 = arith.index_cast %add3A_1320 : i32 to index
      %swap3A_1322 = arith.constant 80 : index
      %swap3A_1323 = tpu.vector_load %arg9[%swap3A_1321, %swap3A_1322] {strides = array<i32>} : memref<512x128xf32, #tpu.memory_space<vmem>>, vector<1x16xf32>,
      %swap3A_1324 = vector.shape_cast %swap3A_1323 : vector<1x16xf32> to vector<16xf32>
      %swap3A_1325 = vector.shape_cast %mul3A_1318 : vector<16xf32> to vector<1x16xf32>
      tpu.vector_store %arg9[%swap3A_1321, %swap3A_1322], %swap3A_1325 {strides = array<i32>} : memref<512x128xf32, #tpu.memory_space<vmem>>, vector<1x16xf32>,
      %add3A_1326 = arith.constant 8 : i32
      %add3A_1327 = arith.addi %mul3A_301, %add3A_1326 : i32
      %get3A_1328 = arith.index_cast %add3A_1327 : i32 to index
      %get3A_1329 = arith.constant 96 : index
      %get3A_1330 = tpu.vector_load %arg9[%get3A_1328, %get3A_1329] {strides = array<i32>} : memref<512x128xf32, #tpu.memory_space<vmem>>, vector<1x16xf32>,
      %get3A_1331 = vector.shape_cast %get3A_1330 : vector<1x16xf32> to vector<16xf32>
      %mul3A_1332 = arith.mulf %get3A_1331, %gather3A_1241 : vector<16xf32>
      %add3A_1333 = arith.constant 8 : i32
      %add3A_1334 = arith.addi %mul3A_301, %add3A_1333 : i32
      %swap3A_1335 = arith.index_cast %add3A_1334 : i32 to index
      %swap3A_1336 = arith.constant 96 : index
      %swap3A_1337 = tpu.vector_load %arg9[%swap3A_1335, %swap3A_1336] {strides = array<i32>} : memref<512x128xf32, #tpu.memory_space<vmem>>, vector<1x16xf32>,
      %swap3A_1338 = vector.shape_cast %swap3A_1337 : vector<1x16xf32> to vector<16xf32>
      %swap3A_1339 = vector.shape_cast %mul3A_1332 : vector<16xf32> to vector<1x16xf32>
      tpu.vector_store %arg9[%swap3A_1335, %swap3A_1336], %swap3A_1339 {strides = array<i32>} : memref<512x128xf32, #tpu.memory_space<vmem>>, vector<1x16xf32>,
      %add3A_1340 = arith.constant 8 : i32
      %add3A_1341 = arith.addi %mul3A_301, %add3A_1340 : i32
      %get3A_1342 = arith.index_cast %add3A_1341 : i32 to index
      %get3A_1343 = arith.constant 112 : index
      %get3A_1344 = tpu.vector_load %arg9[%get3A_1342, %get3A_1343] {strides = array<i32>} : memref<512x128xf32, #tpu.memory_space<vmem>>, vector<1x16xf32>,
      %get3A_1345 = vector.shape_cast %get3A_1344 : vector<1x16xf32> to vector<16xf32>
      %mul3A_1346 = arith.mulf %get3A_1345, %gather3A_1241 : vector<16xf32>
      %add3A_1347 = arith.constant 8 : i32
      %add3A_1348 = arith.addi %mul3A_301, %add3A_1347 : i32
      %swap3A_1349 = arith.index_cast %add3A_1348 : i32 to index
      %swap3A_1350 = arith.constant 112 : index
      %swap3A_1351 = tpu.vector_load %arg9[%swap3A_1349, %swap3A_1350] {strides = array<i32>} : memref<512x128xf32, #tpu.memory_space<vmem>>, vector<1x16xf32>,
      %swap3A_1352 = vector.shape_cast %swap3A_1351 : vector<1x16xf32> to vector<16xf32>
      %swap3A_1353 = vector.shape_cast %mul3A_1346 : vector<16xf32> to vector<1x16xf32>
      tpu.vector_store %arg9[%swap3A_1349, %swap3A_1350], %swap3A_1353 {strides = array<i32>} : memref<512x128xf32, #tpu.memory_space<vmem>>, vector<1x16xf32>,
      %broadcast_in_dim3A_1354 = arith.constant 9 : i32
      %broadcast_in_dim3A_1355 = vector.broadcast %broadcast_in_dim3A_1354 : i32 to vector<16xi32>
      %reshape3A_1356 = vector.shape_cast %broadcast_in_dim3A_1355 : vector<16xi32> to vector<16x1xi32>
      %gather3A_1357 = vector.shape_cast %reshape3A_1356 : vector<16x1xi32> to vector<16xi32>
      %gather3A_1358 = tpu.dynamic_gather %get3A_304[%gather3A_1357] in [0] : vector<16xf32>, vector<16xi32> -> vector<16xf32>
      %add3A_1359 = arith.constant 9 : i32
      %add3A_1360 = arith.addi %mul3A_301, %add3A_1359 : i32
      %get3A_1361 = arith.index_cast %add3A_1360 : i32 to index
      %get3A_1362 = arith.constant 0 : index
      %get3A_1363 = tpu.vector_load %arg9[%get3A_1361, %get3A_1362] {strides = array<i32>} : memref<512x128xf32, #tpu.memory_space<vmem>>, vector<1x16xf32>,
      %get3A_1364 = vector.shape_cast %get3A_1363 : vector<1x16xf32> to vector<16xf32>
      %mul3A_1365 = arith.mulf %get3A_1364, %gather3A_1358 : vector<16xf32>
      %add3A_1366 = arith.constant 9 : i32
      %add3A_1367 = arith.addi %mul3A_301, %add3A_1366 : i32
      %swap3A_1368 = arith.index_cast %add3A_1367 : i32 to index
      %swap3A_1369 = arith.constant 0 : index
      %swap3A_1370 = tpu.vector_load %arg9[%swap3A_1368, %swap3A_1369] {strides = array<i32>} : memref<512x128xf32, #tpu.memory_space<vmem>>, vector<1x16xf32>,
      %swap3A_1371 = vector.shape_cast %swap3A_1370 : vector<1x16xf32> to vector<16xf32>
      %swap3A_1372 = vector.shape_cast %mul3A_1365 : vector<16xf32> to vector<1x16xf32>
      tpu.vector_store %arg9[%swap3A_1368, %swap3A_1369], %swap3A_1372 {strides = array<i32>} : memref<512x128xf32, #tpu.memory_space<vmem>>, vector<1x16xf32>,
      %add3A_1373 = arith.constant 9 : i32
      %add3A_1374 = arith.addi %mul3A_301, %add3A_1373 : i32
      %get3A_1375 = arith.index_cast %add3A_1374 : i32 to index
      %get3A_1376 = arith.constant 16 : index
      %get3A_1377 = tpu.vector_load %arg9[%get3A_1375, %get3A_1376] {strides = array<i32>} : memref<512x128xf32, #tpu.memory_space<vmem>>, vector<1x16xf32>,
      %get3A_1378 = vector.shape_cast %get3A_1377 : vector<1x16xf32> to vector<16xf32>
      %mul3A_1379 = arith.mulf %get3A_1378, %gather3A_1358 : vector<16xf32>
      %add3A_1380 = arith.constant 9 : i32
      %add3A_1381 = arith.addi %mul3A_301, %add3A_1380 : i32
      %swap3A_1382 = arith.index_cast %add3A_1381 : i32 to index
      %swap3A_1383 = arith.constant 16 : index
      %swap3A_1384 = tpu.vector_load %arg9[%swap3A_1382, %swap3A_1383] {strides = array<i32>} : memref<512x128xf32, #tpu.memory_space<vmem>>, vector<1x16xf32>,
      %swap3A_1385 = vector.shape_cast %swap3A_1384 : vector<1x16xf32> to vector<16xf32>
      %swap3A_1386 = vector.shape_cast %mul3A_1379 : vector<16xf32> to vector<1x16xf32>
      tpu.vector_store %arg9[%swap3A_1382, %swap3A_1383], %swap3A_1386 {strides = array<i32>} : memref<512x128xf32, #tpu.memory_space<vmem>>, vector<1x16xf32>,
      %add3A_1387 = arith.constant 9 : i32
      %add3A_1388 = arith.addi %mul3A_301, %add3A_1387 : i32
      %get3A_1389 = arith.index_cast %add3A_1388 : i32 to index
      %get3A_1390 = arith.constant 32 : index
      %get3A_1391 = tpu.vector_load %arg9[%get3A_1389, %get3A_1390] {strides = array<i32>} : memref<512x128xf32, #tpu.memory_space<vmem>>, vector<1x16xf32>,
      %get3A_1392 = vector.shape_cast %get3A_1391 : vector<1x16xf32> to vector<16xf32>
      %mul3A_1393 = arith.mulf %get3A_1392, %gather3A_1358 : vector<16xf32>
      %add3A_1394 = arith.constant 9 : i32
      %add3A_1395 = arith.addi %mul3A_301, %add3A_1394 : i32
      %swap3A_1396 = arith.index_cast %add3A_1395 : i32 to index
      %swap3A_1397 = arith.constant 32 : index
      %swap3A_1398 = tpu.vector_load %arg9[%swap3A_1396, %swap3A_1397] {strides = array<i32>} : memref<512x128xf32, #tpu.memory_space<vmem>>, vector<1x16xf32>,
      %swap3A_1399 = vector.shape_cast %swap3A_1398 : vector<1x16xf32> to vector<16xf32>
      %swap3A_1400 = vector.shape_cast %mul3A_1393 : vector<16xf32> to vector<1x16xf32>
      tpu.vector_store %arg9[%swap3A_1396, %swap3A_1397], %swap3A_1400 {strides = array<i32>} : memref<512x128xf32, #tpu.memory_space<vmem>>, vector<1x16xf32>,
      %add3A_1401 = arith.constant 9 : i32
      %add3A_1402 = arith.addi %mul3A_301, %add3A_1401 : i32
      %get3A_1403 = arith.index_cast %add3A_1402 : i32 to index
      %get3A_1404 = arith.constant 48 : index
      %get3A_1405 = tpu.vector_load %arg9[%get3A_1403, %get3A_1404] {strides = array<i32>} : memref<512x128xf32, #tpu.memory_space<vmem>>, vector<1x16xf32>,
      %get3A_1406 = vector.shape_cast %get3A_1405 : vector<1x16xf32> to vector<16xf32>
      %mul3A_1407 = arith.mulf %get3A_1406, %gather3A_1358 : vector<16xf32>
      %add3A_1408 = arith.constant 9 : i32
      %add3A_1409 = arith.addi %mul3A_301, %add3A_1408 : i32
      %swap3A_1410 = arith.index_cast %add3A_1409 : i32 to index
      %swap3A_1411 = arith.constant 48 : index
      %swap3A_1412 = tpu.vector_load %arg9[%swap3A_1410, %swap3A_1411] {strides = array<i32>} : memref<512x128xf32, #tpu.memory_space<vmem>>, vector<1x16xf32>,
      %swap3A_1413 = vector.shape_cast %swap3A_1412 : vector<1x16xf32> to vector<16xf32>
      %swap3A_1414 = vector.shape_cast %mul3A_1407 : vector<16xf32> to vector<1x16xf32>
      tpu.vector_store %arg9[%swap3A_1410, %swap3A_1411], %swap3A_1414 {strides = array<i32>} : memref<512x128xf32, #tpu.memory_space<vmem>>, vector<1x16xf32>,
      %add3A_1415 = arith.constant 9 : i32
      %add3A_1416 = arith.addi %mul3A_301, %add3A_1415 : i32
      %get3A_1417 = arith.index_cast %add3A_1416 : i32 to index
      %get3A_1418 = arith.constant 64 : index
      %get3A_1419 = tpu.vector_load %arg9[%get3A_1417, %get3A_1418] {strides = array<i32>} : memref<512x128xf32, #tpu.memory_space<vmem>>, vector<1x16xf32>,
      %get3A_1420 = vector.shape_cast %get3A_1419 : vector<1x16xf32> to vector<16xf32>
      %mul3A_1421 = arith.mulf %get3A_1420, %gather3A_1358 : vector<16xf32>
      %add3A_1422 = arith.constant 9 : i32
      %add3A_1423 = arith.addi %mul3A_301, %add3A_1422 : i32
      %swap3A_1424 = arith.index_cast %add3A_1423 : i32 to index
      %swap3A_1425 = arith.constant 64 : index
      %swap3A_1426 = tpu.vector_load %arg9[%swap3A_1424, %swap3A_1425] {strides = array<i32>} : memref<512x128xf32, #tpu.memory_space<vmem>>, vector<1x16xf32>,
      %swap3A_1427 = vector.shape_cast %swap3A_1426 : vector<1x16xf32> to vector<16xf32>
      %swap3A_1428 = vector.shape_cast %mul3A_1421 : vector<16xf32> to vector<1x16xf32>
      tpu.vector_store %arg9[%swap3A_1424, %swap3A_1425], %swap3A_1428 {strides = array<i32>} : memref<512x128xf32, #tpu.memory_space<vmem>>, vector<1x16xf32>,
      %add3A_1429 = arith.constant 9 : i32
      %add3A_1430 = arith.addi %mul3A_301, %add3A_1429 : i32
      %get3A_1431 = arith.index_cast %add3A_1430 : i32 to index
      %get3A_1432 = arith.constant 80 : index
      %get3A_1433 = tpu.vector_load %arg9[%get3A_1431, %get3A_1432] {strides = array<i32>} : memref<512x128xf32, #tpu.memory_space<vmem>>, vector<1x16xf32>,
      %get3A_1434 = vector.shape_cast %get3A_1433 : vector<1x16xf32> to vector<16xf32>
      %mul3A_1435 = arith.mulf %get3A_1434, %gather3A_1358 : vector<16xf32>
      %add3A_1436 = arith.constant 9 : i32
      %add3A_1437 = arith.addi %mul3A_301, %add3A_1436 : i32
      %swap3A_1438 = arith.index_cast %add3A_1437 : i32 to index
      %swap3A_1439 = arith.constant 80 : index
      %swap3A_1440 = tpu.vector_load %arg9[%swap3A_1438, %swap3A_1439] {strides = array<i32>} : memref<512x128xf32, #tpu.memory_space<vmem>>, vector<1x16xf32>,
      %swap3A_1441 = vector.shape_cast %swap3A_1440 : vector<1x16xf32> to vector<16xf32>
      %swap3A_1442 = vector.shape_cast %mul3A_1435 : vector<16xf32> to vector<1x16xf32>
      tpu.vector_store %arg9[%swap3A_1438, %swap3A_1439], %swap3A_1442 {strides = array<i32>} : memref<512x128xf32, #tpu.memory_space<vmem>>, vector<1x16xf32>,
      %add3A_1443 = arith.constant 9 : i32
      %add3A_1444 = arith.addi %mul3A_301, %add3A_1443 : i32
      %get3A_1445 = arith.index_cast %add3A_1444 : i32 to index
      %get3A_1446 = arith.constant 96 : index
      %get3A_1447 = tpu.vector_load %arg9[%get3A_1445, %get3A_1446] {strides = array<i32>} : memref<512x128xf32, #tpu.memory_space<vmem>>, vector<1x16xf32>,
      %get3A_1448 = vector.shape_cast %get3A_1447 : vector<1x16xf32> to vector<16xf32>
      %mul3A_1449 = arith.mulf %get3A_1448, %gather3A_1358 : vector<16xf32>
      %add3A_1450 = arith.constant 9 : i32
      %add3A_1451 = arith.addi %mul3A_301, %add3A_1450 : i32
      %swap3A_1452 = arith.index_cast %add3A_1451 : i32 to index
      %swap3A_1453 = arith.constant 96 : index
      %swap3A_1454 = tpu.vector_load %arg9[%swap3A_1452, %swap3A_1453] {strides = array<i32>} : memref<512x128xf32, #tpu.memory_space<vmem>>, vector<1x16xf32>,
      %swap3A_1455 = vector.shape_cast %swap3A_1454 : vector<1x16xf32> to vector<16xf32>
      %swap3A_1456 = vector.shape_cast %mul3A_1449 : vector<16xf32> to vector<1x16xf32>
      tpu.vector_store %arg9[%swap3A_1452, %swap3A_1453], %swap3A_1456 {strides = array<i32>} : memref<512x128xf32, #tpu.memory_space<vmem>>, vector<1x16xf32>,
      %add3A_1457 = arith.constant 9 : i32
      %add3A_1458 = arith.addi %mul3A_301, %add3A_1457 : i32
      %get3A_1459 = arith.index_cast %add3A_1458 : i32 to index
      %get3A_1460 = arith.constant 112 : index
      %get3A_1461 = tpu.vector_load %arg9[%get3A_1459, %get3A_1460] {strides = array<i32>} : memref<512x128xf32, #tpu.memory_space<vmem>>, vector<1x16xf32>,
      %get3A_1462 = vector.shape_cast %get3A_1461 : vector<1x16xf32> to vector<16xf32>
      %mul3A_1463 = arith.mulf %get3A_1462, %gather3A_1358 : vector<16xf32>
      %add3A_1464 = arith.constant 9 : i32
      %add3A_1465 = arith.addi %mul3A_301, %add3A_1464 : i32
      %swap3A_1466 = arith.index_cast %add3A_1465 : i32 to index
      %swap3A_1467 = arith.constant 112 : index
      %swap3A_1468 = tpu.vector_load %arg9[%swap3A_1466, %swap3A_1467] {strides = array<i32>} : memref<512x128xf32, #tpu.memory_space<vmem>>, vector<1x16xf32>,
      %swap3A_1469 = vector.shape_cast %swap3A_1468 : vector<1x16xf32> to vector<16xf32>
      %swap3A_1470 = vector.shape_cast %mul3A_1463 : vector<16xf32> to vector<1x16xf32>
      tpu.vector_store %arg9[%swap3A_1466, %swap3A_1467], %swap3A_1470 {strides = array<i32>} : memref<512x128xf32, #tpu.memory_space<vmem>>, vector<1x16xf32>,
      %broadcast_in_dim3A_1471 = arith.constant 10 : i32
      %broadcast_in_dim3A_1472 = vector.broadcast %broadcast_in_dim3A_1471 : i32 to vector<16xi32>
      %reshape3A_1473 = vector.shape_cast %broadcast_in_dim3A_1472 : vector<16xi32> to vector<16x1xi32>
      %gather3A_1474 = vector.shape_cast %reshape3A_1473 : vector<16x1xi32> to vector<16xi32>
      %gather3A_1475 = tpu.dynamic_gather %get3A_304[%gather3A_1474] in [0] : vector<16xf32>, vector<16xi32> -> vector<16xf32>
      %add3A_1476 = arith.constant 10 : i32
      %add3A_1477 = arith.addi %mul3A_301, %add3A_1476 : i32
      %get3A_1478 = arith.index_cast %add3A_1477 : i32 to index
      %get3A_1479 = arith.constant 0 : index
      %get3A_1480 = tpu.vector_load %arg9[%get3A_1478, %get3A_1479] {strides = array<i32>} : memref<512x128xf32, #tpu.memory_space<vmem>>, vector<1x16xf32>,
      %get3A_1481 = vector.shape_cast %get3A_1480 : vector<1x16xf32> to vector<16xf32>
      %mul3A_1482 = arith.mulf %get3A_1481, %gather3A_1475 : vector<16xf32>
      %add3A_1483 = arith.constant 10 : i32
      %add3A_1484 = arith.addi %mul3A_301, %add3A_1483 : i32
      %swap3A_1485 = arith.index_cast %add3A_1484 : i32 to index
      %swap3A_1486 = arith.constant 0 : index
      %swap3A_1487 = tpu.vector_load %arg9[%swap3A_1485, %swap3A_1486] {strides = array<i32>} : memref<512x128xf32, #tpu.memory_space<vmem>>, vector<1x16xf32>,
      %swap3A_1488 = vector.shape_cast %swap3A_1487 : vector<1x16xf32> to vector<16xf32>
      %swap3A_1489 = vector.shape_cast %mul3A_1482 : vector<16xf32> to vector<1x16xf32>
      tpu.vector_store %arg9[%swap3A_1485, %swap3A_1486], %swap3A_1489 {strides = array<i32>} : memref<512x128xf32, #tpu.memory_space<vmem>>, vector<1x16xf32>,
      %add3A_1490 = arith.constant 10 : i32
      %add3A_1491 = arith.addi %mul3A_301, %add3A_1490 : i32
      %get3A_1492 = arith.index_cast %add3A_1491 : i32 to index
      %get3A_1493 = arith.constant 16 : index
      %get3A_1494 = tpu.vector_load %arg9[%get3A_1492, %get3A_1493] {strides = array<i32>} : memref<512x128xf32, #tpu.memory_space<vmem>>, vector<1x16xf32>,
      %get3A_1495 = vector.shape_cast %get3A_1494 : vector<1x16xf32> to vector<16xf32>
      %mul3A_1496 = arith.mulf %get3A_1495, %gather3A_1475 : vector<16xf32>
      %add3A_1497 = arith.constant 10 : i32
      %add3A_1498 = arith.addi %mul3A_301, %add3A_1497 : i32
      %swap3A_1499 = arith.index_cast %add3A_1498 : i32 to index
      %swap3A_1500 = arith.constant 16 : index
      %swap3A_1501 = tpu.vector_load %arg9[%swap3A_1499, %swap3A_1500] {strides = array<i32>} : memref<512x128xf32, #tpu.memory_space<vmem>>, vector<1x16xf32>,
      %swap3A_1502 = vector.shape_cast %swap3A_1501 : vector<1x16xf32> to vector<16xf32>
      %swap3A_1503 = vector.shape_cast %mul3A_1496 : vector<16xf32> to vector<1x16xf32>
      tpu.vector_store %arg9[%swap3A_1499, %swap3A_1500], %swap3A_1503 {strides = array<i32>} : memref<512x128xf32, #tpu.memory_space<vmem>>, vector<1x16xf32>,
      %add3A_1504 = arith.constant 10 : i32
      %add3A_1505 = arith.addi %mul3A_301, %add3A_1504 : i32
      %get3A_1506 = arith.index_cast %add3A_1505 : i32 to index
      %get3A_1507 = arith.constant 32 : index
      %get3A_1508 = tpu.vector_load %arg9[%get3A_1506, %get3A_1507] {strides = array<i32>} : memref<512x128xf32, #tpu.memory_space<vmem>>, vector<1x16xf32>,
      %get3A_1509 = vector.shape_cast %get3A_1508 : vector<1x16xf32> to vector<16xf32>
      %mul3A_1510 = arith.mulf %get3A_1509, %gather3A_1475 : vector<16xf32>
      %add3A_1511 = arith.constant 10 : i32
      %add3A_1512 = arith.addi %mul3A_301, %add3A_1511 : i32
      %swap3A_1513 = arith.index_cast %add3A_1512 : i32 to index
      %swap3A_1514 = arith.constant 32 : index
      %swap3A_1515 = tpu.vector_load %arg9[%swap3A_1513, %swap3A_1514] {strides = array<i32>} : memref<512x128xf32, #tpu.memory_space<vmem>>, vector<1x16xf32>,
      %swap3A_1516 = vector.shape_cast %swap3A_1515 : vector<1x16xf32> to vector<16xf32>
      %swap3A_1517 = vector.shape_cast %mul3A_1510 : vector<16xf32> to vector<1x16xf32>
      tpu.vector_store %arg9[%swap3A_1513, %swap3A_1514], %swap3A_1517 {strides = array<i32>} : memref<512x128xf32, #tpu.memory_space<vmem>>, vector<1x16xf32>,
      %add3A_1518 = arith.constant 10 : i32
      %add3A_1519 = arith.addi %mul3A_301, %add3A_1518 : i32
      %get3A_1520 = arith.index_cast %add3A_1519 : i32 to index
      %get3A_1521 = arith.constant 48 : index
      %get3A_1522 = tpu.vector_load %arg9[%get3A_1520, %get3A_1521] {strides = array<i32>} : memref<512x128xf32, #tpu.memory_space<vmem>>, vector<1x16xf32>,
      %get3A_1523 = vector.shape_cast %get3A_1522 : vector<1x16xf32> to vector<16xf32>
      %mul3A_1524 = arith.mulf %get3A_1523, %gather3A_1475 : vector<16xf32>
      %add3A_1525 = arith.constant 10 : i32
      %add3A_1526 = arith.addi %mul3A_301, %add3A_1525 : i32
      %swap3A_1527 = arith.index_cast %add3A_1526 : i32 to index
      %swap3A_1528 = arith.constant 48 : index
      %swap3A_1529 = tpu.vector_load %arg9[%swap3A_1527, %swap3A_1528] {strides = array<i32>} : memref<512x128xf32, #tpu.memory_space<vmem>>, vector<1x16xf32>,
      %swap3A_1530 = vector.shape_cast %swap3A_1529 : vector<1x16xf32> to vector<16xf32>
      %swap3A_1531 = vector.shape_cast %mul3A_1524 : vector<16xf32> to vector<1x16xf32>
      tpu.vector_store %arg9[%swap3A_1527, %swap3A_1528], %swap3A_1531 {strides = array<i32>} : memref<512x128xf32, #tpu.memory_space<vmem>>, vector<1x16xf32>,
      %add3A_1532 = arith.constant 10 : i32
      %add3A_1533 = arith.addi %mul3A_301, %add3A_1532 : i32
      %get3A_1534 = arith.index_cast %add3A_1533 : i32 to index
      %get3A_1535 = arith.constant 64 : index
      %get3A_1536 = tpu.vector_load %arg9[%get3A_1534, %get3A_1535] {strides = array<i32>} : memref<512x128xf32, #tpu.memory_space<vmem>>, vector<1x16xf32>,
      %get3A_1537 = vector.shape_cast %get3A_1536 : vector<1x16xf32> to vector<16xf32>
      %mul3A_1538 = arith.mulf %get3A_1537, %gather3A_1475 : vector<16xf32>
      %add3A_1539 = arith.constant 10 : i32
      %add3A_1540 = arith.addi %mul3A_301, %add3A_1539 : i32
      %swap3A_1541 = arith.index_cast %add3A_1540 : i32 to index
      %swap3A_1542 = arith.constant 64 : index
      %swap3A_1543 = tpu.vector_load %arg9[%swap3A_1541, %swap3A_1542] {strides = array<i32>} : memref<512x128xf32, #tpu.memory_space<vmem>>, vector<1x16xf32>,
      %swap3A_1544 = vector.shape_cast %swap3A_1543 : vector<1x16xf32> to vector<16xf32>
      %swap3A_1545 = vector.shape_cast %mul3A_1538 : vector<16xf32> to vector<1x16xf32>
      tpu.vector_store %arg9[%swap3A_1541, %swap3A_1542], %swap3A_1545 {strides = array<i32>} : memref<512x128xf32, #tpu.memory_space<vmem>>, vector<1x16xf32>,
      %add3A_1546 = arith.constant 10 : i32
      %add3A_1547 = arith.addi %mul3A_301, %add3A_1546 : i32
      %get3A_1548 = arith.index_cast %add3A_1547 : i32 to index
      %get3A_1549 = arith.constant 80 : index
      %get3A_1550 = tpu.vector_load %arg9[%get3A_1548, %get3A_1549] {strides = array<i32>} : memref<512x128xf32, #tpu.memory_space<vmem>>, vector<1x16xf32>,
      %get3A_1551 = vector.shape_cast %get3A_1550 : vector<1x16xf32> to vector<16xf32>
      %mul3A_1552 = arith.mulf %get3A_1551, %gather3A_1475 : vector<16xf32>
      %add3A_1553 = arith.constant 10 : i32
      %add3A_1554 = arith.addi %mul3A_301, %add3A_1553 : i32
      %swap3A_1555 = arith.index_cast %add3A_1554 : i32 to index
      %swap3A_1556 = arith.constant 80 : index
      %swap3A_1557 = tpu.vector_load %arg9[%swap3A_1555, %swap3A_1556] {strides = array<i32>} : memref<512x128xf32, #tpu.memory_space<vmem>>, vector<1x16xf32>,
      %swap3A_1558 = vector.shape_cast %swap3A_1557 : vector<1x16xf32> to vector<16xf32>
      %swap3A_1559 = vector.shape_cast %mul3A_1552 : vector<16xf32> to vector<1x16xf32>
      tpu.vector_store %arg9[%swap3A_1555, %swap3A_1556], %swap3A_1559 {strides = array<i32>} : memref<512x128xf32, #tpu.memory_space<vmem>>, vector<1x16xf32>,
      %add3A_1560 = arith.constant 10 : i32
      %add3A_1561 = arith.addi %mul3A_301, %add3A_1560 : i32
      %get3A_1562 = arith.index_cast %add3A_1561 : i32 to index
      %get3A_1563 = arith.constant 96 : index
      %get3A_1564 = tpu.vector_load %arg9[%get3A_1562, %get3A_1563] {strides = array<i32>} : memref<512x128xf32, #tpu.memory_space<vmem>>, vector<1x16xf32>,
      %get3A_1565 = vector.shape_cast %get3A_1564 : vector<1x16xf32> to vector<16xf32>
      %mul3A_1566 = arith.mulf %get3A_1565, %gather3A_1475 : vector<16xf32>
      %add3A_1567 = arith.constant 10 : i32
      %add3A_1568 = arith.addi %mul3A_301, %add3A_1567 : i32
      %swap3A_1569 = arith.index_cast %add3A_1568 : i32 to index
      %swap3A_1570 = arith.constant 96 : index
      %swap3A_1571 = tpu.vector_load %arg9[%swap3A_1569, %swap3A_1570] {strides = array<i32>} : memref<512x128xf32, #tpu.memory_space<vmem>>, vector<1x16xf32>,
      %swap3A_1572 = vector.shape_cast %swap3A_1571 : vector<1x16xf32> to vector<16xf32>
      %swap3A_1573 = vector.shape_cast %mul3A_1566 : vector<16xf32> to vector<1x16xf32>
      tpu.vector_store %arg9[%swap3A_1569, %swap3A_1570], %swap3A_1573 {strides = array<i32>} : memref<512x128xf32, #tpu.memory_space<vmem>>, vector<1x16xf32>,
      %add3A_1574 = arith.constant 10 : i32
      %add3A_1575 = arith.addi %mul3A_301, %add3A_1574 : i32
      %get3A_1576 = arith.index_cast %add3A_1575 : i32 to index
      %get3A_1577 = arith.constant 112 : index
      %get3A_1578 = tpu.vector_load %arg9[%get3A_1576, %get3A_1577] {strides = array<i32>} : memref<512x128xf32, #tpu.memory_space<vmem>>, vector<1x16xf32>,
      %get3A_1579 = vector.shape_cast %get3A_1578 : vector<1x16xf32> to vector<16xf32>
      %mul3A_1580 = arith.mulf %get3A_1579, %gather3A_1475 : vector<16xf32>
      %add3A_1581 = arith.constant 10 : i32
      %add3A_1582 = arith.addi %mul3A_301, %add3A_1581 : i32
      %swap3A_1583 = arith.index_cast %add3A_1582 : i32 to index
      %swap3A_1584 = arith.constant 112 : index
      %swap3A_1585 = tpu.vector_load %arg9[%swap3A_1583, %swap3A_1584] {strides = array<i32>} : memref<512x128xf32, #tpu.memory_space<vmem>>, vector<1x16xf32>,
      %swap3A_1586 = vector.shape_cast %swap3A_1585 : vector<1x16xf32> to vector<16xf32>
      %swap3A_1587 = vector.shape_cast %mul3A_1580 : vector<16xf32> to vector<1x16xf32>
      tpu.vector_store %arg9[%swap3A_1583, %swap3A_1584], %swap3A_1587 {strides = array<i32>} : memref<512x128xf32, #tpu.memory_space<vmem>>, vector<1x16xf32>,
      %broadcast_in_dim3A_1588 = arith.constant 11 : i32
      %broadcast_in_dim3A_1589 = vector.broadcast %broadcast_in_dim3A_1588 : i32 to vector<16xi32>
      %reshape3A_1590 = vector.shape_cast %broadcast_in_dim3A_1589 : vector<16xi32> to vector<16x1xi32>
      %gather3A_1591 = vector.shape_cast %reshape3A_1590 : vector<16x1xi32> to vector<16xi32>
      %gather3A_1592 = tpu.dynamic_gather %get3A_304[%gather3A_1591] in [0] : vector<16xf32>, vector<16xi32> -> vector<16xf32>
      %add3A_1593 = arith.constant 11 : i32
      %add3A_1594 = arith.addi %mul3A_301, %add3A_1593 : i32
      %get3A_1595 = arith.index_cast %add3A_1594 : i32 to index
      %get3A_1596 = arith.constant 0 : index
      %get3A_1597 = tpu.vector_load %arg9[%get3A_1595, %get3A_1596] {strides = array<i32>} : memref<512x128xf32, #tpu.memory_space<vmem>>, vector<1x16xf32>,
      %get3A_1598 = vector.shape_cast %get3A_1597 : vector<1x16xf32> to vector<16xf32>
      %mul3A_1599 = arith.mulf %get3A_1598, %gather3A_1592 : vector<16xf32>
      %add3A_1600 = arith.constant 11 : i32
      %add3A_1601 = arith.addi %mul3A_301, %add3A_1600 : i32
      %swap3A_1602 = arith.index_cast %add3A_1601 : i32 to index
      %swap3A_1603 = arith.constant 0 : index
      %swap3A_1604 = tpu.vector_load %arg9[%swap3A_1602, %swap3A_1603] {strides = array<i32>} : memref<512x128xf32, #tpu.memory_space<vmem>>, vector<1x16xf32>,
      %swap3A_1605 = vector.shape_cast %swap3A_1604 : vector<1x16xf32> to vector<16xf32>
      %swap3A_1606 = vector.shape_cast %mul3A_1599 : vector<16xf32> to vector<1x16xf32>
      tpu.vector_store %arg9[%swap3A_1602, %swap3A_1603], %swap3A_1606 {strides = array<i32>} : memref<512x128xf32, #tpu.memory_space<vmem>>, vector<1x16xf32>,
      %add3A_1607 = arith.constant 11 : i32
      %add3A_1608 = arith.addi %mul3A_301, %add3A_1607 : i32
      %get3A_1609 = arith.index_cast %add3A_1608 : i32 to index
      %get3A_1610 = arith.constant 16 : index
      %get3A_1611 = tpu.vector_load %arg9[%get3A_1609, %get3A_1610] {strides = array<i32>} : memref<512x128xf32, #tpu.memory_space<vmem>>, vector<1x16xf32>,
      %get3A_1612 = vector.shape_cast %get3A_1611 : vector<1x16xf32> to vector<16xf32>
      %mul3A_1613 = arith.mulf %get3A_1612, %gather3A_1592 : vector<16xf32>
      %add3A_1614 = arith.constant 11 : i32
      %add3A_1615 = arith.addi %mul3A_301, %add3A_1614 : i32
      %swap3A_1616 = arith.index_cast %add3A_1615 : i32 to index
      %swap3A_1617 = arith.constant 16 : index
      %swap3A_1618 = tpu.vector_load %arg9[%swap3A_1616, %swap3A_1617] {strides = array<i32>} : memref<512x128xf32, #tpu.memory_space<vmem>>, vector<1x16xf32>,
      %swap3A_1619 = vector.shape_cast %swap3A_1618 : vector<1x16xf32> to vector<16xf32>
      %swap3A_1620 = vector.shape_cast %mul3A_1613 : vector<16xf32> to vector<1x16xf32>
      tpu.vector_store %arg9[%swap3A_1616, %swap3A_1617], %swap3A_1620 {strides = array<i32>} : memref<512x128xf32, #tpu.memory_space<vmem>>, vector<1x16xf32>,
      %add3A_1621 = arith.constant 11 : i32
      %add3A_1622 = arith.addi %mul3A_301, %add3A_1621 : i32
      %get3A_1623 = arith.index_cast %add3A_1622 : i32 to index
      %get3A_1624 = arith.constant 32 : index
      %get3A_1625 = tpu.vector_load %arg9[%get3A_1623, %get3A_1624] {strides = array<i32>} : memref<512x128xf32, #tpu.memory_space<vmem>>, vector<1x16xf32>,
      %get3A_1626 = vector.shape_cast %get3A_1625 : vector<1x16xf32> to vector<16xf32>
      %mul3A_1627 = arith.mulf %get3A_1626, %gather3A_1592 : vector<16xf32>
      %add3A_1628 = arith.constant 11 : i32
      %add3A_1629 = arith.addi %mul3A_301, %add3A_1628 : i32
      %swap3A_1630 = arith.index_cast %add3A_1629 : i32 to index
      %swap3A_1631 = arith.constant 32 : index
      %swap3A_1632 = tpu.vector_load %arg9[%swap3A_1630, %swap3A_1631] {strides = array<i32>} : memref<512x128xf32, #tpu.memory_space<vmem>>, vector<1x16xf32>,
      %swap3A_1633 = vector.shape_cast %swap3A_1632 : vector<1x16xf32> to vector<16xf32>
      %swap3A_1634 = vector.shape_cast %mul3A_1627 : vector<16xf32> to vector<1x16xf32>
      tpu.vector_store %arg9[%swap3A_1630, %swap3A_1631], %swap3A_1634 {strides = array<i32>} : memref<512x128xf32, #tpu.memory_space<vmem>>, vector<1x16xf32>,
      %add3A_1635 = arith.constant 11 : i32
      %add3A_1636 = arith.addi %mul3A_301, %add3A_1635 : i32
      %get3A_1637 = arith.index_cast %add3A_1636 : i32 to index
      %get3A_1638 = arith.constant 48 : index
      %get3A_1639 = tpu.vector_load %arg9[%get3A_1637, %get3A_1638] {strides = array<i32>} : memref<512x128xf32, #tpu.memory_space<vmem>>, vector<1x16xf32>,
      %get3A_1640 = vector.shape_cast %get3A_1639 : vector<1x16xf32> to vector<16xf32>
      %mul3A_1641 = arith.mulf %get3A_1640, %gather3A_1592 : vector<16xf32>
      %add3A_1642 = arith.constant 11 : i32
      %add3A_1643 = arith.addi %mul3A_301, %add3A_1642 : i32
      %swap3A_1644 = arith.index_cast %add3A_1643 : i32 to index
      %swap3A_1645 = arith.constant 48 : index
      %swap3A_1646 = tpu.vector_load %arg9[%swap3A_1644, %swap3A_1645] {strides = array<i32>} : memref<512x128xf32, #tpu.memory_space<vmem>>, vector<1x16xf32>,
      %swap3A_1647 = vector.shape_cast %swap3A_1646 : vector<1x16xf32> to vector<16xf32>
      %swap3A_1648 = vector.shape_cast %mul3A_1641 : vector<16xf32> to vector<1x16xf32>
      tpu.vector_store %arg9[%swap3A_1644, %swap3A_1645], %swap3A_1648 {strides = array<i32>} : memref<512x128xf32, #tpu.memory_space<vmem>>, vector<1x16xf32>,
      %add3A_1649 = arith.constant 11 : i32
      %add3A_1650 = arith.addi %mul3A_301, %add3A_1649 : i32
      %get3A_1651 = arith.index_cast %add3A_1650 : i32 to index
      %get3A_1652 = arith.constant 64 : index
      %get3A_1653 = tpu.vector_load %arg9[%get3A_1651, %get3A_1652] {strides = array<i32>} : memref<512x128xf32, #tpu.memory_space<vmem>>, vector<1x16xf32>,
      %get3A_1654 = vector.shape_cast %get3A_1653 : vector<1x16xf32> to vector<16xf32>
      %mul3A_1655 = arith.mulf %get3A_1654, %gather3A_1592 : vector<16xf32>
      %add3A_1656 = arith.constant 11 : i32
      %add3A_1657 = arith.addi %mul3A_301, %add3A_1656 : i32
      %swap3A_1658 = arith.index_cast %add3A_1657 : i32 to index
      %swap3A_1659 = arith.constant 64 : index
      %swap3A_1660 = tpu.vector_load %arg9[%swap3A_1658, %swap3A_1659] {strides = array<i32>} : memref<512x128xf32, #tpu.memory_space<vmem>>, vector<1x16xf32>,
      %swap3A_1661 = vector.shape_cast %swap3A_1660 : vector<1x16xf32> to vector<16xf32>
      %swap3A_1662 = vector.shape_cast %mul3A_1655 : vector<16xf32> to vector<1x16xf32>
      tpu.vector_store %arg9[%swap3A_1658, %swap3A_1659], %swap3A_1662 {strides = array<i32>} : memref<512x128xf32, #tpu.memory_space<vmem>>, vector<1x16xf32>,
      %add3A_1663 = arith.constant 11 : i32
      %add3A_1664 = arith.addi %mul3A_301, %add3A_1663 : i32
      %get3A_1665 = arith.index_cast %add3A_1664 : i32 to index
      %get3A_1666 = arith.constant 80 : index
      %get3A_1667 = tpu.vector_load %arg9[%get3A_1665, %get3A_1666] {strides = array<i32>} : memref<512x128xf32, #tpu.memory_space<vmem>>, vector<1x16xf32>,
      %get3A_1668 = vector.shape_cast %get3A_1667 : vector<1x16xf32> to vector<16xf32>
      %mul3A_1669 = arith.mulf %get3A_1668, %gather3A_1592 : vector<16xf32>
      %add3A_1670 = arith.constant 11 : i32
      %add3A_1671 = arith.addi %mul3A_301, %add3A_1670 : i32
      %swap3A_1672 = arith.index_cast %add3A_1671 : i32 to index
      %swap3A_1673 = arith.constant 80 : index
      %swap3A_1674 = tpu.vector_load %arg9[%swap3A_1672, %swap3A_1673] {strides = array<i32>} : memref<512x128xf32, #tpu.memory_space<vmem>>, vector<1x16xf32>,
      %swap3A_1675 = vector.shape_cast %swap3A_1674 : vector<1x16xf32> to vector<16xf32>
      %swap3A_1676 = vector.shape_cast %mul3A_1669 : vector<16xf32> to vector<1x16xf32>
      tpu.vector_store %arg9[%swap3A_1672, %swap3A_1673], %swap3A_1676 {strides = array<i32>} : memref<512x128xf32, #tpu.memory_space<vmem>>, vector<1x16xf32>,
      %add3A_1677 = arith.constant 11 : i32
      %add3A_1678 = arith.addi %mul3A_301, %add3A_1677 : i32
      %get3A_1679 = arith.index_cast %add3A_1678 : i32 to index
      %get3A_1680 = arith.constant 96 : index
      %get3A_1681 = tpu.vector_load %arg9[%get3A_1679, %get3A_1680] {strides = array<i32>} : memref<512x128xf32, #tpu.memory_space<vmem>>, vector<1x16xf32>,
      %get3A_1682 = vector.shape_cast %get3A_1681 : vector<1x16xf32> to vector<16xf32>
      %mul3A_1683 = arith.mulf %get3A_1682, %gather3A_1592 : vector<16xf32>
      %add3A_1684 = arith.constant 11 : i32
      %add3A_1685 = arith.addi %mul3A_301, %add3A_1684 : i32
      %swap3A_1686 = arith.index_cast %add3A_1685 : i32 to index
      %swap3A_1687 = arith.constant 96 : index
      %swap3A_1688 = tpu.vector_load %arg9[%swap3A_1686, %swap3A_1687] {strides = array<i32>} : memref<512x128xf32, #tpu.memory_space<vmem>>, vector<1x16xf32>,
      %swap3A_1689 = vector.shape_cast %swap3A_1688 : vector<1x16xf32> to vector<16xf32>
      %swap3A_1690 = vector.shape_cast %mul3A_1683 : vector<16xf32> to vector<1x16xf32>
      tpu.vector_store %arg9[%swap3A_1686, %swap3A_1687], %swap3A_1690 {strides = array<i32>} : memref<512x128xf32, #tpu.memory_space<vmem>>, vector<1x16xf32>,
      %add3A_1691 = arith.constant 11 : i32
      %add3A_1692 = arith.addi %mul3A_301, %add3A_1691 : i32
      %get3A_1693 = arith.index_cast %add3A_1692 : i32 to index
      %get3A_1694 = arith.constant 112 : index
      %get3A_1695 = tpu.vector_load %arg9[%get3A_1693, %get3A_1694] {strides = array<i32>} : memref<512x128xf32, #tpu.memory_space<vmem>>, vector<1x16xf32>,
      %get3A_1696 = vector.shape_cast %get3A_1695 : vector<1x16xf32> to vector<16xf32>
      %mul3A_1697 = arith.mulf %get3A_1696, %gather3A_1592 : vector<16xf32>
      %add3A_1698 = arith.constant 11 : i32
      %add3A_1699 = arith.addi %mul3A_301, %add3A_1698 : i32
      %swap3A_1700 = arith.index_cast %add3A_1699 : i32 to index
      %swap3A_1701 = arith.constant 112 : index
      %swap3A_1702 = tpu.vector_load %arg9[%swap3A_1700, %swap3A_1701] {strides = array<i32>} : memref<512x128xf32, #tpu.memory_space<vmem>>, vector<1x16xf32>,
      %swap3A_1703 = vector.shape_cast %swap3A_1702 : vector<1x16xf32> to vector<16xf32>
      %swap3A_1704 = vector.shape_cast %mul3A_1697 : vector<16xf32> to vector<1x16xf32>
      tpu.vector_store %arg9[%swap3A_1700, %swap3A_1701], %swap3A_1704 {strides = array<i32>} : memref<512x128xf32, #tpu.memory_space<vmem>>, vector<1x16xf32>,
      %broadcast_in_dim3A_1705 = arith.constant 12 : i32
      %broadcast_in_dim3A_1706 = vector.broadcast %broadcast_in_dim3A_1705 : i32 to vector<16xi32>
      %reshape3A_1707 = vector.shape_cast %broadcast_in_dim3A_1706 : vector<16xi32> to vector<16x1xi32>
      %gather3A_1708 = vector.shape_cast %reshape3A_1707 : vector<16x1xi32> to vector<16xi32>
      %gather3A_1709 = tpu.dynamic_gather %get3A_304[%gather3A_1708] in [0] : vector<16xf32>, vector<16xi32> -> vector<16xf32>
      %add3A_1710 = arith.constant 12 : i32
      %add3A_1711 = arith.addi %mul3A_301, %add3A_1710 : i32
      %get3A_1712 = arith.index_cast %add3A_1711 : i32 to index
      %get3A_1713 = arith.constant 0 : index
      %get3A_1714 = tpu.vector_load %arg9[%get3A_1712, %get3A_1713] {strides = array<i32>} : memref<512x128xf32, #tpu.memory_space<vmem>>, vector<1x16xf32>,
      %get3A_1715 = vector.shape_cast %get3A_1714 : vector<1x16xf32> to vector<16xf32>
      %mul3A_1716 = arith.mulf %get3A_1715, %gather3A_1709 : vector<16xf32>
      %add3A_1717 = arith.constant 12 : i32
      %add3A_1718 = arith.addi %mul3A_301, %add3A_1717 : i32
      %swap3A_1719 = arith.index_cast %add3A_1718 : i32 to index
      %swap3A_1720 = arith.constant 0 : index
      %swap3A_1721 = tpu.vector_load %arg9[%swap3A_1719, %swap3A_1720] {strides = array<i32>} : memref<512x128xf32, #tpu.memory_space<vmem>>, vector<1x16xf32>,
      %swap3A_1722 = vector.shape_cast %swap3A_1721 : vector<1x16xf32> to vector<16xf32>
      %swap3A_1723 = vector.shape_cast %mul3A_1716 : vector<16xf32> to vector<1x16xf32>
      tpu.vector_store %arg9[%swap3A_1719, %swap3A_1720], %swap3A_1723 {strides = array<i32>} : memref<512x128xf32, #tpu.memory_space<vmem>>, vector<1x16xf32>,
      %add3A_1724 = arith.constant 12 : i32
      %add3A_1725 = arith.addi %mul3A_301, %add3A_1724 : i32
      %get3A_1726 = arith.index_cast %add3A_1725 : i32 to index
      %get3A_1727 = arith.constant 16 : index
      %get3A_1728 = tpu.vector_load %arg9[%get3A_1726, %get3A_1727] {strides = array<i32>} : memref<512x128xf32, #tpu.memory_space<vmem>>, vector<1x16xf32>,
      %get3A_1729 = vector.shape_cast %get3A_1728 : vector<1x16xf32> to vector<16xf32>
      %mul3A_1730 = arith.mulf %get3A_1729, %gather3A_1709 : vector<16xf32>
      %add3A_1731 = arith.constant 12 : i32
      %add3A_1732 = arith.addi %mul3A_301, %add3A_1731 : i32
      %swap3A_1733 = arith.index_cast %add3A_1732 : i32 to index
      %swap3A_1734 = arith.constant 16 : index
      %swap3A_1735 = tpu.vector_load %arg9[%swap3A_1733, %swap3A_1734] {strides = array<i32>} : memref<512x128xf32, #tpu.memory_space<vmem>>, vector<1x16xf32>,
      %swap3A_1736 = vector.shape_cast %swap3A_1735 : vector<1x16xf32> to vector<16xf32>
      %swap3A_1737 = vector.shape_cast %mul3A_1730 : vector<16xf32> to vector<1x16xf32>
      tpu.vector_store %arg9[%swap3A_1733, %swap3A_1734], %swap3A_1737 {strides = array<i32>} : memref<512x128xf32, #tpu.memory_space<vmem>>, vector<1x16xf32>,
      %add3A_1738 = arith.constant 12 : i32
      %add3A_1739 = arith.addi %mul3A_301, %add3A_1738 : i32
      %get3A_1740 = arith.index_cast %add3A_1739 : i32 to index
      %get3A_1741 = arith.constant 32 : index
      %get3A_1742 = tpu.vector_load %arg9[%get3A_1740, %get3A_1741] {strides = array<i32>} : memref<512x128xf32, #tpu.memory_space<vmem>>, vector<1x16xf32>,
      %get3A_1743 = vector.shape_cast %get3A_1742 : vector<1x16xf32> to vector<16xf32>
      %mul3A_1744 = arith.mulf %get3A_1743, %gather3A_1709 : vector<16xf32>
      %add3A_1745 = arith.constant 12 : i32
      %add3A_1746 = arith.addi %mul3A_301, %add3A_1745 : i32
      %swap3A_1747 = arith.index_cast %add3A_1746 : i32 to index
      %swap3A_1748 = arith.constant 32 : index
      %swap3A_1749 = tpu.vector_load %arg9[%swap3A_1747, %swap3A_1748] {strides = array<i32>} : memref<512x128xf32, #tpu.memory_space<vmem>>, vector<1x16xf32>,
      %swap3A_1750 = vector.shape_cast %swap3A_1749 : vector<1x16xf32> to vector<16xf32>
      %swap3A_1751 = vector.shape_cast %mul3A_1744 : vector<16xf32> to vector<1x16xf32>
      tpu.vector_store %arg9[%swap3A_1747, %swap3A_1748], %swap3A_1751 {strides = array<i32>} : memref<512x128xf32, #tpu.memory_space<vmem>>, vector<1x16xf32>,
      %add3A_1752 = arith.constant 12 : i32
      %add3A_1753 = arith.addi %mul3A_301, %add3A_1752 : i32
      %get3A_1754 = arith.index_cast %add3A_1753 : i32 to index
      %get3A_1755 = arith.constant 48 : index
      %get3A_1756 = tpu.vector_load %arg9[%get3A_1754, %get3A_1755] {strides = array<i32>} : memref<512x128xf32, #tpu.memory_space<vmem>>, vector<1x16xf32>,
      %get3A_1757 = vector.shape_cast %get3A_1756 : vector<1x16xf32> to vector<16xf32>
      %mul3A_1758 = arith.mulf %get3A_1757, %gather3A_1709 : vector<16xf32>
      %add3A_1759 = arith.constant 12 : i32
      %add3A_1760 = arith.addi %mul3A_301, %add3A_1759 : i32
      %swap3A_1761 = arith.index_cast %add3A_1760 : i32 to index
      %swap3A_1762 = arith.constant 48 : index
      %swap3A_1763 = tpu.vector_load %arg9[%swap3A_1761, %swap3A_1762] {strides = array<i32>} : memref<512x128xf32, #tpu.memory_space<vmem>>, vector<1x16xf32>,
      %swap3A_1764 = vector.shape_cast %swap3A_1763 : vector<1x16xf32> to vector<16xf32>
      %swap3A_1765 = vector.shape_cast %mul3A_1758 : vector<16xf32> to vector<1x16xf32>
      tpu.vector_store %arg9[%swap3A_1761, %swap3A_1762], %swap3A_1765 {strides = array<i32>} : memref<512x128xf32, #tpu.memory_space<vmem>>, vector<1x16xf32>,
      %add3A_1766 = arith.constant 12 : i32
      %add3A_1767 = arith.addi %mul3A_301, %add3A_1766 : i32
      %get3A_1768 = arith.index_cast %add3A_1767 : i32 to index
      %get3A_1769 = arith.constant 64 : index
      %get3A_1770 = tpu.vector_load %arg9[%get3A_1768, %get3A_1769] {strides = array<i32>} : memref<512x128xf32, #tpu.memory_space<vmem>>, vector<1x16xf32>,
      %get3A_1771 = vector.shape_cast %get3A_1770 : vector<1x16xf32> to vector<16xf32>
      %mul3A_1772 = arith.mulf %get3A_1771, %gather3A_1709 : vector<16xf32>
      %add3A_1773 = arith.constant 12 : i32
      %add3A_1774 = arith.addi %mul3A_301, %add3A_1773 : i32
      %swap3A_1775 = arith.index_cast %add3A_1774 : i32 to index
      %swap3A_1776 = arith.constant 64 : index
      %swap3A_1777 = tpu.vector_load %arg9[%swap3A_1775, %swap3A_1776] {strides = array<i32>} : memref<512x128xf32, #tpu.memory_space<vmem>>, vector<1x16xf32>,
      %swap3A_1778 = vector.shape_cast %swap3A_1777 : vector<1x16xf32> to vector<16xf32>
      %swap3A_1779 = vector.shape_cast %mul3A_1772 : vector<16xf32> to vector<1x16xf32>
      tpu.vector_store %arg9[%swap3A_1775, %swap3A_1776], %swap3A_1779 {strides = array<i32>} : memref<512x128xf32, #tpu.memory_space<vmem>>, vector<1x16xf32>,
      %add3A_1780 = arith.constant 12 : i32
      %add3A_1781 = arith.addi %mul3A_301, %add3A_1780 : i32
      %get3A_1782 = arith.index_cast %add3A_1781 : i32 to index
      %get3A_1783 = arith.constant 80 : index
      %get3A_1784 = tpu.vector_load %arg9[%get3A_1782, %get3A_1783] {strides = array<i32>} : memref<512x128xf32, #tpu.memory_space<vmem>>, vector<1x16xf32>,
      %get3A_1785 = vector.shape_cast %get3A_1784 : vector<1x16xf32> to vector<16xf32>
      %mul3A_1786 = arith.mulf %get3A_1785, %gather3A_1709 : vector<16xf32>
      %add3A_1787 = arith.constant 12 : i32
      %add3A_1788 = arith.addi %mul3A_301, %add3A_1787 : i32
      %swap3A_1789 = arith.index_cast %add3A_1788 : i32 to index
      %swap3A_1790 = arith.constant 80 : index
      %swap3A_1791 = tpu.vector_load %arg9[%swap3A_1789, %swap3A_1790] {strides = array<i32>} : memref<512x128xf32, #tpu.memory_space<vmem>>, vector<1x16xf32>,
      %swap3A_1792 = vector.shape_cast %swap3A_1791 : vector<1x16xf32> to vector<16xf32>
      %swap3A_1793 = vector.shape_cast %mul3A_1786 : vector<16xf32> to vector<1x16xf32>
      tpu.vector_store %arg9[%swap3A_1789, %swap3A_1790], %swap3A_1793 {strides = array<i32>} : memref<512x128xf32, #tpu.memory_space<vmem>>, vector<1x16xf32>,
      %add3A_1794 = arith.constant 12 : i32
      %add3A_1795 = arith.addi %mul3A_301, %add3A_1794 : i32
      %get3A_1796 = arith.index_cast %add3A_1795 : i32 to index
      %get3A_1797 = arith.constant 96 : index
      %get3A_1798 = tpu.vector_load %arg9[%get3A_1796, %get3A_1797] {strides = array<i32>} : memref<512x128xf32, #tpu.memory_space<vmem>>, vector<1x16xf32>,
      %get3A_1799 = vector.shape_cast %get3A_1798 : vector<1x16xf32> to vector<16xf32>
      %mul3A_1800 = arith.mulf %get3A_1799, %gather3A_1709 : vector<16xf32>
      %add3A_1801 = arith.constant 12 : i32
      %add3A_1802 = arith.addi %mul3A_301, %add3A_1801 : i32
      %swap3A_1803 = arith.index_cast %add3A_1802 : i32 to index
      %swap3A_1804 = arith.constant 96 : index
      %swap3A_1805 = tpu.vector_load %arg9[%swap3A_1803, %swap3A_1804] {strides = array<i32>} : memref<512x128xf32, #tpu.memory_space<vmem>>, vector<1x16xf32>,
      %swap3A_1806 = vector.shape_cast %swap3A_1805 : vector<1x16xf32> to vector<16xf32>
      %swap3A_1807 = vector.shape_cast %mul3A_1800 : vector<16xf32> to vector<1x16xf32>
      tpu.vector_store %arg9[%swap3A_1803, %swap3A_1804], %swap3A_1807 {strides = array<i32>} : memref<512x128xf32, #tpu.memory_space<vmem>>, vector<1x16xf32>,
      %add3A_1808 = arith.constant 12 : i32
      %add3A_1809 = arith.addi %mul3A_301, %add3A_1808 : i32
      %get3A_1810 = arith.index_cast %add3A_1809 : i32 to index
      %get3A_1811 = arith.constant 112 : index
      %get3A_1812 = tpu.vector_load %arg9[%get3A_1810, %get3A_1811] {strides = array<i32>} : memref<512x128xf32, #tpu.memory_space<vmem>>, vector<1x16xf32>,
      %get3A_1813 = vector.shape_cast %get3A_1812 : vector<1x16xf32> to vector<16xf32>
      %mul3A_1814 = arith.mulf %get3A_1813, %gather3A_1709 : vector<16xf32>
      %add3A_1815 = arith.constant 12 : i32
      %add3A_1816 = arith.addi %mul3A_301, %add3A_1815 : i32
      %swap3A_1817 = arith.index_cast %add3A_1816 : i32 to index
      %swap3A_1818 = arith.constant 112 : index
      %swap3A_1819 = tpu.vector_load %arg9[%swap3A_1817, %swap3A_1818] {strides = array<i32>} : memref<512x128xf32, #tpu.memory_space<vmem>>, vector<1x16xf32>,
      %swap3A_1820 = vector.shape_cast %swap3A_1819 : vector<1x16xf32> to vector<16xf32>
      %swap3A_1821 = vector.shape_cast %mul3A_1814 : vector<16xf32> to vector<1x16xf32>
      tpu.vector_store %arg9[%swap3A_1817, %swap3A_1818], %swap3A_1821 {strides = array<i32>} : memref<512x128xf32, #tpu.memory_space<vmem>>, vector<1x16xf32>,
      %broadcast_in_dim3A_1822 = arith.constant 13 : i32
      %broadcast_in_dim3A_1823 = vector.broadcast %broadcast_in_dim3A_1822 : i32 to vector<16xi32>
      %reshape3A_1824 = vector.shape_cast %broadcast_in_dim3A_1823 : vector<16xi32> to vector<16x1xi32>
      %gather3A_1825 = vector.shape_cast %reshape3A_1824 : vector<16x1xi32> to vector<16xi32>
      %gather3A_1826 = tpu.dynamic_gather %get3A_304[%gather3A_1825] in [0] : vector<16xf32>, vector<16xi32> -> vector<16xf32>
      %add3A_1827 = arith.constant 13 : i32
      %add3A_1828 = arith.addi %mul3A_301, %add3A_1827 : i32
      %get3A_1829 = arith.index_cast %add3A_1828 : i32 to index
      %get3A_1830 = arith.constant 0 : index
      %get3A_1831 = tpu.vector_load %arg9[%get3A_1829, %get3A_1830] {strides = array<i32>} : memref<512x128xf32, #tpu.memory_space<vmem>>, vector<1x16xf32>,
      %get3A_1832 = vector.shape_cast %get3A_1831 : vector<1x16xf32> to vector<16xf32>
      %mul3A_1833 = arith.mulf %get3A_1832, %gather3A_1826 : vector<16xf32>
      %add3A_1834 = arith.constant 13 : i32
      %add3A_1835 = arith.addi %mul3A_301, %add3A_1834 : i32
      %swap3A_1836 = arith.index_cast %add3A_1835 : i32 to index
      %swap3A_1837 = arith.constant 0 : index
      %swap3A_1838 = tpu.vector_load %arg9[%swap3A_1836, %swap3A_1837] {strides = array<i32>} : memref<512x128xf32, #tpu.memory_space<vmem>>, vector<1x16xf32>,
      %swap3A_1839 = vector.shape_cast %swap3A_1838 : vector<1x16xf32> to vector<16xf32>
      %swap3A_1840 = vector.shape_cast %mul3A_1833 : vector<16xf32> to vector<1x16xf32>
      tpu.vector_store %arg9[%swap3A_1836, %swap3A_1837], %swap3A_1840 {strides = array<i32>} : memref<512x128xf32, #tpu.memory_space<vmem>>, vector<1x16xf32>,
      %add3A_1841 = arith.constant 13 : i32
      %add3A_1842 = arith.addi %mul3A_301, %add3A_1841 : i32
      %get3A_1843 = arith.index_cast %add3A_1842 : i32 to index
      %get3A_1844 = arith.constant 16 : index
      %get3A_1845 = tpu.vector_load %arg9[%get3A_1843, %get3A_1844] {strides = array<i32>} : memref<512x128xf32, #tpu.memory_space<vmem>>, vector<1x16xf32>,
      %get3A_1846 = vector.shape_cast %get3A_1845 : vector<1x16xf32> to vector<16xf32>
      %mul3A_1847 = arith.mulf %get3A_1846, %gather3A_1826 : vector<16xf32>
      %add3A_1848 = arith.constant 13 : i32
      %add3A_1849 = arith.addi %mul3A_301, %add3A_1848 : i32
      %swap3A_1850 = arith.index_cast %add3A_1849 : i32 to index
      %swap3A_1851 = arith.constant 16 : index
      %swap3A_1852 = tpu.vector_load %arg9[%swap3A_1850, %swap3A_1851] {strides = array<i32>} : memref<512x128xf32, #tpu.memory_space<vmem>>, vector<1x16xf32>,
      %swap3A_1853 = vector.shape_cast %swap3A_1852 : vector<1x16xf32> to vector<16xf32>
      %swap3A_1854 = vector.shape_cast %mul3A_1847 : vector<16xf32> to vector<1x16xf32>
      tpu.vector_store %arg9[%swap3A_1850, %swap3A_1851], %swap3A_1854 {strides = array<i32>} : memref<512x128xf32, #tpu.memory_space<vmem>>, vector<1x16xf32>,
      %add3A_1855 = arith.constant 13 : i32
      %add3A_1856 = arith.addi %mul3A_301, %add3A_1855 : i32
      %get3A_1857 = arith.index_cast %add3A_1856 : i32 to index
      %get3A_1858 = arith.constant 32 : index
      %get3A_1859 = tpu.vector_load %arg9[%get3A_1857, %get3A_1858] {strides = array<i32>} : memref<512x128xf32, #tpu.memory_space<vmem>>, vector<1x16xf32>,
      %get3A_1860 = vector.shape_cast %get3A_1859 : vector<1x16xf32> to vector<16xf32>
      %mul3A_1861 = arith.mulf %get3A_1860, %gather3A_1826 : vector<16xf32>
      %add3A_1862 = arith.constant 13 : i32
      %add3A_1863 = arith.addi %mul3A_301, %add3A_1862 : i32
      %swap3A_1864 = arith.index_cast %add3A_1863 : i32 to index
      %swap3A_1865 = arith.constant 32 : index
      %swap3A_1866 = tpu.vector_load %arg9[%swap3A_1864, %swap3A_1865] {strides = array<i32>} : memref<512x128xf32, #tpu.memory_space<vmem>>, vector<1x16xf32>,
      %swap3A_1867 = vector.shape_cast %swap3A_1866 : vector<1x16xf32> to vector<16xf32>
      %swap3A_1868 = vector.shape_cast %mul3A_1861 : vector<16xf32> to vector<1x16xf32>
      tpu.vector_store %arg9[%swap3A_1864, %swap3A_1865], %swap3A_1868 {strides = array<i32>} : memref<512x128xf32, #tpu.memory_space<vmem>>, vector<1x16xf32>,
      %add3A_1869 = arith.constant 13 : i32
      %add3A_1870 = arith.addi %mul3A_301, %add3A_1869 : i32
      %get3A_1871 = arith.index_cast %add3A_1870 : i32 to index
      %get3A_1872 = arith.constant 48 : index
      %get3A_1873 = tpu.vector_load %arg9[%get3A_1871, %get3A_1872] {strides = array<i32>} : memref<512x128xf32, #tpu.memory_space<vmem>>, vector<1x16xf32>,
      %get3A_1874 = vector.shape_cast %get3A_1873 : vector<1x16xf32> to vector<16xf32>
      %mul3A_1875 = arith.mulf %get3A_1874, %gather3A_1826 : vector<16xf32>
      %add3A_1876 = arith.constant 13 : i32
      %add3A_1877 = arith.addi %mul3A_301, %add3A_1876 : i32
      %swap3A_1878 = arith.index_cast %add3A_1877 : i32 to index
      %swap3A_1879 = arith.constant 48 : index
      %swap3A_1880 = tpu.vector_load %arg9[%swap3A_1878, %swap3A_1879] {strides = array<i32>} : memref<512x128xf32, #tpu.memory_space<vmem>>, vector<1x16xf32>,
      %swap3A_1881 = vector.shape_cast %swap3A_1880 : vector<1x16xf32> to vector<16xf32>
      %swap3A_1882 = vector.shape_cast %mul3A_1875 : vector<16xf32> to vector<1x16xf32>
      tpu.vector_store %arg9[%swap3A_1878, %swap3A_1879], %swap3A_1882 {strides = array<i32>} : memref<512x128xf32, #tpu.memory_space<vmem>>, vector<1x16xf32>,
      %add3A_1883 = arith.constant 13 : i32
      %add3A_1884 = arith.addi %mul3A_301, %add3A_1883 : i32
      %get3A_1885 = arith.index_cast %add3A_1884 : i32 to index
      %get3A_1886 = arith.constant 64 : index
      %get3A_1887 = tpu.vector_load %arg9[%get3A_1885, %get3A_1886] {strides = array<i32>} : memref<512x128xf32, #tpu.memory_space<vmem>>, vector<1x16xf32>,
      %get3A_1888 = vector.shape_cast %get3A_1887 : vector<1x16xf32> to vector<16xf32>
      %mul3A_1889 = arith.mulf %get3A_1888, %gather3A_1826 : vector<16xf32>
      %add3A_1890 = arith.constant 13 : i32
      %add3A_1891 = arith.addi %mul3A_301, %add3A_1890 : i32
      %swap3A_1892 = arith.index_cast %add3A_1891 : i32 to index
      %swap3A_1893 = arith.constant 64 : index
      %swap3A_1894 = tpu.vector_load %arg9[%swap3A_1892, %swap3A_1893] {strides = array<i32>} : memref<512x128xf32, #tpu.memory_space<vmem>>, vector<1x16xf32>,
      %swap3A_1895 = vector.shape_cast %swap3A_1894 : vector<1x16xf32> to vector<16xf32>
      %swap3A_1896 = vector.shape_cast %mul3A_1889 : vector<16xf32> to vector<1x16xf32>
      tpu.vector_store %arg9[%swap3A_1892, %swap3A_1893], %swap3A_1896 {strides = array<i32>} : memref<512x128xf32, #tpu.memory_space<vmem>>, vector<1x16xf32>,
      %add3A_1897 = arith.constant 13 : i32
      %add3A_1898 = arith.addi %mul3A_301, %add3A_1897 : i32
      %get3A_1899 = arith.index_cast %add3A_1898 : i32 to index
      %get3A_1900 = arith.constant 80 : index
      %get3A_1901 = tpu.vector_load %arg9[%get3A_1899, %get3A_1900] {strides = array<i32>} : memref<512x128xf32, #tpu.memory_space<vmem>>, vector<1x16xf32>,
      %get3A_1902 = vector.shape_cast %get3A_1901 : vector<1x16xf32> to vector<16xf32>
      %mul3A_1903 = arith.mulf %get3A_1902, %gather3A_1826 : vector<16xf32>
      %add3A_1904 = arith.constant 13 : i32
      %add3A_1905 = arith.addi %mul3A_301, %add3A_1904 : i32
      %swap3A_1906 = arith.index_cast %add3A_1905 : i32 to index
      %swap3A_1907 = arith.constant 80 : index
      %swap3A_1908 = tpu.vector_load %arg9[%swap3A_1906, %swap3A_1907] {strides = array<i32>} : memref<512x128xf32, #tpu.memory_space<vmem>>, vector<1x16xf32>,
      %swap3A_1909 = vector.shape_cast %swap3A_1908 : vector<1x16xf32> to vector<16xf32>
      %swap3A_1910 = vector.shape_cast %mul3A_1903 : vector<16xf32> to vector<1x16xf32>
      tpu.vector_store %arg9[%swap3A_1906, %swap3A_1907], %swap3A_1910 {strides = array<i32>} : memref<512x128xf32, #tpu.memory_space<vmem>>, vector<1x16xf32>,
      %add3A_1911 = arith.constant 13 : i32
      %add3A_1912 = arith.addi %mul3A_301, %add3A_1911 : i32
      %get3A_1913 = arith.index_cast %add3A_1912 : i32 to index
      %get3A_1914 = arith.constant 96 : index
      %get3A_1915 = tpu.vector_load %arg9[%get3A_1913, %get3A_1914] {strides = array<i32>} : memref<512x128xf32, #tpu.memory_space<vmem>>, vector<1x16xf32>,
      %get3A_1916 = vector.shape_cast %get3A_1915 : vector<1x16xf32> to vector<16xf32>
      %mul3A_1917 = arith.mulf %get3A_1916, %gather3A_1826 : vector<16xf32>
      %add3A_1918 = arith.constant 13 : i32
      %add3A_1919 = arith.addi %mul3A_301, %add3A_1918 : i32
      %swap3A_1920 = arith.index_cast %add3A_1919 : i32 to index
      %swap3A_1921 = arith.constant 96 : index
      %swap3A_1922 = tpu.vector_load %arg9[%swap3A_1920, %swap3A_1921] {strides = array<i32>} : memref<512x128xf32, #tpu.memory_space<vmem>>, vector<1x16xf32>,
      %swap3A_1923 = vector.shape_cast %swap3A_1922 : vector<1x16xf32> to vector<16xf32>
      %swap3A_1924 = vector.shape_cast %mul3A_1917 : vector<16xf32> to vector<1x16xf32>
      tpu.vector_store %arg9[%swap3A_1920, %swap3A_1921], %swap3A_1924 {strides = array<i32>} : memref<512x128xf32, #tpu.memory_space<vmem>>, vector<1x16xf32>,
      %add3A_1925 = arith.constant 13 : i32
      %add3A_1926 = arith.addi %mul3A_301, %add3A_1925 : i32
      %get3A_1927 = arith.index_cast %add3A_1926 : i32 to index
      %get3A_1928 = arith.constant 112 : index
      %get3A_1929 = tpu.vector_load %arg9[%get3A_1927, %get3A_1928] {strides = array<i32>} : memref<512x128xf32, #tpu.memory_space<vmem>>, vector<1x16xf32>,
      %get3A_1930 = vector.shape_cast %get3A_1929 : vector<1x16xf32> to vector<16xf32>
      %mul3A_1931 = arith.mulf %get3A_1930, %gather3A_1826 : vector<16xf32>
      %add3A_1932 = arith.constant 13 : i32
      %add3A_1933 = arith.addi %mul3A_301, %add3A_1932 : i32
      %swap3A_1934 = arith.index_cast %add3A_1933 : i32 to index
      %swap3A_1935 = arith.constant 112 : index
      %swap3A_1936 = tpu.vector_load %arg9[%swap3A_1934, %swap3A_1935] {strides = array<i32>} : memref<512x128xf32, #tpu.memory_space<vmem>>, vector<1x16xf32>,
      %swap3A_1937 = vector.shape_cast %swap3A_1936 : vector<1x16xf32> to vector<16xf32>
      %swap3A_1938 = vector.shape_cast %mul3A_1931 : vector<16xf32> to vector<1x16xf32>
      tpu.vector_store %arg9[%swap3A_1934, %swap3A_1935], %swap3A_1938 {strides = array<i32>} : memref<512x128xf32, #tpu.memory_space<vmem>>, vector<1x16xf32>,
      %broadcast_in_dim3A_1939 = arith.constant 14 : i32
      %broadcast_in_dim3A_1940 = vector.broadcast %broadcast_in_dim3A_1939 : i32 to vector<16xi32>
      %reshape3A_1941 = vector.shape_cast %broadcast_in_dim3A_1940 : vector<16xi32> to vector<16x1xi32>
      %gather3A_1942 = vector.shape_cast %reshape3A_1941 : vector<16x1xi32> to vector<16xi32>
      %gather3A_1943 = tpu.dynamic_gather %get3A_304[%gather3A_1942] in [0] : vector<16xf32>, vector<16xi32> -> vector<16xf32>
      %add3A_1944 = arith.constant 14 : i32
      %add3A_1945 = arith.addi %mul3A_301, %add3A_1944 : i32
      %get3A_1946 = arith.index_cast %add3A_1945 : i32 to index
      %get3A_1947 = arith.constant 0 : index
      %get3A_1948 = tpu.vector_load %arg9[%get3A_1946, %get3A_1947] {strides = array<i32>} : memref<512x128xf32, #tpu.memory_space<vmem>>, vector<1x16xf32>,
      %get3A_1949 = vector.shape_cast %get3A_1948 : vector<1x16xf32> to vector<16xf32>
      %mul3A_1950 = arith.mulf %get3A_1949, %gather3A_1943 : vector<16xf32>
      %add3A_1951 = arith.constant 14 : i32
      %add3A_1952 = arith.addi %mul3A_301, %add3A_1951 : i32
      %swap3A_1953 = arith.index_cast %add3A_1952 : i32 to index
      %swap3A_1954 = arith.constant 0 : index
      %swap3A_1955 = tpu.vector_load %arg9[%swap3A_1953, %swap3A_1954] {strides = array<i32>} : memref<512x128xf32, #tpu.memory_space<vmem>>, vector<1x16xf32>,
      %swap3A_1956 = vector.shape_cast %swap3A_1955 : vector<1x16xf32> to vector<16xf32>
      %swap3A_1957 = vector.shape_cast %mul3A_1950 : vector<16xf32> to vector<1x16xf32>
      tpu.vector_store %arg9[%swap3A_1953, %swap3A_1954], %swap3A_1957 {strides = array<i32>} : memref<512x128xf32, #tpu.memory_space<vmem>>, vector<1x16xf32>,
      %add3A_1958 = arith.constant 14 : i32
      %add3A_1959 = arith.addi %mul3A_301, %add3A_1958 : i32
      %get3A_1960 = arith.index_cast %add3A_1959 : i32 to index
      %get3A_1961 = arith.constant 16 : index
      %get3A_1962 = tpu.vector_load %arg9[%get3A_1960, %get3A_1961] {strides = array<i32>} : memref<512x128xf32, #tpu.memory_space<vmem>>, vector<1x16xf32>,
      %get3A_1963 = vector.shape_cast %get3A_1962 : vector<1x16xf32> to vector<16xf32>
      %mul3A_1964 = arith.mulf %get3A_1963, %gather3A_1943 : vector<16xf32>
      %add3A_1965 = arith.constant 14 : i32
      %add3A_1966 = arith.addi %mul3A_301, %add3A_1965 : i32
      %swap3A_1967 = arith.index_cast %add3A_1966 : i32 to index
      %swap3A_1968 = arith.constant 16 : index
      %swap3A_1969 = tpu.vector_load %arg9[%swap3A_1967, %swap3A_1968] {strides = array<i32>} : memref<512x128xf32, #tpu.memory_space<vmem>>, vector<1x16xf32>,
      %swap3A_1970 = vector.shape_cast %swap3A_1969 : vector<1x16xf32> to vector<16xf32>
      %swap3A_1971 = vector.shape_cast %mul3A_1964 : vector<16xf32> to vector<1x16xf32>
      tpu.vector_store %arg9[%swap3A_1967, %swap3A_1968], %swap3A_1971 {strides = array<i32>} : memref<512x128xf32, #tpu.memory_space<vmem>>, vector<1x16xf32>,
      %add3A_1972 = arith.constant 14 : i32
      %add3A_1973 = arith.addi %mul3A_301, %add3A_1972 : i32
      %get3A_1974 = arith.index_cast %add3A_1973 : i32 to index
      %get3A_1975 = arith.constant 32 : index
      %get3A_1976 = tpu.vector_load %arg9[%get3A_1974, %get3A_1975] {strides = array<i32>} : memref<512x128xf32, #tpu.memory_space<vmem>>, vector<1x16xf32>,
      %get3A_1977 = vector.shape_cast %get3A_1976 : vector<1x16xf32> to vector<16xf32>
      %mul3A_1978 = arith.mulf %get3A_1977, %gather3A_1943 : vector<16xf32>
      %add3A_1979 = arith.constant 14 : i32
      %add3A_1980 = arith.addi %mul3A_301, %add3A_1979 : i32
      %swap3A_1981 = arith.index_cast %add3A_1980 : i32 to index
      %swap3A_1982 = arith.constant 32 : index
      %swap3A_1983 = tpu.vector_load %arg9[%swap3A_1981, %swap3A_1982] {strides = array<i32>} : memref<512x128xf32, #tpu.memory_space<vmem>>, vector<1x16xf32>,
      %swap3A_1984 = vector.shape_cast %swap3A_1983 : vector<1x16xf32> to vector<16xf32>
      %swap3A_1985 = vector.shape_cast %mul3A_1978 : vector<16xf32> to vector<1x16xf32>
      tpu.vector_store %arg9[%swap3A_1981, %swap3A_1982], %swap3A_1985 {strides = array<i32>} : memref<512x128xf32, #tpu.memory_space<vmem>>, vector<1x16xf32>,
      %add3A_1986 = arith.constant 14 : i32
      %add3A_1987 = arith.addi %mul3A_301, %add3A_1986 : i32
      %get3A_1988 = arith.index_cast %add3A_1987 : i32 to index
      %get3A_1989 = arith.constant 48 : index
      %get3A_1990 = tpu.vector_load %arg9[%get3A_1988, %get3A_1989] {strides = array<i32>} : memref<512x128xf32, #tpu.memory_space<vmem>>, vector<1x16xf32>,
      %get3A_1991 = vector.shape_cast %get3A_1990 : vector<1x16xf32> to vector<16xf32>
      %mul3A_1992 = arith.mulf %get3A_1991, %gather3A_1943 : vector<16xf32>
      %add3A_1993 = arith.constant 14 : i32
      %add3A_1994 = arith.addi %mul3A_301, %add3A_1993 : i32
      %swap3A_1995 = arith.index_cast %add3A_1994 : i32 to index
      %swap3A_1996 = arith.constant 48 : index
      %swap3A_1997 = tpu.vector_load %arg9[%swap3A_1995, %swap3A_1996] {strides = array<i32>} : memref<512x128xf32, #tpu.memory_space<vmem>>, vector<1x16xf32>,
      %swap3A_1998 = vector.shape_cast %swap3A_1997 : vector<1x16xf32> to vector<16xf32>
      %swap3A_1999 = vector.shape_cast %mul3A_1992 : vector<16xf32> to vector<1x16xf32>
      tpu.vector_store %arg9[%swap3A_1995, %swap3A_1996], %swap3A_1999 {strides = array<i32>} : memref<512x128xf32, #tpu.memory_space<vmem>>, vector<1x16xf32>,
      %add3A_2000 = arith.constant 14 : i32
      %add3A_2001 = arith.addi %mul3A_301, %add3A_2000 : i32
      %get3A_2002 = arith.index_cast %add3A_2001 : i32 to index
      %get3A_2003 = arith.constant 64 : index
      %get3A_2004 = tpu.vector_load %arg9[%get3A_2002, %get3A_2003] {strides = array<i32>} : memref<512x128xf32, #tpu.memory_space<vmem>>, vector<1x16xf32>,
      %get3A_2005 = vector.shape_cast %get3A_2004 : vector<1x16xf32> to vector<16xf32>
      %mul3A_2006 = arith.mulf %get3A_2005, %gather3A_1943 : vector<16xf32>
      %add3A_2007 = arith.constant 14 : i32
      %add3A_2008 = arith.addi %mul3A_301, %add3A_2007 : i32
      %swap3A_2009 = arith.index_cast %add3A_2008 : i32 to index
      %swap3A_2010 = arith.constant 64 : index
      %swap3A_2011 = tpu.vector_load %arg9[%swap3A_2009, %swap3A_2010] {strides = array<i32>} : memref<512x128xf32, #tpu.memory_space<vmem>>, vector<1x16xf32>,
      %swap3A_2012 = vector.shape_cast %swap3A_2011 : vector<1x16xf32> to vector<16xf32>
      %swap3A_2013 = vector.shape_cast %mul3A_2006 : vector<16xf32> to vector<1x16xf32>
      tpu.vector_store %arg9[%swap3A_2009, %swap3A_2010], %swap3A_2013 {strides = array<i32>} : memref<512x128xf32, #tpu.memory_space<vmem>>, vector<1x16xf32>,
      %add3A_2014 = arith.constant 14 : i32
      %add3A_2015 = arith.addi %mul3A_301, %add3A_2014 : i32
      %get3A_2016 = arith.index_cast %add3A_2015 : i32 to index
      %get3A_2017 = arith.constant 80 : index
      %get3A_2018 = tpu.vector_load %arg9[%get3A_2016, %get3A_2017] {strides = array<i32>} : memref<512x128xf32, #tpu.memory_space<vmem>>, vector<1x16xf32>,
      %get3A_2019 = vector.shape_cast %get3A_2018 : vector<1x16xf32> to vector<16xf32>
      %mul3A_2020 = arith.mulf %get3A_2019, %gather3A_1943 : vector<16xf32>
      %add3A_2021 = arith.constant 14 : i32
      %add3A_2022 = arith.addi %mul3A_301, %add3A_2021 : i32
      %swap3A_2023 = arith.index_cast %add3A_2022 : i32 to index
      %swap3A_2024 = arith.constant 80 : index
      %swap3A_2025 = tpu.vector_load %arg9[%swap3A_2023, %swap3A_2024] {strides = array<i32>} : memref<512x128xf32, #tpu.memory_space<vmem>>, vector<1x16xf32>,
      %swap3A_2026 = vector.shape_cast %swap3A_2025 : vector<1x16xf32> to vector<16xf32>
      %swap3A_2027 = vector.shape_cast %mul3A_2020 : vector<16xf32> to vector<1x16xf32>
      tpu.vector_store %arg9[%swap3A_2023, %swap3A_2024], %swap3A_2027 {strides = array<i32>} : memref<512x128xf32, #tpu.memory_space<vmem>>, vector<1x16xf32>,
      %add3A_2028 = arith.constant 14 : i32
      %add3A_2029 = arith.addi %mul3A_301, %add3A_2028 : i32
      %get3A_2030 = arith.index_cast %add3A_2029 : i32 to index
      %get3A_2031 = arith.constant 96 : index
      %get3A_2032 = tpu.vector_load %arg9[%get3A_2030, %get3A_2031] {strides = array<i32>} : memref<512x128xf32, #tpu.memory_space<vmem>>, vector<1x16xf32>,
      %get3A_2033 = vector.shape_cast %get3A_2032 : vector<1x16xf32> to vector<16xf32>
      %mul3A_2034 = arith.mulf %get3A_2033, %gather3A_1943 : vector<16xf32>
      %add3A_2035 = arith.constant 14 : i32
      %add3A_2036 = arith.addi %mul3A_301, %add3A_2035 : i32
      %swap3A_2037 = arith.index_cast %add3A_2036 : i32 to index
      %swap3A_2038 = arith.constant 96 : index
      %swap3A_2039 = tpu.vector_load %arg9[%swap3A_2037, %swap3A_2038] {strides = array<i32>} : memref<512x128xf32, #tpu.memory_space<vmem>>, vector<1x16xf32>,
      %swap3A_2040 = vector.shape_cast %swap3A_2039 : vector<1x16xf32> to vector<16xf32>
      %swap3A_2041 = vector.shape_cast %mul3A_2034 : vector<16xf32> to vector<1x16xf32>
      tpu.vector_store %arg9[%swap3A_2037, %swap3A_2038], %swap3A_2041 {strides = array<i32>} : memref<512x128xf32, #tpu.memory_space<vmem>>, vector<1x16xf32>,
      %add3A_2042 = arith.constant 14 : i32
      %add3A_2043 = arith.addi %mul3A_301, %add3A_2042 : i32
      %get3A_2044 = arith.index_cast %add3A_2043 : i32 to index
      %get3A_2045 = arith.constant 112 : index
      %get3A_2046 = tpu.vector_load %arg9[%get3A_2044, %get3A_2045] {strides = array<i32>} : memref<512x128xf32, #tpu.memory_space<vmem>>, vector<1x16xf32>,
      %get3A_2047 = vector.shape_cast %get3A_2046 : vector<1x16xf32> to vector<16xf32>
      %mul3A_2048 = arith.mulf %get3A_2047, %gather3A_1943 : vector<16xf32>
      %add3A_2049 = arith.constant 14 : i32
      %add3A_2050 = arith.addi %mul3A_301, %add3A_2049 : i32
      %swap3A_2051 = arith.index_cast %add3A_2050 : i32 to index
      %swap3A_2052 = arith.constant 112 : index
      %swap3A_2053 = tpu.vector_load %arg9[%swap3A_2051, %swap3A_2052] {strides = array<i32>} : memref<512x128xf32, #tpu.memory_space<vmem>>, vector<1x16xf32>,
      %swap3A_2054 = vector.shape_cast %swap3A_2053 : vector<1x16xf32> to vector<16xf32>
      %swap3A_2055 = vector.shape_cast %mul3A_2048 : vector<16xf32> to vector<1x16xf32>
      tpu.vector_store %arg9[%swap3A_2051, %swap3A_2052], %swap3A_2055 {strides = array<i32>} : memref<512x128xf32, #tpu.memory_space<vmem>>, vector<1x16xf32>,
      %broadcast_in_dim3A_2056 = arith.constant 15 : i32
      %broadcast_in_dim3A_2057 = vector.broadcast %broadcast_in_dim3A_2056 : i32 to vector<16xi32>
      %reshape3A_2058 = vector.shape_cast %broadcast_in_dim3A_2057 : vector<16xi32> to vector<16x1xi32>
      %gather3A_2059 = vector.shape_cast %reshape3A_2058 : vector<16x1xi32> to vector<16xi32>
      %gather3A_2060 = tpu.dynamic_gather %get3A_304[%gather3A_2059] in [0] : vector<16xf32>, vector<16xi32> -> vector<16xf32>
      %add3A_2061 = arith.constant 15 : i32
      %add3A_2062 = arith.addi %mul3A_301, %add3A_2061 : i32
      %get3A_2063 = arith.index_cast %add3A_2062 : i32 to index
      %get3A_2064 = arith.constant 0 : index
      %get3A_2065 = tpu.vector_load %arg9[%get3A_2063, %get3A_2064] {strides = array<i32>} : memref<512x128xf32, #tpu.memory_space<vmem>>, vector<1x16xf32>,
      %get3A_2066 = vector.shape_cast %get3A_2065 : vector<1x16xf32> to vector<16xf32>
      %mul3A_2067 = arith.mulf %get3A_2066, %gather3A_2060 : vector<16xf32>
      %add3A_2068 = arith.constant 15 : i32
      %add3A_2069 = arith.addi %mul3A_301, %add3A_2068 : i32
      %swap3A_2070 = arith.index_cast %add3A_2069 : i32 to index
      %swap3A_2071 = arith.constant 0 : index
      %swap3A_2072 = tpu.vector_load %arg9[%swap3A_2070, %swap3A_2071] {strides = array<i32>} : memref<512x128xf32, #tpu.memory_space<vmem>>, vector<1x16xf32>,
      %swap3A_2073 = vector.shape_cast %swap3A_2072 : vector<1x16xf32> to vector<16xf32>
      %swap3A_2074 = vector.shape_cast %mul3A_2067 : vector<16xf32> to vector<1x16xf32>
      tpu.vector_store %arg9[%swap3A_2070, %swap3A_2071], %swap3A_2074 {strides = array<i32>} : memref<512x128xf32, #tpu.memory_space<vmem>>, vector<1x16xf32>,
      %add3A_2075 = arith.constant 15 : i32
      %add3A_2076 = arith.addi %mul3A_301, %add3A_2075 : i32
      %get3A_2077 = arith.index_cast %add3A_2076 : i32 to index
      %get3A_2078 = arith.constant 16 : index
      %get3A_2079 = tpu.vector_load %arg9[%get3A_2077, %get3A_2078] {strides = array<i32>} : memref<512x128xf32, #tpu.memory_space<vmem>>, vector<1x16xf32>,
      %get3A_2080 = vector.shape_cast %get3A_2079 : vector<1x16xf32> to vector<16xf32>
      %mul3A_2081 = arith.mulf %get3A_2080, %gather3A_2060 : vector<16xf32>
      %add3A_2082 = arith.constant 15 : i32
      %add3A_2083 = arith.addi %mul3A_301, %add3A_2082 : i32
      %swap3A_2084 = arith.index_cast %add3A_2083 : i32 to index
      %swap3A_2085 = arith.constant 16 : index
      %swap3A_2086 = tpu.vector_load %arg9[%swap3A_2084, %swap3A_2085] {strides = array<i32>} : memref<512x128xf32, #tpu.memory_space<vmem>>, vector<1x16xf32>,
      %swap3A_2087 = vector.shape_cast %swap3A_2086 : vector<1x16xf32> to vector<16xf32>
      %swap3A_2088 = vector.shape_cast %mul3A_2081 : vector<16xf32> to vector<1x16xf32>
      tpu.vector_store %arg9[%swap3A_2084, %swap3A_2085], %swap3A_2088 {strides = array<i32>} : memref<512x128xf32, #tpu.memory_space<vmem>>, vector<1x16xf32>,
      %add3A_2089 = arith.constant 15 : i32
      %add3A_2090 = arith.addi %mul3A_301, %add3A_2089 : i32
      %get3A_2091 = arith.index_cast %add3A_2090 : i32 to index
      %get3A_2092 = arith.constant 32 : index
      %get3A_2093 = tpu.vector_load %arg9[%get3A_2091, %get3A_2092] {strides = array<i32>} : memref<512x128xf32, #tpu.memory_space<vmem>>, vector<1x16xf32>,
      %get3A_2094 = vector.shape_cast %get3A_2093 : vector<1x16xf32> to vector<16xf32>
      %mul3A_2095 = arith.mulf %get3A_2094, %gather3A_2060 : vector<16xf32>
      %add3A_2096 = arith.constant 15 : i32
      %add3A_2097 = arith.addi %mul3A_301, %add3A_2096 : i32
      %swap3A_2098 = arith.index_cast %add3A_2097 : i32 to index
      %swap3A_2099 = arith.constant 32 : index
      %swap3A_2100 = tpu.vector_load %arg9[%swap3A_2098, %swap3A_2099] {strides = array<i32>} : memref<512x128xf32, #tpu.memory_space<vmem>>, vector<1x16xf32>,
      %swap3A_2101 = vector.shape_cast %swap3A_2100 : vector<1x16xf32> to vector<16xf32>
      %swap3A_2102 = vector.shape_cast %mul3A_2095 : vector<16xf32> to vector<1x16xf32>
      tpu.vector_store %arg9[%swap3A_2098, %swap3A_2099], %swap3A_2102 {strides = array<i32>} : memref<512x128xf32, #tpu.memory_space<vmem>>, vector<1x16xf32>,
      %add3A_2103 = arith.constant 15 : i32
      %add3A_2104 = arith.addi %mul3A_301, %add3A_2103 : i32
      %get3A_2105 = arith.index_cast %add3A_2104 : i32 to index
      %get3A_2106 = arith.constant 48 : index
      %get3A_2107 = tpu.vector_load %arg9[%get3A_2105, %get3A_2106] {strides = array<i32>} : memref<512x128xf32, #tpu.memory_space<vmem>>, vector<1x16xf32>,
      %get3A_2108 = vector.shape_cast %get3A_2107 : vector<1x16xf32> to vector<16xf32>
      %mul3A_2109 = arith.mulf %get3A_2108, %gather3A_2060 : vector<16xf32>
      %add3A_2110 = arith.constant 15 : i32
      %add3A_2111 = arith.addi %mul3A_301, %add3A_2110 : i32
      %swap3A_2112 = arith.index_cast %add3A_2111 : i32 to index
      %swap3A_2113 = arith.constant 48 : index
      %swap3A_2114 = tpu.vector_load %arg9[%swap3A_2112, %swap3A_2113] {strides = array<i32>} : memref<512x128xf32, #tpu.memory_space<vmem>>, vector<1x16xf32>,
      %swap3A_2115 = vector.shape_cast %swap3A_2114 : vector<1x16xf32> to vector<16xf32>
      %swap3A_2116 = vector.shape_cast %mul3A_2109 : vector<16xf32> to vector<1x16xf32>
      tpu.vector_store %arg9[%swap3A_2112, %swap3A_2113], %swap3A_2116 {strides = array<i32>} : memref<512x128xf32, #tpu.memory_space<vmem>>, vector<1x16xf32>,
      %add3A_2117 = arith.constant 15 : i32
      %add3A_2118 = arith.addi %mul3A_301, %add3A_2117 : i32
      %get3A_2119 = arith.index_cast %add3A_2118 : i32 to index
      %get3A_2120 = arith.constant 64 : index
      %get3A_2121 = tpu.vector_load %arg9[%get3A_2119, %get3A_2120] {strides = array<i32>} : memref<512x128xf32, #tpu.memory_space<vmem>>, vector<1x16xf32>,
      %get3A_2122 = vector.shape_cast %get3A_2121 : vector<1x16xf32> to vector<16xf32>
      %mul3A_2123 = arith.mulf %get3A_2122, %gather3A_2060 : vector<16xf32>
      %add3A_2124 = arith.constant 15 : i32
      %add3A_2125 = arith.addi %mul3A_301, %add3A_2124 : i32
      %swap3A_2126 = arith.index_cast %add3A_2125 : i32 to index
      %swap3A_2127 = arith.constant 64 : index
      %swap3A_2128 = tpu.vector_load %arg9[%swap3A_2126, %swap3A_2127] {strides = array<i32>} : memref<512x128xf32, #tpu.memory_space<vmem>>, vector<1x16xf32>,
      %swap3A_2129 = vector.shape_cast %swap3A_2128 : vector<1x16xf32> to vector<16xf32>
      %swap3A_2130 = vector.shape_cast %mul3A_2123 : vector<16xf32> to vector<1x16xf32>
      tpu.vector_store %arg9[%swap3A_2126, %swap3A_2127], %swap3A_2130 {strides = array<i32>} : memref<512x128xf32, #tpu.memory_space<vmem>>, vector<1x16xf32>,
      %add3A_2131 = arith.constant 15 : i32
      %add3A_2132 = arith.addi %mul3A_301, %add3A_2131 : i32
      %get3A_2133 = arith.index_cast %add3A_2132 : i32 to index
      %get3A_2134 = arith.constant 80 : index
      %get3A_2135 = tpu.vector_load %arg9[%get3A_2133, %get3A_2134] {strides = array<i32>} : memref<512x128xf32, #tpu.memory_space<vmem>>, vector<1x16xf32>,
      %get3A_2136 = vector.shape_cast %get3A_2135 : vector<1x16xf32> to vector<16xf32>
      %mul3A_2137 = arith.mulf %get3A_2136, %gather3A_2060 : vector<16xf32>
      %add3A_2138 = arith.constant 15 : i32
      %add3A_2139 = arith.addi %mul3A_301, %add3A_2138 : i32
      %swap3A_2140 = arith.index_cast %add3A_2139 : i32 to index
      %swap3A_2141 = arith.constant 80 : index
      %swap3A_2142 = tpu.vector_load %arg9[%swap3A_2140, %swap3A_2141] {strides = array<i32>} : memref<512x128xf32, #tpu.memory_space<vmem>>, vector<1x16xf32>,
      %swap3A_2143 = vector.shape_cast %swap3A_2142 : vector<1x16xf32> to vector<16xf32>
      %swap3A_2144 = vector.shape_cast %mul3A_2137 : vector<16xf32> to vector<1x16xf32>
      tpu.vector_store %arg9[%swap3A_2140, %swap3A_2141], %swap3A_2144 {strides = array<i32>} : memref<512x128xf32, #tpu.memory_space<vmem>>, vector<1x16xf32>,
      %add3A_2145 = arith.constant 15 : i32
      %add3A_2146 = arith.addi %mul3A_301, %add3A_2145 : i32
      %get3A_2147 = arith.index_cast %add3A_2146 : i32 to index
      %get3A_2148 = arith.constant 96 : index
      %get3A_2149 = tpu.vector_load %arg9[%get3A_2147, %get3A_2148] {strides = array<i32>} : memref<512x128xf32, #tpu.memory_space<vmem>>, vector<1x16xf32>,
      %get3A_2150 = vector.shape_cast %get3A_2149 : vector<1x16xf32> to vector<16xf32>
      %mul3A_2151 = arith.mulf %get3A_2150, %gather3A_2060 : vector<16xf32>
      %add3A_2152 = arith.constant 15 : i32
      %add3A_2153 = arith.addi %mul3A_301, %add3A_2152 : i32
      %swap3A_2154 = arith.index_cast %add3A_2153 : i32 to index
      %swap3A_2155 = arith.constant 96 : index
      %swap3A_2156 = tpu.vector_load %arg9[%swap3A_2154, %swap3A_2155] {strides = array<i32>} : memref<512x128xf32, #tpu.memory_space<vmem>>, vector<1x16xf32>,
      %swap3A_2157 = vector.shape_cast %swap3A_2156 : vector<1x16xf32> to vector<16xf32>
      %swap3A_2158 = vector.shape_cast %mul3A_2151 : vector<16xf32> to vector<1x16xf32>
      tpu.vector_store %arg9[%swap3A_2154, %swap3A_2155], %swap3A_2158 {strides = array<i32>} : memref<512x128xf32, #tpu.memory_space<vmem>>, vector<1x16xf32>,
      %add3A_2159 = arith.constant 15 : i32
      %add3A_2160 = arith.addi %mul3A_301, %add3A_2159 : i32
      %get3A_2161 = arith.index_cast %add3A_2160 : i32 to index
      %get3A_2162 = arith.constant 112 : index
      %get3A_2163 = tpu.vector_load %arg9[%get3A_2161, %get3A_2162] {strides = array<i32>} : memref<512x128xf32, #tpu.memory_space<vmem>>, vector<1x16xf32>,
      %get3A_2164 = vector.shape_cast %get3A_2163 : vector<1x16xf32> to vector<16xf32>
      %mul3A_2165 = arith.mulf %get3A_2164, %gather3A_2060 : vector<16xf32>
      %add3A_2166 = arith.constant 15 : i32
      %add3A_2167 = arith.addi %mul3A_301, %add3A_2166 : i32
      %swap3A_2168 = arith.index_cast %add3A_2167 : i32 to index
      %swap3A_2169 = arith.constant 112 : index
      %swap3A_2170 = tpu.vector_load %arg9[%swap3A_2168, %swap3A_2169] {strides = array<i32>} : memref<512x128xf32, #tpu.memory_space<vmem>>, vector<1x16xf32>,
      %swap3A_2171 = vector.shape_cast %swap3A_2170 : vector<1x16xf32> to vector<16xf32>
      %swap3A_2172 = vector.shape_cast %mul3A_2165 : vector<16xf32> to vector<1x16xf32>
      tpu.vector_store %arg9[%swap3A_2168, %swap3A_2169], %swap3A_2172 {strides = array<i32>} : memref<512x128xf32, #tpu.memory_space<vmem>>, vector<1x16xf32>,
      %add3A_2173 = arith.addi %mul3A_2, %mul3A_301 : i32
      %dma_start3A_2174 = arith.constant 0 : i32
      %dma_start3A_2175 = tpu.memref_slice %arg9[%mul3A_301, %dma_start3A_2174] : memref<512x128xf32, #tpu.memory_space<vmem>> -> memref<16x128xf32, #tpu.memory_space<vmem>>
      %dma_start3A_2176 = arith.constant 0 : i32
      %dma_start3A_2177 = tpu.memref_slice %arg5[%add3A_2173, %dma_start3A_2176] : memref<16384x128xf32, #tpu.memory_space<hbm>> -> memref<16x128xf32, #tpu.memory_space<hbm>>
      %dma_start3A_2178 = arith.constant 0 : i32
      %dma_start3A_2179 = tpu.memref_slice %arg5[%add3A_2173, %dma_start3A_2178] : memref<16384x128xf32, #tpu.memory_space<hbm>> -> memref<16x128xf32, #tpu.memory_space<hbm>>
      %dma_start3A_2180 = arith.constant 0 : i32
      %dma_start3A_2181 = tpu.memref_slice %arg9[%mul3A_301, %dma_start3A_2180] : memref<512x128xf32, #tpu.memory_space<vmem>> -> memref<16x128xf32, #tpu.memory_space<vmem>>
      tpu.enqueue_dma source(%dma_start3A_2181 : memref<16x128xf32, #tpu.memory_space<vmem>>) target(%dma_start3A_2179 : memref<16x128xf32, #tpu.memory_space<hbm>>) target_semaphore(%arg26 : memref<!tpu.dma_semaphore, #tpu.memory_space<semaphore_mem>>)
    }
    %scan3A_217 = arith.constant 32 : i32
    %dma_wait3A_218 = arith.constant 0 : i32
    %dma_wait3A_219 = tpu.memref_slice %arg5[%mul3A_2, %dma_wait3A_218] : memref<16384x128xf32, #tpu.memory_space<hbm>> -> memref<512x128xf32, #tpu.memory_space<hbm>>
    %dma_wait3A_220 = arith.constant 0 : i32
    %dma_wait3A_221 = tpu.memref_slice %arg5[%mul3A_2, %dma_wait3A_220] : memref<16384x128xf32, #tpu.memory_space<hbm>> -> memref<512x128xf32, #tpu.memory_space<hbm>>
    tpu.wait_dma2 semaphore(%arg26 : memref<!tpu.dma_semaphore, #tpu.memory_space<semaphore_mem>>) src(%arg9 : memref<512x128xf32, #tpu.memory_space<vmem>>) dst(%dma_wait3A_221 : memref<512x128xf32, #tpu.memory_space<hbm>>)
    return
  }
}

</mosaic_0001>

<sc_bundles>
// kernel: kernel.3.cloned.1.call-start
scs
__scs_entry_jumppad:
0x0: {  	(pc) =	sbr.rel $0x88, $3  }
0x1: {  	(tag) =	ssettag $0x0;
	lr =	simm.s32 $0x1  }
0x2: {  	[smem:$0x3F9E] =	sst lr;
	_ =	strace $0xD0000000  }
0x3: {  	_ = 	snop  }
0x4: {  	_ = 	snop  }
0x5: {  	_ = 	snop  }
0x6: {  	_ = 	snop  }
0x7: {  	_ = 	snop  }
__scs_overlays_trampoline_lowered:
0x8: {  	[smem:$0x3FAD] =	sst s0  }
0x9: {  	[smem:$0x3FAE] =	sst s1  }
0xa: {  	[smem:$0x3FAF] =	sst s2  }
0xb: {  	[smem:$0x3FB0] =	sst s3  }
0xc: {  	[smem:$0x3FB1] =	sst s4  }
0xd: {  	[smem:$0x3FB2] =	sst s5  }
0xe: {  	[smem:$0x3FB3] =	sst s6  }
0xf: {  	[smem:$0x3FB4] =	sst s7  }
0x10: {  	[smem:$0x3FB5] =	sst s8  }
0x11: {  	[smem:$0x3FB6] =	sst s9;
	s0 =	simm.s32 @!p0 $0x0  }
0x12: {  	s1 =	sld [smem:$0x3F9C];
	s0 =	simm.s32 @p0 $0x1  }
0x13: {  	[smem:$0x3FB7] =	sst s0;
	s0 =	simm.s32 @!p1 $0x0  }
0x14: {  	s2 =	sld [smem:$0x3F9B];
	s0 =	simm.s32 @p1 $0x1  }
0x15: {  	[smem:$0x3FB8] =	sst s0;
	s0 =	simm.s32 @!p2 $0x0  }
0x16: {  	s3 =	sld [smem:$0x3FDB];
	s0 =	simm.s32 @p2 $0x1  }
0x17: {  	s4 =	simm.s32 $0x1BF5;
	[smem:$0x3FBA] =	sst s0  }
0x18: {  	s0 =	sld [smem:$0x3F9D];
	_ =	swait.ge [sflag:s4], $0x0  }
0x19: {  	s7 =	sld [smem:$0x3F9E]  }
0x1a: {  	s8 =	sadd.s32 $0xFFFFE003, lr  }
0x1b: {  	s9 =	sadd.s32 $0xFFFFFEF7, lr;
	s5 =	simm.s32 $0xFFFFFFFF;
	p2 =	slt.u32 s8, $0xFFFFF086  }
0x1c: {  	p1 =	slt.u32 s9, $0xF7A;
	s5 =	simm.s32 @!p2 $0x0  }
0x1d: {  	s5 =	simm.s32 @p1 $0x1;
	p0 =	seq.s32 s7, s2  }
0x1e: {  	s7 =	smul.u32 @!p0 $0xF7A, s2;
	p2 =	seq.s32 @!p0 s5, $0x0  }
0x1f: {  	s9 =	smul.u32 $0xF7A, s1;
	s8 =	simm.s32 @!p0 $0x1BF5;
	p2 =	por !p2, p0  }
0x20: {  	[sflag:s8] =	ssyncset.s32 @!p0 $0xFFFFF086;
	s6 =	sadd.s32 @!p0 s3, s7;
	s7 =	simm.s32 @!p0 $0x108  }
0x21: {  	s3 =	sadd.s32 s3, s9;
	s6 =	sadd.s32 @!p0 $0x88, s6;
	s7 =	simm.s32 @p2 $0x1082  }
0x22: {  	[simem:s7], [sflag:s8] =	dma.local @!p0 [hbm:s6], $0xF7A  }
0x23: {  	s9 =	sor.u32 $0xD0000000, s2;
	s6 =	simm.s32 $0x108;
	_ =	swait.ge @!p0 [sflag:s8], $0x0  }
0x24: {  	s3 =	sadd.s32 $0x88, s3;
	s6 =	simm.s32 @!p1 $0x1082;
	[sflag:s4] =	ssyncset.s32 $0xFFFFF086  }
0x25: {  	[simem:s6], [sflag:s4] =	dma.local [hbm:s3], $0xF7A  }
0x26: {  	[smem:$0x3F9E] =	sst s1;
	(tag) =	ssettag s2;
	_ =	strace s9  }
0x27: {  	s1 =	sld [smem:$0x3FAE]  }
0x28: {  	s2 =	sld [smem:$0x3FAF]  }
0x29: {  	s4 =	sld [smem:$0x3FB1]  }
0x2a: {  	p0 =	seq.s32 s5, $0x0;
	s5 =	sld [smem:$0x3FB2]  }
0x2b: {  	s6 =	sld [smem:$0x3FB3]  }
0x2c: {  	s7 =	sld [smem:$0x3FB4]  }
0x2d: {  	s3 =	simm.s32 $0x108;
	s8 =	sld [smem:$0x3FB5]  }
0x2e: {  	s3 =	simm.s32 @!p0 $0x1082;
	s9 =	sld [smem:$0x3FB6]  }
0x2f: {  	lr =	sadd.s32 s0, s3;
	s0 =	sld [smem:$0x3FAD]  }
0x30: {  	s3 =	sld [smem:$0x3FB0]  }
0x31: {  	[smem:$0x3FB9] =	sst s10  }
0x32: {  	s10 =	sld [smem:$0x3FB7];
	_ =	sdelay $0x3  }
0x33: {  	p0 =	seq.s32 s10, $0x1;
	s10 =	sld [smem:$0x3FB9];
	_ =	sdelay $0x3  }
0x34: {  	[smem:$0x3FB9] =	sst s10  }
0x35: {  	s10 =	sld [smem:$0x3FB8];
	_ =	sdelay $0x3  }
0x36: {  	p1 =	seq.s32 s10, $0x1;
	s10 =	sld [smem:$0x3FB9];
	_ =	sdelay $0x3  }
0x37: {  	[smem:$0x3FB9] =	sst s10  }
0x38: {  	s10 =	sld [smem:$0x3FBA]  }
0x39: {  	_ = 	snop;
	(pc) =	sbr.ind lr, $3  }
0x3a: {  	_ = 	snop  }
0x3b: {  	_ = 	snop  }
0x3c: {  	p2 =	seq.s32 s10, $0x1;
	s10 =	sld [smem:$0x3FB9]  }
0x3d: {  	_ =	shalt  }
0x3e: {  	_ =	shalt  }
0x3f: {  	_ =	shalt  }
0x40: {  	_ =	shalt  }
0x41: {  	_ =	shalt  }
0x42: {  	_ =	shalt  }
0x43: {  	_ =	shalt  }
0x44: {  	_ =	shalt  }
0x45: {  	_ =	shalt  }
0x46: {  	_ =	shalt  }
0x47: {  	_ =	shalt  }
0x48: {  	_ =	shalt  }
0x49: {  	_ =	shalt  }
0x4a: {  	_ =	shalt  }
0x4b: {  	_ =	shalt  }
0x4c: {  	_ =	shalt  }
0x4d: {  	_ =	shalt  }
0x4e: {  	_ =	shalt  }
0x4f: {  	_ =	shalt  }
0x50: {  	_ =	shalt  }
0x51: {  	_ =	shalt  }
0x52: {  	_ =	shalt  }
0x53: {  	_ =	shalt  }
0x54: {  	_ =	shalt  }
0x55: {  	_ =	shalt  }
0x56: {  	_ =	shalt  }
0x57: {  	_ =	shalt  }
0x58: {  	_ =	shalt  }
0x59: {  	_ =	shalt  }
0x5a: {  	_ =	shalt  }
0x5b: {  	_ =	shalt  }
0x5c: {  	_ =	shalt  }
0x5d: {  	_ =	shalt  }
0x5e: {  	_ =	shalt  }
0x5f: {  	_ =	shalt  }
0x60: {  	_ =	shalt  }
0x61: {  	_ =	shalt  }
0x62: {  	_ =	shalt  }
0x63: {  	_ =	shalt  }
0x64: {  	_ =	shalt  }
0x65: {  	_ =	shalt  }
0x66: {  	_ =	shalt  }
0x67: {  	_ =	shalt  }
0x68: {  	_ =	shalt  }
0x69: {  	_ =	shalt  }
0x6a: {  	_ =	shalt  }
0x6b: {  	_ =	shalt  }
0x6c: {  	_ =	shalt  }
0x6d: {  	_ =	shalt  }
0x6e: {  	_ =	shalt  }
0x6f: {  	_ =	shalt  }
0x70: {  	_ =	shalt  }
0x71: {  	_ =	shalt  }
0x72: {  	_ =	shalt  }
0x73: {  	_ =	shalt  }
0x74: {  	_ =	shalt  }
0x75: {  	_ =	shalt  }
0x76: {  	_ =	shalt  }
0x77: {  	_ =	shalt  }
0x78: {  	_ =	shalt  }
0x79: {  	_ =	shalt  }
0x7a: {  	_ =	shalt  }
0x7b: {  	_ =	shalt  }
0x7c: {  	_ =	shalt  }
0x7d: {  	_ =	shalt  }
0x7e: {  	_ =	shalt  }
0x7f: {  	_ =	shalt  }
0x80: {  	_ =	shalt  }
0x81: {  	_ =	shalt  }
0x82: {  	_ =	shalt  }
0x83: {  	_ =	shalt  }
0x84: {  	_ =	shalt  }
0x85: {  	_ =	shalt  }
0x86: {  	_ =	shalt  }
0x87: {  	_ =	shalt  }
.Lfunc_end0:
.L_simem_size_0:
called_computation_lowered:
.L_overlay_start_0:
0x88: {  	s2 =	sld [smem:$0x3FD9]  }
0x89: {  	s3 =	sld [smem:$0x3FFE];
	_ =	sdelay $0x1  }
0x8a: {  	s1 =	srdreg.scid  }
0x8b: {  	s0 =	sand.u32 $0x1, s1  }
0x8c: {  	s18 =	sshll.u32 s0, $0xA;
	s2 =	sadd.s32 s3, s2  }
0x8d: {  	s2 =	sadd.s32 s2, s18  }
0x8e: {  	[smem:$0x3FC5] =	sst s2  }
0x8f: {  	_ = 	snop  }
0x90: {  	s2 =	sld [smem:$0x3FC9]  }
0x91: {  	s19 =	sld [smem:$0x3FC8]  }
0x92: {  	s4 =	sld [smem:$0x3FC7]  }
0x93: {  	s5 =	sld [smem:$0x3FD0];
	(tm) =	ssettm $0x1  }
0x94: {  	s6 =	sld [smem:$0x3FFB];
	_ =	sdelay $0x3  }
0x95: {  	_ =	strace s6  }
0x96: {  	s6 =	sld [smem:$0x3FFC];
	_ =	sdelay $0x3  }
0x97: {  	_ =	strace s6  }
0x98: {  	s6 =	sld [smem:$0x3FFD];
	_ =	sdelay $0x3  }
0x99: {  	_ =	strace s6  }
0x9a: {  	_ =	strace $0x8FFFFFFF  }
0x9b: {  	s20 =	sld [smem:$0x3FDB];
	_ =	sdelay $0x1  }
0x9c: {  	s7 =	simm.s32 $_scs_section_size  }
0x9d: {  	s8 =	simm.s32 $_size__tile_overlayer_lowered;
	s9 =	simm.s32 $_tile_overlayer_lowered  }
0x9e: {  	s23 =	simm.s32 $0x1BFF;
	s22 =	sshll.u32 s9, $0x1;
	s6 =	sadd.s32 s7, s20  }
0x9f: {  	s10 =	simm.s32 $0x0;
	s21 =	sshll.u32 s8, $0x1;
	s8 =	sadd.s32 s22, s6  }
0xa0: {  	[timem:s10], [sflag:s23] =	dma.local [hbm:s8], s21  }
0xa1: {  	_ =	swait.ge [sflag:s23], s21  }
0xa2: {  	s7 =	ssub.s32 $0x0, s21;
	[sflag:s23] =	ssyncset.done $0x0  }
0xa3: {  	[sflag:s23] =	ssyncadd.s32 s7;
	_ =	sdelay $0x1  }
0xa4: {  	s24 =	simm.s32 $0x1B8B  }
0xa5: {  	_ =	swait.ge [sflag:s24], $0x1  }
0xa6: {  	[sflag:s24] =	ssyncset.done $0x0  }
0xa7: {  	s25 =	simm.s32 $0x1B8E;
	[sflag:s24] =	ssyncadd.s32 $0xFFFFFFFF  }
0xa8: {  	s26 =	simm.s32 $execute0_lowered;
	[smem:$0x3FD2] =	sst s25  }
0xa9: {  	s7 =	sshll.u32 s26, $0x1;
	_ =	strace $0x80000046;
	[dreg:$0x1] =	wrdreg $0xFFFFFFFF  }
0xaa: {  	s28 =	simm.s32 $_size_execute0_lowered;
	s6 =	sadd.s32 s6, s7;
	[dreg:$0x0] =	wrdreg $0x0  }
0xab: {  	s7 =	sshll.u32 s28, $0x1;
	[dreg:$0x2] =	wrdreg s6  }
0xac: {  	[dreg:$0x3] =	wrdreg s7  }
0xad: {  	[dreg:$0x4] =	wrdreg $0xC0  }
0xae: {  	_ =	task [dreg:s10], $0x5FFFF  }
0xaf: {  	[dreg:$0x1] =	wrdreg $0xFFFFFFFF  }
0xb0: {  	[dreg:$0x0] =	wrdreg $0x60  }
0xb1: {  	[dreg:$0x2] =	wrdreg s2  }
0xb2: {  	[dreg:$0x3] =	wrdreg s4  }
0xb3: {  	[dreg:$0x4] =	wrdreg s19  }
0xb4: {  	[dreg:$0x5] =	wrdreg s5  }
0xb5: {  	[dreg:$0x6] =	wrdreg $0x9  }
0xb6: {  	_ =	task.clear_ibuf [dreg:s10], $0x7FFFF;
	_ =	strace $0x90000046  }
0xb7: {  	s29 =	simm.s32 $0x9;
	_ =	strace $0x80000048  }
0xb8: {  	_ =	swait.ge [sflag:s29], $0x1  }
0xb9: {  	[sflag:s29] =	ssyncadd.s32 $0xFFFFFFFF  }
0xba: {  	_ =	strace $0x90000048  }
0xbb: {  	_ =	sfence  }
0xbc: {  	s30 =	sld [smem:$0x0];
	_ =	sdelay $0x2  }
0xbd: {  	s31 =	sshll.u32 s1, $0xD;
	s1 =	sshrl.u32 s1, $0x2  }
0xbe: {  	s3 =	sand.u32 $0x4000, s31;
	s1 =	sadd.s32 s1, s30  }
0xbf: {  	s0 =	sor.u32 s3, s0;
	s1 =	sshll.u32 s1, $0x11  }
0xc0: {  	s0 =	sor.u32 s1, s0  }
0xc1: {  	s0 =	sadd.s32 $0x8F2B, s0  }
0xc2: {  	[sflag:s0] =	ssyncadd.remote.s32 $0x1  }
0xc3: {  	_ =	sfence.sel $0xFFFF  }
0xc4: {  	[dreg:$0x0] =	wrdreg $0xFFFFFFFF;
	(pc) =	sbr.abs _section_cstart, $3  }
0xc5: {  	[dreg:$0x1] =	wrdreg $0xFFFFFFFF  }
0xc6: {  	_ =	task.clear_ibuf [dreg:s10], $0x2FFFF;
	_ =	strace $0x9FFFFFFF  }
0xc7: {  	(tm) =	ssettm $0x7FFFFFFF  }
tec
execute0_lowered:
.L_overlay_start_1:
0x0: {  	(tag) =	ssettag $0x1  }
0x1: {  	s0 =	rddreg [dreg:$0x0]  }
0x2: {  	s1 =	rddreg [dreg:$0x2]  }
0x3: {  	s3 =	rddreg [dreg:$0x3]  }
0x4: {  	s2 =	srdreg.scid;
	s5 =	stileid.u32  }
0x5: {  	s4 =	simm.s32 $0x0;
	s30 =	simm.s32 $0xE480;
	s31 =	simm.s32 $0xF480  }
0x6: {  	s24 =	simm.s32 $0x0;
	s2 =	sand.u32 $0x1, s2;
	s5 =	sshll.u32 s5, $0xA  }
0x7: {  	[smem:$0x7FF] =	sst s4;
	s6 =	sshll.u32 s2, $0x9;
	s2 =	ssub.s32 $0x2, s2  }
0x8: {  	_ =	strace $0x80000047;
	s5 =	sor.u32 s6, s5;
	s7 =	sshrl.u32 s2, $0x1  }
0x9: {  	s6 =	sshll.u32 s5, $0x4;
	s8 =	sshrl.u32 s5, $0x3;
	s29 =	ssub.s32 s2, s7  }
0xa: {  	s2 =	simm.s32 $0x13;
	s6 =	sadd.s32 s1, s6;
	s7 =	sadd.s32 s0, s8  }
0xb: {  	v0 =	vimm.s32 $0x0;
	s23 =	smax.u32 s29, $0x1;
	s0 =	simm.s32 $0x12;
	s1 =	simm.s32 $0x11  }
0xc: {  	v1 =	vimm.s32 $0x1;
	v2 =	vimm.s32 $0x2;
	v3 =	vimm.s32 $0x3;
	s8 =	sadd.s32 $0x200, s6;
	s9 =	sadd.s32 $0x400, s6;
	s10 =	sadd.s32 $0x600, s6  }
0xd: {  	v4 =	vimm.s32 $0x4;
	v5 =	vimm.s32 $0x5;
	v6 =	vimm.s32 $0x6;
	s11 =	sadd.s32 $0x800, s6;
	s12 =	sadd.s32 $0xA00, s6;
	s13 =	sadd.s32 $0xC00, s6  }
0xe: {  	v7 =	vimm.s32 $0x7;
	v8 =	vimm.s32 $0x8;
	v9 =	vimm.s32 $0x9;
	s14 =	sadd.s32 $0xE00, s6;
	s15 =	sadd.s32 $0x1000, s6;
	s16 =	sadd.s32 $0x1200, s6  }
0xf: {  	v10 =	vimm.s32 $0xA;
	v11 =	vimm.s32 $0xB;
	v12 =	vimm.s32 $0xC;
	s17 =	sadd.s32 $0x1400, s6;
	s18 =	sadd.s32 $0x1600, s6;
	s19 =	sadd.s32 $0x1800, s6  }
0x10: {  	v13 =	vimm.s32 $0xD;
	v14 =	vimm.s32 $0xE;
	v15 =	vimm.s32 $0xF;
	s20 =	sadd.s32 $0x1A00, s6;
	s21 =	sadd.s32 $0x1C00, s6;
	s22 =	sadd.s32 $0x1E00, s6  }
.LBB2_1:
0x11: {  	[tilespmem:s4], [sflag:$0x12] =	stream.linear.gather [hbm4b:s7+s4], $0x200, $0x38;
	[tilespmem:$0x10480] =	vst v63  }
0x12: {  	s25 =	rddreg [dreg:$0x1];
	s26 =	simm.s32 $0x200  }
0x13: {  	[tilespmem:s26], [sflag:$0x13] =	stream.linear.gather [hbm4b:s25+s4], $0x1, $0x38;
	[tilespmem:$0x10480] =	vst v63  }
0x14: {  	s28 =	simm.s32 $0x480  }
0x15: {  	[tilespmem:s28], [sflag:$0x1] =	stream.linear.gather [hbm4b:s6+s4], $0x1000, $0x38;
	[tilespmem:$0x10480] =	vst v63  }
0x16: {  	s29 =	simm.s32 $0x1480  }
0x17: {  	[tilespmem:s29], [sflag:$0x2] =	stream.linear.gather [hbm4b:s8+s4], $0x1000, $0x38;
	[tilespmem:$0x10480] =	vst v63  }
0x18: {  	s26 =	simm.s32 $0x2480  }
0x19: {  	[tilespmem:s26], [sflag:$0x3] =	stream.linear.gather [hbm4b:s9+s4], $0x1000, $0x38;
	[tilespmem:$0x10480] =	vst v63  }
0x1a: {  	s28 =	simm.s32 $0x3480  }
0x1b: {  	[tilespmem:s28], [sflag:$0x4] =	stream.linear.gather [hbm4b:s10+s4], $0x1000, $0x38;
	[tilespmem:$0x10480] =	vst v63  }
0x1c: {  	s29 =	simm.s32 $0x4480  }
0x1d: {  	[tilespmem:s29], [sflag:$0x5] =	stream.linear.gather [hbm4b:s11+s4], $0x1000, $0x38;
	[tilespmem:$0x10480] =	vst v63  }
0x1e: {  	s26 =	simm.s32 $0x5480  }
0x1f: {  	[tilespmem:s26], [sflag:$0x6] =	stream.linear.gather [hbm4b:s12+s4], $0x1000, $0x38;
	[tilespmem:$0x10480] =	vst v63  }
0x20: {  	s28 =	simm.s32 $0x6480  }
0x21: {  	[tilespmem:s28], [sflag:$0x7] =	stream.linear.gather [hbm4b:s13+s4], $0x1000, $0x38;
	[tilespmem:$0x10480] =	vst v63  }
0x22: {  	s29 =	simm.s32 $0x7480  }
0x23: {  	[tilespmem:s29], [sflag:$0x8] =	stream.linear.gather [hbm4b:s14+s4], $0x1000, $0x38;
	[tilespmem:$0x10480] =	vst v63  }
0x24: {  	s26 =	simm.s32 $0x8480  }
0x25: {  	[tilespmem:s26], [sflag:$0x9] =	stream.linear.gather [hbm4b:s15+s4], $0x1000, $0x38;
	[tilespmem:$0x10480] =	vst v63  }
0x26: {  	s28 =	simm.s32 $0x9480  }
0x27: {  	[tilespmem:s28], [sflag:$0xA] =	stream.linear.gather [hbm4b:s16+s4], $0x1000, $0x38;
	[tilespmem:$0x10480] =	vst v63  }
0x28: {  	s29 =	simm.s32 $0xA480  }
0x29: {  	[tilespmem:s29], [sflag:$0xB] =	stream.linear.gather [hbm4b:s17+s4], $0x1000, $0x38;
	[tilespmem:$0x10480] =	vst v63  }
0x2a: {  	s26 =	simm.s32 $0xB480  }
0x2b: {  	[tilespmem:s26], [sflag:$0xC] =	stream.linear.gather [hbm4b:s18+s4], $0x1000, $0x38;
	[tilespmem:$0x10480] =	vst v63  }
0x2c: {  	s28 =	simm.s32 $0xC480  }
0x2d: {  	[tilespmem:s28], [sflag:$0xD] =	stream.linear.gather [hbm4b:s19+s4], $0x1000, $0x38;
	[tilespmem:$0x10480] =	vst v63  }
0x2e: {  	s29 =	simm.s32 $0xD480  }
0x2f: {  	[tilespmem:s29], [sflag:$0xE] =	stream.linear.gather [hbm4b:s20+s4], $0x1000, $0x38;
	[tilespmem:$0x10480] =	vst v63  }
0x30: {  	_ = 	snop  }
0x31: {  	[tilespmem:s30], [sflag:$0xF] =	stream.linear.gather [hbm4b:s21+s4], $0x1000, $0x38;
	[tilespmem:$0x10480] =	vst v63  }
0x32: {  	_ = 	snop  }
0x33: {  	[tilespmem:s31], [sflag:$0x10] =	stream.linear.gather [hbm4b:s22+s4], $0x1000, $0x38;
	[tilespmem:$0x10480] =	vst v63  }
0x34: {  	_ =	swait.ge [sflag:s0], $0x200  }
0x35: {  	[sflag:s0] =	ssyncset.done $0x0  }
0x36: {  	[sflag:s0] =	ssyncadd.s32 $0xFFFFFE00  }
0x37: {  	_ =	swait.ge [sflag:s2], $0x1  }
0x38: {  	[sflag:s2] =	ssyncset.done $0x0  }
0x39: {  	[sflag:s2] =	ssyncadd.s32 $0xFFFFFFFF  }
0x3a: {  	s25 =	simm.s32 $0x0;
	v16 =	vld [tilespmem:$0x200]  }
0x3b: {  	v17 =	vld [tilespmem:s25+$0x0]  }
0x3c: {  	s26 =	simm.s32 $0x40  }
.LBB2_2:
0x3d: {  	p0 =	sne.s32 s26, $0x7C0  }
.Ltmp0:
0x3e: {  	_ = 	snop;
	(pc) =	sbr.rel @p0 .LBB2_2-.Ltmp0, $4  }
0x3f: {  	_ = 	snop  }
0x40: {  	s28 =	sshra.s32 s26, $0x2;
	s26 =	sadd.s32 $0x40, s26;
	v18 =	vperm.xlane v16, v17  }
0x41: {  	v17 =	vld [tilespmem:s28+$0x0]  }
0x42: {  	[tilespmem:s25+$0x280] =	vst v18;
	s25 =	smov.u32 s28  }
0x43: {  	_ =	sdelay $0x2  }
0x44: {  	v16 =	vperm.xlane v16, v17;
	_ =	sdelay $0x1  }
0x45: {  	[tilespmem:s25+$0x280] =	vst v16;
	s25 =	simm.s32 $0x0  }
.LBB2_4:
0x46: {  	p0 =	sgt.s32 s25, $0xF  }
.Ltmp1:
0x47: {  	_ = 	snop;
	(pc) =	sbr.rel @p0 .LBB2_20-.Ltmp1, $1  }
0x48: {  	_ =	sdelay $0x3  }
0x49: {  	p0 =	sgt.s32 s25, $0x7  }
.Ltmp2:
0x4a: {  	_ = 	snop;
	(pc) =	sbr.rel @p0 .LBB2_13-.Ltmp2, $1  }
0x4b: {  	_ =	sdelay $0x3  }
0x4c: {  	p0 =	sgt.s32 s25, $0x3  }
.Ltmp3:
0x4d: {  	_ = 	snop;
	(pc) =	sbr.rel @p0 .LBB2_10-.Ltmp3, $1  }
0x4e: {  	_ =	sdelay $0x3  }
0x4f: {  	p0 =	seq.s32 s25, $0x0  }
.Ltmp4:
0x50: {  	_ = 	snop;
	(pc) =	sbr.rel @p0 .LBB2_42-.Ltmp4, $2  }
0x51: {  	_ =	sdelay $0x2  }
0x52: {  	s26 =	simm.s32 $0x1  }
0x53: {  	p0 =	seq.s32 s25, $0x2  }
.Ltmp5:
0x54: {  	_ = 	snop;
	(pc) =	sbr.rel @!p0 .LBB2_43-.Ltmp5, $1  }
0x55: {  	_ =	sdelay $0x3  }
.Ltmp6:
0x56: {  	(pc) =	sbr.rel .LBB2_42-.Ltmp6, $2  }
0x57: {  	_ =	sdelay $0x2  }
0x58: {  	s26 =	simm.s32 $0x2  }
.LBB2_20:
0x59: {  	p0 =	sgt.s32 s25, $0x17  }
.Ltmp7:
0x5a: {  	_ = 	snop;
	(pc) =	sbr.rel @p0 .LBB2_28-.Ltmp7, $1  }
0x5b: {  	_ =	sdelay $0x3  }
0x5c: {  	p0 =	sgt.s32 s25, $0x13  }
.Ltmp8:
0x5d: {  	_ = 	snop;
	(pc) =	sbr.rel @p0 .LBB2_25-.Ltmp8, $1  }
0x5e: {  	_ =	sdelay $0x3  }
0x5f: {  	p0 =	seq.s32 s25, $0x10  }
.Ltmp9:
0x60: {  	_ = 	snop;
	(pc) =	sbr.rel @p0 .LBB2_38-.Ltmp9, $1  }
0x61: {  	_ =	sdelay $0x3  }
0x62: {  	p0 =	seq.s32 s25, $0x12  }
.Ltmp10:
0x63: {  	_ = 	snop;
	(pc) =	sbr.rel @!p0 .LBB2_43-.Ltmp10, $1  }
0x64: {  	_ =	sdelay $0x3  }
.Ltmp11:
0x65: {  	(pc) =	sbr.rel .LBB2_42-.Ltmp11, $2  }
0x66: {  	_ =	sdelay $0x2  }
0x67: {  	s26 =	simm.s32 $0xA  }
.LBB2_13:
0x68: {  	p0 =	sgt.s32 s25, $0xB  }
.Ltmp12:
0x69: {  	_ = 	snop;
	(pc) =	sbr.rel @p0 .LBB2_17-.Ltmp12, $1  }
0x6a: {  	_ =	sdelay $0x3  }
0x6b: {  	p0 =	seq.s32 s25, $0x8  }
.Ltmp13:
0x6c: {  	_ = 	snop;
	(pc) =	sbr.rel @p0 .LBB2_36-.Ltmp13, $1  }
0x6d: {  	_ =	sdelay $0x3  }
0x6e: {  	p0 =	seq.s32 s25, $0xA  }
.Ltmp14:
0x6f: {  	_ = 	snop;
	(pc) =	sbr.rel @!p0 .LBB2_43-.Ltmp14, $1  }
0x70: {  	_ =	sdelay $0x3  }
.Ltmp15:
0x71: {  	(pc) =	sbr.rel .LBB2_42-.Ltmp15, $2  }
0x72: {  	_ =	sdelay $0x2  }
0x73: {  	s26 =	simm.s32 $0x6  }
.LBB2_28:
0x74: {  	p0 =	sgt.s32 s25, $0x1B  }
.Ltmp16:
0x75: {  	_ = 	snop;
	(pc) =	sbr.rel @p0 .LBB2_32-.Ltmp16, $1  }
0x76: {  	_ =	sdelay $0x3  }
0x77: {  	p0 =	seq.s32 s25, $0x18  }
.Ltmp17:
0x78: {  	_ = 	snop;
	(pc) =	sbr.rel @p0 .LBB2_40-.Ltmp17, $1  }
0x79: {  	_ =	sdelay $0x3  }
0x7a: {  	p0 =	seq.s32 s25, $0x1A  }
.Ltmp18:
0x7b: {  	_ = 	snop;
	(pc) =	sbr.rel @!p0 .LBB2_43-.Ltmp18, $1  }
0x7c: {  	_ =	sdelay $0x3  }
.Ltmp19:
0x7d: {  	(pc) =	sbr.rel .LBB2_42-.Ltmp19, $2  }
0x7e: {  	_ =	sdelay $0x2  }
0x7f: {  	s26 =	simm.s32 $0xE  }
.LBB2_10:
0x80: {  	p0 =	seq.s32 s25, $0x4  }
.Ltmp20:
0x81: {  	_ = 	snop;
	(pc) =	sbr.rel @p0 .LBB2_35-.Ltmp20, $1  }
0x82: {  	_ =	sdelay $0x3  }
0x83: {  	p0 =	seq.s32 s25, $0x6  }
.Ltmp21:
0x84: {  	_ = 	snop;
	(pc) =	sbr.rel @!p0 .LBB2_43-.Ltmp21, $1  }
0x85: {  	_ =	sdelay $0x3  }
.Ltmp22:
0x86: {  	(pc) =	sbr.rel .LBB2_42-.Ltmp22, $2  }
0x87: {  	_ =	sdelay $0x2  }
0x88: {  	s26 =	simm.s32 $0x4  }
.LBB2_25:
0x89: {  	p0 =	seq.s32 s25, $0x14  }
.Ltmp23:
0x8a: {  	_ = 	snop;
	(pc) =	sbr.rel @p0 .LBB2_39-.Ltmp23, $1  }
0x8b: {  	_ =	sdelay $0x3  }
0x8c: {  	p0 =	seq.s32 s25, $0x16  }
.Ltmp24:
0x8d: {  	_ = 	snop;
	(pc) =	sbr.rel @!p0 .LBB2_43-.Ltmp24, $1  }
0x8e: {  	_ =	sdelay $0x3  }
.Ltmp25:
0x8f: {  	(pc) =	sbr.rel .LBB2_42-.Ltmp25, $2  }
0x90: {  	_ =	sdelay $0x2  }
0x91: {  	s26 =	simm.s32 $0xC  }
.LBB2_17:
0x92: {  	p0 =	seq.s32 s25, $0xC  }
.Ltmp26:
0x93: {  	_ = 	snop;
	(pc) =	sbr.rel @p0 .LBB2_37-.Ltmp26, $1  }
0x94: {  	_ =	sdelay $0x3  }
0x95: {  	p0 =	seq.s32 s25, $0xE  }
.Ltmp27:
0x96: {  	_ = 	snop;
	(pc) =	sbr.rel @!p0 .LBB2_43-.Ltmp27, $1  }
0x97: {  	_ =	sdelay $0x3  }
.Ltmp28:
0x98: {  	(pc) =	sbr.rel .LBB2_42-.Ltmp28, $2  }
0x99: {  	_ =	sdelay $0x2  }
0x9a: {  	s26 =	simm.s32 $0x8  }
.LBB2_32:
0x9b: {  	p0 =	seq.s32 s25, $0x1C  }
.Ltmp29:
0x9c: {  	_ = 	snop;
	(pc) =	sbr.rel @p0 .LBB2_41-.Ltmp29, $1  }
0x9d: {  	_ =	sdelay $0x3  }
0x9e: {  	p0 =	seq.s32 s25, $0x1E  }
.Ltmp30:
0x9f: {  	_ = 	snop;
	(pc) =	sbr.rel @!p0 .LBB2_43-.Ltmp30, $1  }
0xa0: {  	_ =	sdelay $0x3  }
.Ltmp31:
0xa1: {  	(pc) =	sbr.rel .LBB2_42-.Ltmp31, $2  }
0xa2: {  	_ =	sdelay $0x2  }
0xa3: {  	s26 =	simm.s32 $0x10  }
.LBB2_38:
.Ltmp32:
0xa4: {  	(pc) =	sbr.rel .LBB2_42-.Ltmp32, $2  }
0xa5: {  	_ =	sdelay $0x2  }
0xa6: {  	s26 =	simm.s32 $0x9  }
.LBB2_36:
.Ltmp33:
0xa7: {  	(pc) =	sbr.rel .LBB2_42-.Ltmp33, $2  }
0xa8: {  	_ =	sdelay $0x2  }
0xa9: {  	s26 =	simm.s32 $0x5  }
.LBB2_40:
.Ltmp34:
0xaa: {  	(pc) =	sbr.rel .LBB2_42-.Ltmp34, $2  }
0xab: {  	_ =	sdelay $0x2  }
0xac: {  	s26 =	simm.s32 $0xD  }
.LBB2_35:
.Ltmp35:
0xad: {  	(pc) =	sbr.rel .LBB2_42-.Ltmp35, $2  }
0xae: {  	_ =	sdelay $0x2  }
0xaf: {  	s26 =	simm.s32 $0x3  }
.LBB2_39:
.Ltmp36:
0xb0: {  	(pc) =	sbr.rel .LBB2_42-.Ltmp36, $2  }
0xb1: {  	_ =	sdelay $0x2  }
0xb2: {  	s26 =	simm.s32 $0xB  }
.LBB2_37:
.Ltmp37:
0xb3: {  	(pc) =	sbr.rel .LBB2_42-.Ltmp37, $2  }
0xb4: {  	_ =	sdelay $0x2  }
0xb5: {  	s26 =	simm.s32 $0x7  }
.LBB2_41:
0xb6: {  	s26 =	simm.s32 $0xF  }
.LBB2_42:
0xb7: {  	_ =	swait.ge [sflag:s26], $0x1000  }
0xb8: {  	[sflag:s26] =	ssyncset.done $0x0  }
0xb9: {  	[sflag:s26] =	ssyncadd.s32 $0xFFFFF000  }
.LBB2_43:
0xba: {  	s28 =	sshll.u32 s25, $0x4  }
0xbb: {  	s26 =	sshll.u32 s25, $0xB;
	v16 =	vld [tilespmem:s28+$0x280]  }
0xbc: {  	s26 =	sand.u32 $0x3FFFF800, s26  }
0xbd: {  	v17 =	vld [tilespmem:s26+$0x480]  }
0xbe: {  	v18 =	vld [tilespmem:s26+$0x490]  }
0xbf: {  	v19 =	vld [tilespmem:s26+$0x4A0]  }
0xc0: {  	v21 =	vld [tilespmem:s26+$0x4B0];
	v20 =	vperm.xlane v16, v0  }
0xc1: {  	v22 =	vld [tilespmem:s26+$0x4C0]  }
0xc2: {  	v23 =	vld [tilespmem:s26+$0x4D0];
	v17 =	vmul.f32 v17, v20  }
0xc3: {  	v24 =	vld [tilespmem:s26+$0x4E0];
	v18 =	vmul.f32 v18, v20  }
0xc4: {  	v48 =	vld [tilespmem:s26+$0x4F0];
	[tilespmem:s26+$0x480] =	vst v17;
	v17 =	vmul.f32 v19, v20  }
0xc5: {  	v50 =	vld [tilespmem:s26+$0x500];
	v49 =	vmul.f32 v21, v20;
	[tilespmem:s26+$0x490] =	vst v18  }
0xc6: {  	v51 =	vld [tilespmem:s26+$0x510];
	[tilespmem:s26+$0x4A0] =	vst v17;
	v17 =	vmul.f32 v22, v20  }
0xc7: {  	v53 =	vld [tilespmem:s26+$0x520];
	v52 =	vmul.f32 v23, v20;
	[tilespmem:s26+$0x4B0] =	vst v49  }
0xc8: {  	v25 =	vld [tilespmem:s26+$0x530];
	v54 =	vperm.xlane v16, v1;
	[tilespmem:s26+$0x4C0] =	vst v17;
	v17 =	vmul.f32 v24, v20  }
0xc9: {  	v56 =	vld [tilespmem:s26+$0x540];
	v55 =	vmul.f32 v48, v20;
	[tilespmem:s26+$0x4D0] =	vst v52  }
0xca: {  	v57 =	vld [tilespmem:s26+$0x550];
	[tilespmem:s26+$0x4E0] =	vst v17;
	v17 =	vmul.f32 v50, v54  }
0xcb: {  	v59 =	vld [tilespmem:s26+$0x560];
	v58 =	vmul.f32 v51, v54;
	[tilespmem:s26+$0x4F0] =	vst v55  }
0xcc: {  	v60 =	vld [tilespmem:s26+$0x570];
	[tilespmem:s26+$0x500] =	vst v17;
	v17 =	vmul.f32 v53, v54  }
0xcd: {  	v62 =	vld [tilespmem:s26+$0x580];
	v61 =	vmul.f32 v25, v54;
	[tilespmem:s26+$0x510] =	vst v58  }
0xce: {  	v63 =	vld [tilespmem:s26+$0x590];
	[tilespmem:s26+$0x520] =	vst v17;
	v17 =	vmul.f32 v56, v54  }
0xcf: {  	v29 =	vld [tilespmem:s26+$0x5A0];
	v28 =	vmul.f32 v57, v54;
	[tilespmem:s26+$0x530] =	vst v61  }
0xd0: {  	v31 =	vld [tilespmem:s26+$0x5B0];
	v30 =	vperm.xlane v16, v2;
	[tilespmem:s26+$0x540] =	vst v17;
	v17 =	vmul.f32 v59, v54  }
0xd1: {  	v33 =	vld [tilespmem:s26+$0x5C0];
	v32 =	vmul.f32 v60, v54;
	[tilespmem:s26+$0x550] =	vst v28  }
0xd2: {  	v34 =	vld [tilespmem:s26+$0x5D0];
	[tilespmem:s26+$0x560] =	vst v17;
	v17 =	vmul.f32 v62, v30  }
0xd3: {  	v36 =	vld [tilespmem:s26+$0x5E0];
	v35 =	vmul.f32 v63, v30;
	[tilespmem:s26+$0x570] =	vst v32  }
0xd4: {  	v37 =	vld [tilespmem:s26+$0x5F0];
	[tilespmem:s26+$0x580] =	vst v17;
	v17 =	vmul.f32 v29, v30  }
0xd5: {  	v39 =	vld [tilespmem:s26+$0x600];
	v38 =	vmul.f32 v31, v30;
	[tilespmem:s26+$0x590] =	vst v35  }
0xd6: {  	v40 =	vld [tilespmem:s26+$0x610];
	[tilespmem:s26+$0x5A0] =	vst v17;
	v17 =	vmul.f32 v33, v30  }
0xd7: {  	v42 =	vld [tilespmem:s26+$0x620];
	v41 =	vmul.f32 v34, v30;
	[tilespmem:s26+$0x5B0] =	vst v38  }
0xd8: {  	v44 =	vld [tilespmem:s26+$0x630];
	v43 =	vperm.xlane v16, v3;
	[tilespmem:s26+$0x5C0] =	vst v17;
	v17 =	vmul.f32 v36, v30  }
0xd9: {  	v46 =	vld [tilespmem:s26+$0x640];
	v45 =	vmul.f32 v37, v30;
	[tilespmem:s26+$0x5D0] =	vst v41  }
0xda: {  	v50 =	vld [tilespmem:s26+$0x670];
	[tilespmem:s26+$0x5E0] =	vst v17;
	v17 =	vmul.f32 v39, v43  }
0xdb: {  	v48 =	vmul.f32 v40, v43;
	[tilespmem:s26+$0x5F0] =	vst v45;
	v49 =	vld [tilespmem:s26+$0x660]  }
0xdc: {  	v47 =	vld [tilespmem:s26+$0x650];
	[tilespmem:s26+$0x600] =	vst v17;
	v17 =	vmul.f32 v42, v43  }
0xdd: {  	v51 =	vmul.f32 v44, v43;
	[tilespmem:s26+$0x610] =	vst v48;
	v52 =	vld [tilespmem:s26+$0x680]  }
0xde: {  	v57 =	vld [tilespmem:s26+$0x6B0];
	[tilespmem:s26+$0x620] =	vst v17;
	v17 =	vmul.f32 v46, v43  }
0xdf: {  	[tilespmem:s26+$0x630] =	vst v51;
	v55 =	vld [tilespmem:s26+$0x6A0];
	v58 =	vmul.f32 v50, v43  }
0xe0: {  	v60 =	vld [tilespmem:s26+$0x6D0];
	v56 =	vperm.xlane v16, v4;
	[tilespmem:s26+$0x640] =	vst v17;
	v17 =	vmul.f32 v49, v43  }
0xe1: {  	v54 =	vmul.f32 v47, v43;
	v59 =	vld [tilespmem:s26+$0x6C0];
	[tilespmem:s26+$0x670] =	vst v58  }
0xe2: {  	v63 =	vld [tilespmem:s26+$0x6F0];
	[tilespmem:s26+$0x660] =	vst v17;
	v17 =	vmul.f32 v52, v56  }
0xe3: {  	v28 =	vmul.f32 v57, v56;
	[tilespmem:s26+$0x650] =	vst v54;
	v62 =	vld [tilespmem:s26+$0x6E0]  }
0xe4: {  	v53 =	vld [tilespmem:s26+$0x690];
	[tilespmem:s26+$0x680] =	vst v17;
	v17 =	vmul.f32 v55, v56  }
0xe5: {  	v31 =	vmul.f32 v60, v56;
	[tilespmem:s26+$0x6B0] =	vst v28;
	v29 =	vld [tilespmem:s26+$0x700]  }
0xe6: {  	v34 =	vld [tilespmem:s26+$0x730];
	[tilespmem:s26+$0x6A0] =	vst v17;
	v17 =	vmul.f32 v59, v56  }
0xe7: {  	v32 =	vld [tilespmem:s26+$0x720];
	v35 =	vmul.f32 v63, v56;
	[tilespmem:s26+$0x6D0] =	vst v31  }
0xe8: {  	v37 =	vld [tilespmem:s26+$0x750];
	v33 =	vperm.xlane v16, v5;
	[tilespmem:s26+$0x6C0] =	vst v17;
	v17 =	vmul.f32 v62, v56  }
0xe9: {  	v61 =	vmul.f32 v53, v56;
	[tilespmem:s26+$0x6F0] =	vst v35;
	v36 =	vld [tilespmem:s26+$0x740]  }
0xea: {  	v40 =	vld [tilespmem:s26+$0x770];
	[tilespmem:s26+$0x6E0] =	vst v17;
	v17 =	vmul.f32 v29, v33  }
0xeb: {  	[tilespmem:s26+$0x690] =	vst v61;
	v41 =	vmul.f32 v34, v33;
	v39 =	vld [tilespmem:s26+$0x760]  }
0xec: {  	v30 =	vld [tilespmem:s26+$0x710];
	[tilespmem:s26+$0x700] =	vst v17;
	v17 =	vmul.f32 v32, v33  }
0xed: {  	v44 =	vmul.f32 v37, v33;
	[tilespmem:s26+$0x730] =	vst v41;
	v42 =	vld [tilespmem:s26+$0x780]  }
0xee: {  	v47 =	vld [tilespmem:s26+$0x7B0];
	[tilespmem:s26+$0x720] =	vst v17;
	v17 =	vmul.f32 v36, v33  }
0xef: {  	v45 =	vld [tilespmem:s26+$0x7A0];
	v48 =	vmul.f32 v40, v33;
	[tilespmem:s26+$0x750] =	vst v44  }
0xf0: {  	v50 =	vld [tilespmem:s26+$0x7D0];
	v46 =	vperm.xlane v16, v6;
	[tilespmem:s26+$0x740] =	vst v17;
	v17 =	vmul.f32 v39, v33  }
0xf1: {  	[tilespmem:s26+$0x770] =	vst v48;
	v38 =	vmul.f32 v30, v33;
	v49 =	vld [tilespmem:s26+$0x7C0]  }
0xf2: {  	v53 =	vld [tilespmem:s26+$0x7F0];
	[tilespmem:s26+$0x760] =	vst v17;
	v17 =	vmul.f32 v42, v46  }
0xf3: {  	[tilespmem:s26+$0x710] =	vst v38;
	v54 =	vmul.f32 v47, v46;
	v52 =	vld [tilespmem:s26+$0x7E0]  }
0xf4: {  	v43 =	vld [tilespmem:s26+$0x790];
	[tilespmem:s26+$0x780] =	vst v17;
	v17 =	vmul.f32 v45, v46  }
0xf5: {  	v57 =	vmul.f32 v50, v46;
	[tilespmem:s26+$0x7B0] =	vst v54;
	v55 =	vld [tilespmem:s26+$0x800]  }
0xf6: {  	v60 =	vld [tilespmem:s26+$0x830];
	[tilespmem:s26+$0x7A0] =	vst v17;
	v17 =	vmul.f32 v49, v46  }
0xf7: {  	v58 =	vld [tilespmem:s26+$0x820];
	v61 =	vmul.f32 v53, v46;
	[tilespmem:s26+$0x7D0] =	vst v57  }
0xf8: {  	v63 =	vld [tilespmem:s26+$0x850];
	v59 =	vperm.xlane v16, v7;
	[tilespmem:s26+$0x7C0] =	vst v17;
	v17 =	vmul.f32 v52, v46  }
0xf9: {  	[tilespmem:s26+$0x7F0] =	vst v61;
	v51 =	vmul.f32 v43, v46;
	v62 =	vld [tilespmem:s26+$0x840]  }
0xfa: {  	v30 =	vld [tilespmem:s26+$0x870];
	[tilespmem:s26+$0x7E0] =	vst v17;
	v17 =	vmul.f32 v55, v59  }
0xfb: {  	[tilespmem:s26+$0x790] =	vst v51;
	v31 =	vmul.f32 v60, v59;
	v29 =	vld [tilespmem:s26+$0x860]  }
0xfc: {  	v56 =	vld [tilespmem:s26+$0x810];
	[tilespmem:s26+$0x800] =	vst v17;
	v17 =	vmul.f32 v58, v59  }
0xfd: {  	v34 =	vmul.f32 v63, v59;
	[tilespmem:s26+$0x830] =	vst v31;
	v32 =	vld [tilespmem:s26+$0x880]  }
0xfe: {  	v37 =	vld [tilespmem:s26+$0x8B0];
	[tilespmem:s26+$0x820] =	vst v17;
	v17 =	vmul.f32 v62, v59  }
0xff: {  	v35 =	vld [tilespmem:s26+$0x8A0];
	v38 =	vmul.f32 v30, v59;
	[tilespmem:s26+$0x850] =	vst v34  }
0x100: {  	v40 =	vld [tilespmem:s26+$0x8D0];
	v36 =	vperm.xlane v16, v8;
	[tilespmem:s26+$0x840] =	vst v17;
	v17 =	vmul.f32 v29, v59  }
0x101: {  	[tilespmem:s26+$0x870] =	vst v38;
	v28 =	vmul.f32 v56, v59;
	v39 =	vld [tilespmem:s26+$0x8C0]  }
0x102: {  	v43 =	vld [tilespmem:s26+$0x8F0];
	[tilespmem:s26+$0x860] =	vst v17;
	v17 =	vmul.f32 v32, v36  }
0x103: {  	[tilespmem:s26+$0x810] =	vst v28;
	v44 =	vmul.f32 v37, v36;
	v42 =	vld [tilespmem:s26+$0x8E0]  }
0x104: {  	v33 =	vld [tilespmem:s26+$0x890];
	[tilespmem:s26+$0x880] =	vst v17;
	v17 =	vmul.f32 v35, v36  }
0x105: {  	v47 =	vmul.f32 v40, v36;
	[tilespmem:s26+$0x8B0] =	vst v44;
	v45 =	vld [tilespmem:s26+$0x900]  }
0x106: {  	v50 =	vld [tilespmem:s26+$0x930];
	[tilespmem:s26+$0x8A0] =	vst v17;
	v17 =	vmul.f32 v39, v36  }
0x107: {  	v48 =	vld [tilespmem:s26+$0x920];
	v51 =	vmul.f32 v43, v36;
	[tilespmem:s26+$0x8D0] =	vst v47  }
0x108: {  	v53 =	vld [tilespmem:s26+$0x950];
	v49 =	vperm.xlane v16, v9;
	[tilespmem:s26+$0x8C0] =	vst v17;
	v17 =	vmul.f32 v42, v36  }
0x109: {  	[tilespmem:s26+$0x8F0] =	vst v51;
	v41 =	vmul.f32 v33, v36;
	v52 =	vld [tilespmem:s26+$0x940]  }
0x10a: {  	v56 =	vld [tilespmem:s26+$0x970];
	[tilespmem:s26+$0x8E0] =	vst v17;
	v17 =	vmul.f32 v45, v49  }
0x10b: {  	[tilespmem:s26+$0x890] =	vst v41;
	v57 =	vmul.f32 v50, v49;
	v55 =	vld [tilespmem:s26+$0x960]  }
0x10c: {  	v46 =	vld [tilespmem:s26+$0x910];
	[tilespmem:s26+$0x900] =	vst v17;
	v17 =	vmul.f32 v48, v49  }
0x10d: {  	v60 =	vmul.f32 v53, v49;
	[tilespmem:s26+$0x930] =	vst v57;
	v58 =	vld [tilespmem:s26+$0x980]  }
0x10e: {  	v63 =	vld [tilespmem:s26+$0x9B0];
	[tilespmem:s26+$0x920] =	vst v17;
	v17 =	vmul.f32 v52, v49  }
0x10f: {  	v61 =	vld [tilespmem:s26+$0x9A0];
	v28 =	vmul.f32 v56, v49;
	[tilespmem:s26+$0x950] =	vst v60  }
0x110: {  	v30 =	vld [tilespmem:s26+$0x9D0];
	v62 =	vperm.xlane v16, v10;
	[tilespmem:s26+$0x940] =	vst v17;
	v17 =	vmul.f32 v55, v49  }
0x111: {  	[tilespmem:s26+$0x970] =	vst v28;
	v54 =	vmul.f32 v46, v49;
	v29 =	vld [tilespmem:s26+$0x9C0]  }
0x112: {  	v33 =	vld [tilespmem:s26+$0x9F0];
	[tilespmem:s26+$0x960] =	vst v17;
	v17 =	vmul.f32 v58, v62  }
0x113: {  	[tilespmem:s26+$0x910] =	vst v54;
	v34 =	vmul.f32 v63, v62;
	v32 =	vld [tilespmem:s26+$0x9E0]  }
0x114: {  	v59 =	vld [tilespmem:s26+$0x990];
	[tilespmem:s26+$0x980] =	vst v17;
	v17 =	vmul.f32 v61, v62  }
0x115: {  	v37 =	vmul.f32 v30, v62;
	[tilespmem:s26+$0x9B0] =	vst v34;
	v35 =	vld [tilespmem:s26+$0xA00]  }
0x116: {  	v40 =	vld [tilespmem:s26+$0xA30];
	[tilespmem:s26+$0x9A0] =	vst v17;
	v17 =	vmul.f32 v29, v62  }
0x117: {  	v38 =	vld [tilespmem:s26+$0xA20];
	v41 =	vmul.f32 v33, v62;
	[tilespmem:s26+$0x9D0] =	vst v37  }
0x118: {  	v43 =	vld [tilespmem:s26+$0xA50];
	v39 =	vperm.xlane v16, v11;
	[tilespmem:s26+$0x9C0] =	vst v17;
	v17 =	vmul.f32 v32, v62  }
0x119: {  	[tilespmem:s26+$0x9F0] =	vst v41;
	v31 =	vmul.f32 v59, v62;
	v42 =	vld [tilespmem:s26+$0xA40]  }
0x11a: {  	v46 =	vld [tilespmem:s26+$0xA70];
	[tilespmem:s26+$0x9E0] =	vst v17;
	v17 =	vmul.f32 v35, v39  }
0x11b: {  	[tilespmem:s26+$0x990] =	vst v31;
	v47 =	vmul.f32 v40, v39;
	v45 =	vld [tilespmem:s26+$0xA60]  }
0x11c: {  	v36 =	vld [tilespmem:s26+$0xA10];
	[tilespmem:s26+$0xA00] =	vst v17;
	v17 =	vmul.f32 v38, v39  }
0x11d: {  	v50 =	vmul.f32 v43, v39;
	[tilespmem:s26+$0xA30] =	vst v47;
	v48 =	vld [tilespmem:s26+$0xA80]  }
0x11e: {  	v53 =	vld [tilespmem:s26+$0xAB0];
	[tilespmem:s26+$0xA20] =	vst v17;
	v17 =	vmul.f32 v42, v39  }
0x11f: {  	v51 =	vld [tilespmem:s26+$0xAA0];
	v54 =	vmul.f32 v46, v39;
	[tilespmem:s26+$0xA50] =	vst v50  }
0x120: {  	v56 =	vld [tilespmem:s26+$0xAD0];
	v52 =	vperm.xlane v16, v12;
	[tilespmem:s26+$0xA40] =	vst v17;
	v17 =	vmul.f32 v45, v39  }
0x121: {  	[tilespmem:s26+$0xA70] =	vst v54;
	v44 =	vmul.f32 v36, v39;
	v55 =	vld [tilespmem:s26+$0xAC0]  }
0x122: {  	v59 =	vld [tilespmem:s26+$0xAF0];
	[tilespmem:s26+$0xA60] =	vst v17;
	v17 =	vmul.f32 v48, v52  }
0x123: {  	[tilespmem:s26+$0xA10] =	vst v44;
	v60 =	vmul.f32 v53, v52;
	v58 =	vld [tilespmem:s26+$0xAE0]  }
0x124: {  	v49 =	vld [tilespmem:s26+$0xA90];
	[tilespmem:s26+$0xA80] =	vst v17;
	v17 =	vmul.f32 v51, v52  }
0x125: {  	v63 =	vmul.f32 v56, v52;
	[tilespmem:s26+$0xAB0] =	vst v60;
	v61 =	vld [tilespmem:s26+$0xB00]  }
0x126: {  	v30 =	vld [tilespmem:s26+$0xB30];
	[tilespmem:s26+$0xAA0] =	vst v17;
	v17 =	vmul.f32 v55, v52  }
0x127: {  	v28 =	vld [tilespmem:s26+$0xB20];
	v31 =	vmul.f32 v59, v52;
	[tilespmem:s26+$0xAD0] =	vst v63  }
0x128: {  	v33 =	vld [tilespmem:s26+$0xB50];
	v29 =	vperm.xlane v16, v13;
	[tilespmem:s26+$0xAC0] =	vst v17;
	v17 =	vmul.f32 v58, v52  }
0x129: {  	[tilespmem:s26+$0xAF0] =	vst v31;
	v57 =	vmul.f32 v49, v52;
	v32 =	vld [tilespmem:s26+$0xB40]  }
0x12a: {  	v36 =	vld [tilespmem:s26+$0xB70];
	[tilespmem:s26+$0xAE0] =	vst v17;
	v17 =	vmul.f32 v61, v29  }
0x12b: {  	[tilespmem:s26+$0xA90] =	vst v57;
	v37 =	vmul.f32 v30, v29;
	v35 =	vld [tilespmem:s26+$0xB60]  }
0x12c: {  	v62 =	vld [tilespmem:s26+$0xB10];
	[tilespmem:s26+$0xB00] =	vst v17;
	v17 =	vmul.f32 v28, v29  }
0x12d: {  	v40 =	vmul.f32 v33, v29;
	[tilespmem:s26+$0xB30] =	vst v37;
	v38 =	vld [tilespmem:s26+$0xB80]  }
0x12e: {  	v43 =	vld [tilespmem:s26+$0xBB0];
	[tilespmem:s26+$0xB20] =	vst v17;
	v17 =	vmul.f32 v32, v29  }
0x12f: {  	v41 =	vld [tilespmem:s26+$0xBA0];
	v44 =	vmul.f32 v36, v29;
	[tilespmem:s26+$0xB50] =	vst v40  }
0x130: {  	v46 =	vld [tilespmem:s26+$0xBD0];
	v42 =	vperm.xlane v16, v14;
	[tilespmem:s26+$0xB40] =	vst v17;
	v17 =	vmul.f32 v35, v29  }
0x131: {  	[tilespmem:s26+$0xB70] =	vst v44;
	v34 =	vmul.f32 v62, v29;
	v45 =	vld [tilespmem:s26+$0xBC0]  }
0x132: {  	v49 =	vld [tilespmem:s26+$0xBF0];
	[tilespmem:s26+$0xB60] =	vst v17;
	v17 =	vmul.f32 v38, v42  }
0x133: {  	[tilespmem:s26+$0xB10] =	vst v34;
	v50 =	vmul.f32 v43, v42;
	v48 =	vld [tilespmem:s26+$0xBE0]  }
0x134: {  	v39 =	vld [tilespmem:s26+$0xB90];
	[tilespmem:s26+$0xB80] =	vst v17;
	v17 =	vmul.f32 v41, v42  }
0x135: {  	v53 =	vmul.f32 v46, v42;
	[tilespmem:s26+$0xBB0] =	vst v50;
	v51 =	vld [tilespmem:s26+$0xC00]  }
0x136: {  	v55 =	vld [tilespmem:s26+$0xC30];
	[tilespmem:s26+$0xBA0] =	vst v17;
	v17 =	vmul.f32 v45, v42  }
0x137: {  	v54 =	vld [tilespmem:s26+$0xC20];
	v56 =	vmul.f32 v49, v42;
	[tilespmem:s26+$0xBD0] =	vst v53  }
0x138: {  	v16 =	vperm.xlane v16, v15;
	v52 =	vld [tilespmem:s26+$0xC10];
	[tilespmem:s26+$0xBC0] =	vst v17;
	v17 =	vmul.f32 v48, v42  }
0x139: {  	v57 =	vld [tilespmem:s26+$0xC40];
	[tilespmem:s26+$0xBF0] =	vst v56;
	v47 =	vmul.f32 v39, v42  }
0x13a: {  	v58 =	vld [tilespmem:s26+$0xC50];
	[tilespmem:s26+$0xBE0] =	vst v17;
	v17 =	vmul.f32 v51, v16  }
0x13b: {  	v60 =	vld [tilespmem:s26+$0xC60];
	[tilespmem:s26+$0xB90] =	vst v47;
	v62 =	vmul.f32 v55, v16  }
0x13c: {  	v61 =	vld [tilespmem:s26+$0xC70];
	[tilespmem:s26+$0xC00] =	vst v17;
	v17 =	vmul.f32 v54, v16  }
0x13d: {  	v59 =	vmul.f32 v52, v16;
	[tilespmem:s26+$0xC30] =	vst v62  }
0x13e: {  	s25 =	sadd.s32 $0x1, s25;
	[tilespmem:s26+$0xC20] =	vst v17;
	v17 =	vmul.f32 v57, v16  }
0x13f: {  	p0 =	sne.s32 s25, $0x20;
	v63 =	vmul.f32 v58, v16;
	[tilespmem:s26+$0xC10] =	vst v59  }
.Ltmp38:
0x140: {  	[tilespmem:s26+$0xC40] =	vst v17;
	v17 =	vmul.f32 v60, v16;
	(pc) =	sbr.rel @p0 .LBB2_4-.Ltmp38, $4  }
0x141: {  	s28 =	sadd.s32 s5, s28;
	[tilespmem:s26+$0xC50] =	vst v63;
	v16 =	vmul.f32 v61, v16  }
0x142: {  	s28 =	sshll.u32 s28, $0x4;
	[tilespmem:s26+$0xC60] =	vst v17  }
0x143: {  	s29 =	sor.u32 $0x480, s26;
	s28 =	sadd.s32 s3, s28;
	[tilespmem:s26+$0xC70] =	vst v16  }
0x144: {  	[hbm4b:s28+s4] =	stream.linear.scatter [tilespmem:s29], [sflag:$0x11], $0x800, $0x38;
	[tilespmem:$0x10480] =	vst v63  }
0x145: {  	s24 =	sadd.s32 $0x1, s24  }
0x146: {  	p0 =	sne.s32 s24, s23  }
.Ltmp39:
0x147: {  	_ = 	snop;
	(pc) =	sbr.rel @p0 .LBB2_1-.Ltmp39, $4  }
0x148: {  	_ = 	snop  }
0x149: {  	_ =	swait.ge [sflag:s1], $0x10000  }
0x14a: {  	[sflag:s1] =	ssyncset.done $0x0  }
0x14b: {  	[sflag:s1] =	ssyncadd.s32 $0xFFFF0000  }
0x14c: {  	_ =	sfence.sel $0x180000  }
0x14d: {  	[bflag:$0x0] =	sbarrier.arrive $0xFFFF  }
0x14e: {  	_ =	strace $0x90000047  }
0x14f: {  	s0 =	stileid.u32;
	[bflag:$0x2] =	sbarrier.arrive $0xFFFF  }
0x150: {  	p0 =	sne.s32 s0, $0x0;
	s0 =	rddreg [dreg:$0x4]  }
0x151: {  	s0 =	sadd.s32 @!p0 $0x100000, s0  }
0x152: {  	[sflag:s0] =	ssyncadd.tile.s32 @!p0 $0x1;
	_ =	shalt  }
.Lfunc_end2:
_tile_overlayer_lowered:
.L_overlay_start_2:
0x153: {  	(tag) =	ssettag $0x2  }
0x154: {  	s0 =	rddreg [dreg:$0x0];
	s2 =	stileid.u32  }
0x155: {  	s1 =	rddreg [dreg:$0x1];
	p0 =	sne.s32 s2, $0x0  }
0x156: {  	s3 =	rddreg [dreg:$0x2];
	[bflag:$0x3] =	sbarrier.arrive $0xFFFF;
	s2 =	simm.s32 @!p0 $0x1C14  }
0x157: {  	[timem:s3], [sflag:s2] =	dma.local @!p0 [hbm:s0], s1  }
0x158: {  	s0 =	simm.s32 @!p0 $0x14  }
0x159: {  	_ =	swait.ge @!p0 [sflag:s0], s1  }
0x15a: {  	s1 =	ssub.s32 @!p0 $0x0, s1;
	[sflag:s0] =	ssyncset.done @!p0 $0x0  }
0x15b: {  	[sflag:s0] =	ssyncadd.s32 @!p0 s1  }
0x15c: {  	[bflag:$0x3] =	sbarrier.arrive $0xFFFF  }
0x15d: {  	_ =	shalt  }

</sc_bundles>
